<compile_context>
chip_gen: v7x
topology: tpu7x:2x2x1
jax: 0.10.2.dev20260603
libtpu: 0.0.44.dev20260713+nightly
codegen_flags: <defaults>
</compile_context>

<pallas_src>
import functools

import jax
import jax.numpy as jnp
from jax import lax
from jax.experimental import pallas as pl
from jax.experimental.pallas import tpu as pltpu
from jax.experimental.pallas import tpu_sc as plsc

N_NODES = 16000
N_EDGES = 256000
B = 16
NPG = 1000
D_FEAT = 256
D = 128

NC = 2
NS = 16
CH = 80

def _load_remap(dst_hbm, off, idx_ref, c):
    pltpu.sync_copy(dst_hbm.at[pl.ds(off, CH)], idx_ref)
    for j in range(CH // 16):
        sl = pl.ds(j * 16, 16)
        v = idx_ref[sl]
        lo = v - c * HN
        ok = jnp.logical_and(lo >= 0, lo < HN)
        idx_ref[sl] = jnp.where(ok, lo, HN + jnp.bitwise_and(v, 7))




@functools.cache
def _make_sc_deg():
    return functools.partial(
        pl.kernel,
        out_type=jax.ShapeDtypeStruct((N_NODES, D), jnp.float32),
        mesh=plsc.VectorSubcoreMesh(core_axis_name="c", subcore_axis_name="s"),
        scratch_types=[
            pltpu.VMEM((CH,), jnp.int32),
            pltpu.VMEM((CH,), jnp.int32),
            pltpu.VMEM((CH, D), jnp.float32),
            pltpu.VMEM((BR, D), jnp.float32),
            pltpu.VMEM_SHARED((ACC_R, D), jnp.float32),
            pltpu.SemaphoreType.DMA,
            pltpu.SemaphoreType.DMA,
        ],
    )(_sc_deg_body)


def _sc_deg_body(dst_hbm, ones_hbm, zeros_hbm, out_hbm,
                 idx_d, idx_d1, ones_v, bounce, acc_sh, sem0, sem1):
    c = lax.axis_index("c")
    s = lax.axis_index("s")
    base = s * EPS
    pltpu.sync_copy(ones_hbm, ones_v)
    pltpu.sync_copy(zeros_hbm, bounce)

    @pl.when(s < 8)
    def _():
        def zstep(k, carry):
            pltpu.sync_copy(bounce, acc_sh.at[pl.ds(s * 1000 + k * BR, BR)])
            return carry
        lax.fori_loop(0, 1000 // BR, zstep, 0)

    @pl.when(s == 8)
    def _():
        pltpu.sync_copy(bounce.at[pl.ds(0, ZR)], acc_sh.at[pl.ds(HN, ZR)])

    plsc.subcore_barrier()

    def step(i, carry):
        @pl.when(i > 0)
        def _():
            pltpu.make_async_copy(ones_v, acc_sh.at[idx_d], sem0).wait()
        _load_remap(dst_hbm, base + (2 * i) * CH, idx_d, c)
        pltpu.async_copy(ones_v, acc_sh.at[idx_d], sem0, add=True)

        @pl.when(i > 0)
        def _():
            pltpu.make_async_copy(ones_v, acc_sh.at[idx_d1], sem1).wait()
        _load_remap(dst_hbm, base + (2 * i + 1) * CH, idx_d1, c)
        pltpu.async_copy(ones_v, acc_sh.at[idx_d1], sem1, add=True)
        return carry

    lax.fori_loop(0, NCHUNK_E // 2, step, 0)
    pltpu.make_async_copy(ones_v, acc_sh.at[idx_d], sem0).wait()
    pltpu.make_async_copy(ones_v, acc_sh.at[idx_d1], sem1).wait()
    plsc.subcore_barrier()

    @pl.when(s < 8)
    def _():
        def dstep(k, carry):
            pltpu.sync_copy(acc_sh.at[pl.ds(s * 1000 + k * BR, BR)], bounce)
            pltpu.sync_copy(bounce,
                            out_hbm.at[pl.ds(c * HN + s * 1000 + k * BR, BR)])
            return carry
        lax.fori_loop(0, 1000 // BR, dstep, 0)


ZR = 8
BR = 200
HN = N_NODES // NC
ACC_R = HN + 8
EPS = N_EDGES // NS
NCHUNK_E = EPS // CH


@functools.cache
def _make_sc_scat():
    return functools.partial(
        pl.kernel,
        out_type=jax.ShapeDtypeStruct((N_NODES, D), jnp.float32),
        mesh=plsc.VectorSubcoreMesh(core_axis_name="c", subcore_axis_name="s"),
        scratch_types=[
            pltpu.VMEM((CH,), jnp.int32),
            pltpu.VMEM((CH,), jnp.int32),
            pltpu.VMEM((CH,), jnp.int32),
            pltpu.VMEM((CH,), jnp.int32),
            pltpu.VMEM((CH, D), jnp.float32),
            pltpu.VMEM((CH, D), jnp.float32),
            pltpu.VMEM((BR, D), jnp.float32),
            pltpu.VMEM_SHARED((ACC_R, D), jnp.float32),
            pltpu.SemaphoreType.DMA,
            pltpu.SemaphoreType.DMA,
            pltpu.SemaphoreType.DMA,
            pltpu.SemaphoreType.DMA,
        ],
    )(_sc_scat_body)


def _sc_scat_body(g_hbm, src_hbm, dst_hbm, zeros_hbm, out_hbm,
                  idx_s, idx_s1, idx_d, idx_d1, rows, rows1, bounce, acc_sh,
                  semg0, semg1, sems0, sems1):
    c = lax.axis_index("c")
    s = lax.axis_index("s")
    base = s * EPS
    pltpu.sync_copy(zeros_hbm, bounce)

    @pl.when(s < 8)
    def _():
        def zstep(k, carry):
            pltpu.sync_copy(bounce, acc_sh.at[pl.ds(s * 1000 + k * BR, BR)])
            return carry
        lax.fori_loop(0, 1000 // BR, zstep, 0)

    @pl.when(s == 8)
    def _():
        pltpu.sync_copy(bounce.at[pl.ds(0, ZR)], acc_sh.at[pl.ds(HN, ZR)])

    plsc.subcore_barrier()

    def step(i, carry):
        off0 = base + (2 * i) * CH
        off1 = base + (2 * i + 1) * CH
        @pl.when(i > 0)
        def _():
            pltpu.make_async_copy(rows, acc_sh.at[idx_d], sems0).wait()
            pltpu.make_async_copy(rows1, acc_sh.at[idx_d1], sems1).wait()
        pltpu.sync_copy(src_hbm.at[pl.ds(off0, CH)], idx_s)
        g0 = pltpu.async_copy(g_hbm.at[idx_s], rows, semg0)
        pltpu.sync_copy(src_hbm.at[pl.ds(off1, CH)], idx_s1)
        g1 = pltpu.async_copy(g_hbm.at[idx_s1], rows1, semg1)
        _load_remap(dst_hbm, off0, idx_d, c)
        _load_remap(dst_hbm, off1, idx_d1, c)
        g0.wait()
        pltpu.async_copy(rows, acc_sh.at[idx_d], sems0, add=True)
        g1.wait()
        pltpu.async_copy(rows1, acc_sh.at[idx_d1], sems1, add=True)
        return carry

    lax.fori_loop(0, NCHUNK_E // 2, step, 0)
    pltpu.make_async_copy(rows, acc_sh.at[idx_d], sems0).wait()
    pltpu.make_async_copy(rows1, acc_sh.at[idx_d1], sems1).wait()
    plsc.subcore_barrier()

    @pl.when(s < 8)
    def _():
        def dstep(k, carry):
            pltpu.sync_copy(acc_sh.at[pl.ds(s * 1000 + k * BR, BR)], bounce)
            pltpu.sync_copy(bounce,
                            out_hbm.at[pl.ds(c * HN + s * 1000 + k * BR, BR)])
            return carry
        lax.fori_loop(0, 1000 // BR, dstep, 0)


@functools.cache
def _make_sc_emb():
    return functools.partial(
        pl.kernel,
        out_type=jax.ShapeDtypeStruct((B, D), jnp.float32),
        mesh=plsc.VectorSubcoreMesh(core_axis_name="c", subcore_axis_name="s"),
        scratch_types=[
            pltpu.VMEM((B,), jnp.int32),
            pltpu.VMEM((B, D), jnp.float32),
            pltpu.SemaphoreType.DMA,
        ],
    )(_sc_emb_body)


def _sc_emb_body(emb_hbm, pid_hbm, out_hbm, pid_v, rows_v, sem):
    c = lax.axis_index("c")
    s = lax.axis_index("s")

    @pl.when(jnp.logical_and(c == 0, s == 0))
    def _():
        pltpu.sync_copy(pid_hbm, pid_v)
        pltpu.async_copy(emb_hbm.at[pid_v], rows_v, sem).wait()
        pltpu.sync_copy(rows_v, out_hbm)


def _tc_mm1_body(x_ref, w1_ref, degp_ref, g1_ref, dinv_ref):
    deg = degp_ref[...] + 1.0
    dinv = lax.rsqrt(deg)
    xw = jnp.dot(x_ref[...], w1_ref[...], preferred_element_type=jnp.float32)
    g1_ref[...] = xw * dinv
    dinv_ref[...] = dinv


def _tc_mm1(x, W1, degp):
    R = 2000
    grid = N_NODES // R
    return pl.pallas_call(
        _tc_mm1_body,
        grid=(grid,),
        in_specs=[
            pl.BlockSpec((R, D_FEAT), lambda i: (i, 0)),
            pl.BlockSpec((D_FEAT, D), lambda i: (0, 0)),
            pl.BlockSpec((R, 1), lambda i: (i, 0)),
        ],
        out_specs=[
            pl.BlockSpec((R, D), lambda i: (i, 0)),
            pl.BlockSpec((R, 1), lambda i: (i, 0)),
        ],
        out_shape=[
            jax.ShapeDtypeStruct((N_NODES, D), jnp.float32),
            jax.ShapeDtypeStruct((N_NODES, 1), jnp.float32),
        ],
    )(x, W1, degp)


def _tc_mm2_body(s1_ref, g1_ref, dinv_ref, b1_ref, w2_ref, b2_ref,
                 g2_ref, u2_ref):
    dinv = dinv_ref[...]
    agg1 = dinv * (s1_ref[...] + g1_ref[...]) + b1_ref[...]
    h1 = jnp.maximum(agg1, 0.0)
    xw2 = jnp.dot(h1, w2_ref[...], preferred_element_type=jnp.float32)
    g2 = xw2 * dinv
    g2_ref[...] = g2
    u2_ref[...] = dinv * g2 + b2_ref[...]


def _tc_mm2(s1, g1, dinv, b1, W2, b2):
    R = 2000
    grid = N_NODES // R
    return pl.pallas_call(
        _tc_mm2_body,
        grid=(grid,),
        in_specs=[
            pl.BlockSpec((R, D), lambda i: (i, 0)),
            pl.BlockSpec((R, D), lambda i: (i, 0)),
            pl.BlockSpec((R, 1), lambda i: (i, 0)),
            pl.BlockSpec((1, D), lambda i: (0, 0)),
            pl.BlockSpec((D, D), lambda i: (0, 0)),
            pl.BlockSpec((1, D), lambda i: (0, 0)),
        ],
        out_specs=[
            pl.BlockSpec((R, D), lambda i: (i, 0)),
            pl.BlockSpec((R, D), lambda i: (i, 0)),
        ],
        out_shape=[
            jax.ShapeDtypeStruct((N_NODES, D), jnp.float32),
            jax.ShapeDtypeStruct((N_NODES, D), jnp.float32),
        ],
    )(s1, g1, dinv, b1, W2, b2)


def _tc_fin_body(s2_ref, u2_ref, dinv_ref, hid_row_ref, wmlp_ref, bmlp_ref,
                 xt_ref, hid_ref, wih_t_ref, whh_t_ref, bih_ref, bhh_ref,
                 logit_ref, hnew_ref):
    i = pl.program_id(0)
    p = dinv_ref[...] * s2_ref[...] + u2_ref[...]
    ph = p + hid_row_ref[0]
    logit_ref[...] = (
        jnp.dot(ph, wmlp_ref[...], preferred_element_type=jnp.float32)
        + bmlp_ref[...]
    )

    @pl.when(i == 0)
    def _():
        x_t = xt_ref[...]
        h_t = hid_ref[...]
        gi = jnp.dot(x_t, wih_t_ref[...], preferred_element_type=jnp.float32) \
            + bih_ref[...]
        gh = jnp.dot(h_t, whh_t_ref[...], preferred_element_type=jnp.float32) \
            + bhh_ref[...]
        r = jax.nn.sigmoid(gi[:, :D] + gh[:, :D])
        z = jax.nn.sigmoid(gi[:, D:2 * D] + gh[:, D:2 * D])
        n_ = jnp.tanh(gi[:, 2 * D:] + r * gh[:, 2 * D:])
        hnew_ref[...] = (1.0 - z) * n_ + z * h_t


def _tc_fin(s2, u2, dinv, hid2d, W_mlp, bmlp2d, x_t, W_ihT, W_hhT,
            bih2d, bhh2d):
    return pl.pallas_call(
        _tc_fin_body,
        grid=(B,),
        in_specs=[
            pl.BlockSpec((NPG, D), lambda i: (i, 0)),
            pl.BlockSpec((NPG, D), lambda i: (i, 0)),
            pl.BlockSpec((NPG, 1), lambda i: (i, 0)),
            pl.BlockSpec((1, 1, D), lambda i: (i, 0, 0)),
            pl.BlockSpec((D, 1), lambda i: (0, 0)),
            pl.BlockSpec((1, 1), lambda i: (0, 0)),
            pl.BlockSpec((B, D), lambda i: (0, 0)),
            pl.BlockSpec((B, D), lambda i: (0, 0)),
            pl.BlockSpec((D, 3 * D), lambda i: (0, 0)),
            pl.BlockSpec((D, 3 * D), lambda i: (0, 0)),
            pl.BlockSpec((1, 3 * D), lambda i: (0, 0)),
            pl.BlockSpec((1, 3 * D), lambda i: (0, 0)),
        ],
        out_specs=[
            pl.BlockSpec((NPG, 1), lambda i: (i, 0)),
            pl.BlockSpec((B, D), lambda i: (0, 0)),
        ],
        out_shape=[
            jax.ShapeDtypeStruct((N_NODES, 1), jnp.float32),
            jax.ShapeDtypeStruct((B, D), jnp.float32),
        ],
    )(s2, u2, dinv, hid2d[:, None, :], W_mlp, bmlp2d, x_t, hid2d,
      W_ihT, W_hhT, bih2d, bhh2d)


def kernel(x, edge_index, hidden_state, p_node_id, encoder_outputs, mask,
           W1, b1, W2, b2, emb_table, W_attn, b_attn, v_w, W_mlp, b_mlp,
           W_ih, W_hh, b_ih, b_hh):
    src = edge_index[0].astype(jnp.int32)
    dst = edge_index[1].astype(jnp.int32)
    pid = p_node_id.astype(jnp.int32)

    ones_w = jnp.ones((CH, D), jnp.float32)
    zeros_z = jnp.zeros((BR, D), jnp.float32)

    sc_deg, sc_scat, sc_emb = _make_sc_deg(), _make_sc_scat(), _make_sc_emb()
    degc = sc_deg(dst, ones_w, zeros_z)
    degp = degc[:, 0:1]
    g1, dinv = _tc_mm1(x, W1, degp)
    s1 = sc_scat(g1, src, dst, zeros_z)
    g2, u2 = _tc_mm2(s1, g1, dinv, b1[None, :], W2, b2[None, :])
    s2 = sc_scat(g2, src, dst, zeros_z)
    x_t = sc_emb(emb_table, pid)

    hid2d = hidden_state[:, 0, :]
    logit_col, h_new = _tc_fin(
        s2, u2, dinv, hid2d, W_mlp, b_mlp[None, :], x_t,
        W_ih.T, W_hh.T, b_ih[None, :], b_hh[None, :])

    logits = logit_col.reshape(B, NPG)
    outputs = h_new[None]
    hidden_out = h_new[None]
    return logits, outputs, hidden_out

# --- scband reference (transcript-rebuilt; emitter-appended) ---
"""Pipeline reference for scband-decoder-3616362463520 (READ-ONLY COPY).

The authoritative reference and input builder live on the scoring server;
editing this copy changes nothing except your own understanding.
"""

import jax, jax.numpy as jnp
import numpy as np

N_NODES = 16000
N_EDGES = 256000
B = 16
NPG = 1000
D_FEAT = 256
D = 128
SEQ = 200
VOCAB = 1001  # p_net_num_nodes + 1


def setup_inputs(seed: int = 0) -> dict:
    key = jax.random.key(seed)
    ks = jax.random.split(key, 24)
    s = 0.05
    return {
        'x': jax.random.normal(ks[0], (N_NODES, D_FEAT), jnp.float32),
        'edge_index': jax.random.randint(ks[1], (2, N_EDGES), 0, N_NODES, dtype=jnp.int64) if jax.config.jax_enable_x64 else jax.random.randint(ks[1], (2, N_EDGES), 0, N_NODES, dtype=jnp.int32),
        'hidden_state': jax.random.normal(ks[2], (B, 1, D), jnp.float32),
        'p_node_id': jax.random.randint(ks[3], (B,), 0, VOCAB),
        'encoder_outputs': jax.random.normal(ks[4], (B, SEQ, D), jnp.float32),
        'mask': jax.random.randint(ks[5], (B, SEQ), 0, 2),
        'W1': jax.random.normal(ks[6], (D_FEAT, D), jnp.float32) * s,
        'b1': jnp.zeros((D,), jnp.float32),
        'W2': jax.random.normal(ks[7], (D, D), jnp.float32) * s,
        'b2': jnp.zeros((D,), jnp.float32),
        'emb_table': jax.random.normal(ks[8], (VOCAB, D), jnp.float32) * s,
        'W_attn': jax.random.normal(ks[9], (2 * D, D), jnp.float32) * s,
        'b_attn': jnp.zeros((D,), jnp.float32),
        'v_w': jax.random.normal(ks[10], (D, 1), jnp.float32) * s,
        'W_mlp': jax.random.normal(ks[11], (D, 1), jnp.float32) * s,
        'b_mlp': jnp.zeros((1,), jnp.float32),
        'W_ih': jax.random.normal(ks[12], (3 * D, D), jnp.float32) * s,
        'W_hh': jax.random.normal(ks[13], (3 * D, D), jnp.float32) * s,
        'b_ih': jnp.zeros((3 * D,), jnp.float32),
        'b_hh': jnp.zeros((3 * D,), jnp.float32),
    }


def _gcn_layer(h_in, W, b, src, dst, n):
    h = h_in @ W
    deg = jnp.ones((n,), h.dtype).at[dst].add(1.0)  # self-loops included
    dinv = jax.lax.rsqrt(deg)
    coef = dinv[src] * dinv[dst]
    agg = jnp.zeros_like(h).at[dst].add(h[src] * coef[:, None])
    agg = agg + h * (dinv * dinv)[:, None]  # self-loop message
    return agg + b


def _forward(x, hidden_state, encoder_outputs, W1, b1, W2, b2, emb_table,
             W_attn, b_attn, v_w, W_mlp, b_mlp, W_ih, W_hh, b_ih, b_hh,
             edge_index, p_node_id, mask):
    src, dst = edge_index[0], edge_index[1]
    # GCNConvNet: 2-layer GCN
    h1 = jax.nn.relu(_gcn_layer(x, W1, b1, src, dst, N_NODES))
    p_node_embeddings = _gcn_layer(h1, W2, b2, src, dst, N_NODES)
    p_node_embeddings = p_node_embeddings.reshape(B, NPG, D)
    p_node_embeddings = p_node_embeddings + hidden_state  # broadcast [B,1,D]
    logits = (p_node_embeddings @ W_mlp + b_mlp).reshape(B, NPG)  # Linear + Flatten

    hidden = jnp.transpose(hidden_state, (1, 0, 2))  # [1, B, D]
    p_node_emb = emb_table[p_node_id][None]  # [1, B, D]

    # Attention (computed as in reference; result unused downstream, faithful to original)
    h_rep = jnp.broadcast_to(jnp.transpose(hidden, (1, 0, 2)), (B, SEQ, D))
    energy = jnp.tanh(jnp.concatenate([h_rep, encoder_outputs], axis=2) @ W_attn + b_attn)
    attn_weights = jax.nn.softmax((energy @ v_w)[:, :, 0], axis=1)
    attn_weights = jnp.where(mask == 0, -1e10, attn_weights)  # masked_fill AFTER softmax (as in original)
    context = jnp.einsum('bs,bsd->bd', attn_weights, encoder_outputs)[:, None, :]
    context = context[None]  # [1, B, 1, D] (unused, as in original)

    # single-step GRU (PyTorch convention)
    x_t = p_node_emb[0]
    h_t = hidden[0]
    gi = x_t @ W_ih.T + b_ih
    gh = h_t @ W_hh.T + b_hh
    i_r, i_z, i_n = jnp.split(gi, 3, axis=1)
    h_r, h_z, h_n = jnp.split(gh, 3, axis=1)
    r = jax.nn.sigmoid(i_r + h_r)
    z = jax.nn.sigmoid(i_z + h_z)
    n_ = jnp.tanh(i_n + r * h_n)
    h_new = (1.0 - z) * n_ + z * h_t
    outputs = h_new[None]
    hidden_out = h_new[None]
    return logits, outputs, hidden_out


def reference(x, edge_index, hidden_state, p_node_id, encoder_outputs, mask,
              W1, b1, W2, b2, emb_table, W_attn, b_attn, v_w, W_mlp, b_mlp,
              W_ih, W_hh, b_ih, b_hh):
    return _forward(x, hidden_state, encoder_outputs, W1, b1, W2, b2, emb_table,
                    W_attn, b_attn, v_w, W_mlp, b_mlp, W_ih, W_hh, b_ih, b_hh,
                    edge_index, p_node_id, mask)

if __name__ == "__main__":
    import jax
    _d = setup_inputs()
    print(jax.jit(kernel)(*tuple(_d.values())))

</pallas_src>

<mosaic_0001>
#map = affine_map<(d0, d1) -> (0, 0)>
#map1 = affine_map<(d0, d1) -> (0)>
module attributes {stable_mosaic.version = 14 : i64} {
  func.func @_sc_emb_body(%arg0: i32, %arg1: i32, %arg2: memref<1001x128xf32, #tpu.memory_space<hbm>>, %arg3: memref<16xi32, #tpu.memory_space<hbm>>, %arg4: memref<16x128xf32, #tpu.memory_space<hbm>>, %arg5: memref<16xi32, #tpu.memory_space<vmem>>, %arg6: memref<16x128xf32, #tpu.memory_space<vmem>>, %arg7: memref<!tpu.dma_semaphore, #tpu.memory_space<semaphore_mem>>) attributes {dimension_semantics = [#tpu.dimension_semantics<core_parallel>, #tpu.dimension_semantics<subcore_parallel>], iteration_bounds = array<i64: 2, 16>, scalar_prefetch = 0 : i64, scratch_operands = 3 : i64, tpu.core_type = #tpu.core_type<sc_vector_subcore>, window_params = [{transform_indices = #map}, {transform_indices = #map1}, {transform_indices = #map}]} {
    %eq3A = arith.constant 0 : i32
    %eq3A_0 = arith.cmpi eq, %arg0, %eq3A : i32
    %eq3A_1 = arith.constant 0 : i32
    %eq3A_2 = arith.cmpi eq, %arg1, %eq3A_1 : i32
    %and3A = arith.andi %eq3A_0, %eq3A_2 : i1
    %convert_element_type3A = arith.extui %and3A : i1 to i32
    %cond3A = arith.constant 0 : i32
    %cond3A_3 = arith.cmpi ne, %convert_element_type3A, %cond3A : i32
    scf.if %cond3A_3 {
      "tpu.region"() ({
        %run_scoped3A = tpu.sem_alloc : memref<!tpu.dma_semaphore, #tpu.memory_space<semaphore_mem>>
        tpu.enqueue_dma source(%arg3 : memref<16xi32, #tpu.memory_space<hbm>>) target(%arg5 : memref<16xi32, #tpu.memory_space<vmem>>) target_semaphore(%run_scoped3A : memref<!tpu.dma_semaphore, #tpu.memory_space<semaphore_mem>>)
        tpu.wait_dma2 semaphore(%run_scoped3A : memref<!tpu.dma_semaphore, #tpu.memory_space<semaphore_mem>>) src(%arg3 : memref<16xi32, #tpu.memory_space<hbm>>) dst(%arg5 : memref<16xi32, #tpu.memory_space<vmem>>)
        tpu.yield
      }) : () -> ()
      %dma_start3A = arith.constant 0 : i32
      %dma_start3A_4 = arith.constant 0 : i32
      %dma_start3A_5 = tpu.memref_slice %arg2[%dma_start3A, %dma_start3A_4] : memref<1001x128xf32, #tpu.memory_space<hbm>> -> memref<1001x128xf32, #tpu.memory_space<hbm>>
      tpu.enqueue_indirect_dma source(%dma_start3A_5 : memref<1001x128xf32, #tpu.memory_space<hbm>>) target(%arg6 : memref<16x128xf32, #tpu.memory_space<vmem>>) offsets(%arg5 : memref<16xi32, #tpu.memory_space<vmem>>) semaphore(%arg7 : memref<!tpu.dma_semaphore, #tpu.memory_space<semaphore_mem>>)
      %dma_wait3A = arith.constant 0 : i32
      %dma_wait3A_6 = arith.constant 0 : i32
      %dma_wait3A_7 = tpu.memref_slice %arg2[%dma_wait3A, %dma_wait3A_6] : memref<1001x128xf32, #tpu.memory_space<hbm>> -> memref<1001x128xf32, #tpu.memory_space<hbm>>
      tpu.wait_indirect_dma semaphore(%arg7 : memref<!tpu.dma_semaphore, #tpu.memory_space<semaphore_mem>>) src(%dma_wait3A_7 : memref<1001x128xf32, #tpu.memory_space<hbm>>) dst(%arg6 : memref<16x128xf32, #tpu.memory_space<vmem>>)
      "tpu.region"() ({
        %run_scoped3A = tpu.sem_alloc : memref<!tpu.dma_semaphore, #tpu.memory_space<semaphore_mem>>
        tpu.enqueue_dma source(%arg6 : memref<16x128xf32, #tpu.memory_space<vmem>>) target(%arg4 : memref<16x128xf32, #tpu.memory_space<hbm>>) target_semaphore(%run_scoped3A : memref<!tpu.dma_semaphore, #tpu.memory_space<semaphore_mem>>)
        tpu.wait_dma2 semaphore(%run_scoped3A : memref<!tpu.dma_semaphore, #tpu.memory_space<semaphore_mem>>) src(%arg6 : memref<16x128xf32, #tpu.memory_space<vmem>>) dst(%arg4 : memref<16x128xf32, #tpu.memory_space<hbm>>)
        tpu.yield
      }) : () -> ()
    } else {
    }
    return
  }
}

#map = affine_map<(d0, d1) -> (0)>
#map1 = affine_map<(d0, d1) -> (0, 0)>
module attributes {stable_mosaic.version = 14 : i64} {
  func.func @_sc_deg_body(%arg0: i32, %arg1: i32, %arg2: memref<256000xi32, #tpu.memory_space<hbm>>, %arg3: memref<80x128xf32, #tpu.memory_space<hbm>>, %arg4: memref<200x128xf32, #tpu.memory_space<hbm>>, %arg5: memref<16000x128xf32, #tpu.memory_space<hbm>>, %arg6: memref<80xi32, #tpu.memory_space<vmem>>, %arg7: memref<80xi32, #tpu.memory_space<vmem>>, %arg8: memref<80x128xf32, #tpu.memory_space<vmem>>, %arg9: memref<200x128xf32, #tpu.memory_space<vmem>>, %arg10: memref<8008x128xf32, #tpu.memory_space<vmem_shared>>, %arg11: memref<!tpu.dma_semaphore, #tpu.memory_space<semaphore_mem>>, %arg12: memref<!tpu.dma_semaphore, #tpu.memory_space<semaphore_mem>>) attributes {dimension_semantics = [#tpu.dimension_semantics<core_parallel>, #tpu.dimension_semantics<subcore_parallel>], iteration_bounds = array<i64: 2, 16>, scalar_prefetch = 0 : i64, scratch_operands = 7 : i64, tpu.core_type = #tpu.core_type<sc_vector_subcore>, window_params = [{transform_indices = #map}, {transform_indices = #map1}, {transform_indices = #map1}, {transform_indices = #map1}]} {
    %mul3A = arith.constant 16000 : i32
    %mul3A_0 = arith.muli %arg1, %mul3A : i32
    "tpu.region"() ({
      %run_scoped3A = tpu.sem_alloc : memref<!tpu.dma_semaphore, #tpu.memory_space<semaphore_mem>>
      tpu.enqueue_dma source(%arg3 : memref<80x128xf32, #tpu.memory_space<hbm>>) target(%arg8 : memref<80x128xf32, #tpu.memory_space<vmem>>) target_semaphore(%run_scoped3A : memref<!tpu.dma_semaphore, #tpu.memory_space<semaphore_mem>>)
      tpu.wait_dma2 semaphore(%run_scoped3A : memref<!tpu.dma_semaphore, #tpu.memory_space<semaphore_mem>>) src(%arg3 : memref<80x128xf32, #tpu.memory_space<hbm>>) dst(%arg8 : memref<80x128xf32, #tpu.memory_space<vmem>>)
      tpu.yield
    }) : () -> ()
    "tpu.region"() ({
      %run_scoped3A = tpu.sem_alloc : memref<!tpu.dma_semaphore, #tpu.memory_space<semaphore_mem>>
      tpu.enqueue_dma source(%arg4 : memref<200x128xf32, #tpu.memory_space<hbm>>) target(%arg9 : memref<200x128xf32, #tpu.memory_space<vmem>>) target_semaphore(%run_scoped3A : memref<!tpu.dma_semaphore, #tpu.memory_space<semaphore_mem>>)
      tpu.wait_dma2 semaphore(%run_scoped3A : memref<!tpu.dma_semaphore, #tpu.memory_space<semaphore_mem>>) src(%arg4 : memref<200x128xf32, #tpu.memory_space<hbm>>) dst(%arg9 : memref<200x128xf32, #tpu.memory_space<vmem>>)
      tpu.yield
    }) : () -> ()
    %lt3A = arith.constant 8 : i32
    %lt3A_1 = arith.cmpi slt, %arg1, %lt3A : i32
    %convert_element_type3A = arith.extui %lt3A_1 : i1 to i32
    %cond3A = arith.constant 0 : i32
    %cond3A_2 = arith.cmpi ne, %convert_element_type3A, %cond3A : i32
    scf.if %cond3A_2 {
      %scan3A_23 = arith.constant 0 : i32
      %scan3A_24 = arith.constant 0 : i32
      %scan3A_25 = arith.constant 5 : i32
      %scan3A_26 = arith.addi %scan3A_24, %scan3A_25 : i32
      %scan3A_27 = arith.constant 1 : i32
      scf.for %scan3A_29 = %scan3A_24 to %scan3A_26 step %scan3A_27  : i32 {
        %mul3A_30 = arith.constant 1000 : i32
        %mul3A_31 = arith.muli %arg1, %mul3A_30 : i32
        %mul3A_32 = arith.constant 200 : i32
        %mul3A_33 = arith.muli %scan3A_29, %mul3A_32 : i32
        %add3A = arith.addi %mul3A_31, %mul3A_33 : i32
        "tpu.region"() ({
          %run_scoped3A = tpu.sem_alloc : memref<!tpu.dma_semaphore, #tpu.memory_space<semaphore_mem>>
          %dma_start3A = arith.constant 0 : i32
          %dma_start3A_34 = tpu.memref_slice %arg10[%add3A, %dma_start3A] : memref<8008x128xf32, #tpu.memory_space<vmem_shared>> -> memref<200x128xf32, #tpu.memory_space<vmem_shared>>
          %dma_start3A_35 = arith.constant 0 : i32
          %dma_start3A_36 = tpu.memref_slice %arg10[%add3A, %dma_start3A_35] : memref<8008x128xf32, #tpu.memory_space<vmem_shared>> -> memref<200x128xf32, #tpu.memory_space<vmem_shared>>
          tpu.enqueue_dma source(%arg9 : memref<200x128xf32, #tpu.memory_space<vmem>>) target(%dma_start3A_36 : memref<200x128xf32, #tpu.memory_space<vmem_shared>>) target_semaphore(%run_scoped3A : memref<!tpu.dma_semaphore, #tpu.memory_space<semaphore_mem>>)
          %dma_wait3A_37 = arith.constant 0 : i32
          %dma_wait3A_38 = tpu.memref_slice %arg10[%add3A, %dma_wait3A_37] : memref<8008x128xf32, #tpu.memory_space<vmem_shared>> -> memref<200x128xf32, #tpu.memory_space<vmem_shared>>
          %dma_wait3A_39 = arith.constant 0 : i32
          %dma_wait3A_40 = tpu.memref_slice %arg10[%add3A, %dma_wait3A_39] : memref<8008x128xf32, #tpu.memory_space<vmem_shared>> -> memref<200x128xf32, #tpu.memory_space<vmem_shared>>
          tpu.wait_dma2 semaphore(%run_scoped3A : memref<!tpu.dma_semaphore, #tpu.memory_space<semaphore_mem>>) src(%arg9 : memref<200x128xf32, #tpu.memory_space<vmem>>) dst(%dma_wait3A_40 : memref<200x128xf32, #tpu.memory_space<vmem_shared>>)
          tpu.yield
        }) : () -> ()
      }
      %scan3A_28 = arith.constant 5 : i32
    } else {
    }
    %eq3A = arith.constant 8 : i32
    %eq3A_3 = arith.cmpi eq, %arg1, %eq3A : i32
    %convert_element_type3A_4 = arith.extui %eq3A_3 : i1 to i32
    %cond3A_5 = arith.constant 0 : i32
    %cond3A_6 = arith.cmpi ne, %convert_element_type3A_4, %cond3A_5 : i32
    scf.if %cond3A_6 {
      "tpu.region"() ({
        %run_scoped3A = tpu.sem_alloc : memref<!tpu.dma_semaphore, #tpu.memory_space<semaphore_mem>>
        %dma_start3A = arith.constant 0 : i32
        %dma_start3A_23 = arith.constant 0 : i32
        %dma_start3A_24 = tpu.memref_slice %arg9[%dma_start3A, %dma_start3A_23] : memref<200x128xf32, #tpu.memory_space<vmem>> -> memref<8x128xf32, #tpu.memory_space<vmem>>
        %dma_start3A_25 = arith.constant 8000 : i32
        %dma_start3A_26 = arith.constant 0 : i32
        %dma_start3A_27 = tpu.memref_slice %arg10[%dma_start3A_25, %dma_start3A_26] : memref<8008x128xf32, #tpu.memory_space<vmem_shared>> -> memref<8x128xf32, #tpu.memory_space<vmem_shared>>
        %dma_start3A_28 = arith.constant 8000 : i32
        %dma_start3A_29 = arith.constant 0 : i32
        %dma_start3A_30 = tpu.memref_slice %arg10[%dma_start3A_28, %dma_start3A_29] : memref<8008x128xf32, #tpu.memory_space<vmem_shared>> -> memref<8x128xf32, #tpu.memory_space<vmem_shared>>
        %dma_start3A_31 = arith.constant 0 : i32
        %dma_start3A_32 = arith.constant 0 : i32
        %dma_start3A_33 = tpu.memref_slice %arg9[%dma_start3A_31, %dma_start3A_32] : memref<200x128xf32, #tpu.memory_space<vmem>> -> memref<8x128xf32, #tpu.memory_space<vmem>>
        tpu.enqueue_dma source(%dma_start3A_33 : memref<8x128xf32, #tpu.memory_space<vmem>>) target(%dma_start3A_30 : memref<8x128xf32, #tpu.memory_space<vmem_shared>>) target_semaphore(%run_scoped3A : memref<!tpu.dma_semaphore, #tpu.memory_space<semaphore_mem>>)
        %dma_wait3A_34 = arith.constant 0 : i32
        %dma_wait3A_35 = arith.constant 0 : i32
        %dma_wait3A_36 = tpu.memref_slice %arg9[%dma_wait3A_34, %dma_wait3A_35] : memref<200x128xf32, #tpu.memory_space<vmem>> -> memref<8x128xf32, #tpu.memory_space<vmem>>
        %dma_wait3A_37 = arith.constant 8000 : i32
        %dma_wait3A_38 = arith.constant 0 : i32
        %dma_wait3A_39 = tpu.memref_slice %arg10[%dma_wait3A_37, %dma_wait3A_38] : memref<8008x128xf32, #tpu.memory_space<vmem_shared>> -> memref<8x128xf32, #tpu.memory_space<vmem_shared>>
        %dma_wait3A_40 = arith.constant 8000 : i32
        %dma_wait3A_41 = arith.constant 0 : i32
        %dma_wait3A_42 = tpu.memref_slice %arg10[%dma_wait3A_40, %dma_wait3A_41] : memref<8008x128xf32, #tpu.memory_space<vmem_shared>> -> memref<8x128xf32, #tpu.memory_space<vmem_shared>>
        %dma_wait3A_43 = arith.constant 0 : i32
        %dma_wait3A_44 = arith.constant 0 : i32
        %dma_wait3A_45 = tpu.memref_slice %arg9[%dma_wait3A_43, %dma_wait3A_44] : memref<200x128xf32, #tpu.memory_space<vmem>> -> memref<8x128xf32, #tpu.memory_space<vmem>>
        tpu.wait_dma2 semaphore(%run_scoped3A : memref<!tpu.dma_semaphore, #tpu.memory_space<semaphore_mem>>) src(%dma_wait3A_45 : memref<8x128xf32, #tpu.memory_space<vmem>>) dst(%dma_wait3A_42 : memref<8x128xf32, #tpu.memory_space<vmem_shared>>)
        tpu.yield
      }) : () -> ()
    } else {
    }
    %barrier3A = arith.constant 0 : index
    tpu.barrier barrier_id(%barrier3A)
    %scan3A = arith.constant 0 : i32
    %scan3A_7 = arith.constant 0 : i32
    %scan3A_8 = arith.constant 100 : i32
    %scan3A_9 = arith.addi %scan3A_7, %scan3A_8 : i32
    %scan3A_10 = arith.constant 1 : i32
    scf.for %scan3A_23 = %scan3A_7 to %scan3A_9 step %scan3A_10  : i32 {
      %gt3A = arith.constant 0 : i32
      %gt3A_24 = arith.cmpi sgt, %scan3A_23, %gt3A : i32
      %convert_element_type3A_25 = arith.extui %gt3A_24 : i1 to i32
      %cond3A_26 = arith.constant 0 : i32
      %cond3A_27 = arith.cmpi ne, %convert_element_type3A_25, %cond3A_26 : i32
      scf.if %cond3A_27 {
        %dma_wait3A_293 = arith.constant 0 : i32
        %dma_wait3A_294 = arith.constant 0 : i32
        %dma_wait3A_295 = tpu.memref_slice %arg10[%dma_wait3A_293, %dma_wait3A_294] : memref<8008x128xf32, #tpu.memory_space<vmem_shared>> -> memref<8008x128xf32, #tpu.memory_space<vmem_shared>>
        tpu.wait_indirect_dma semaphore(%arg11 : memref<!tpu.dma_semaphore, #tpu.memory_space<semaphore_mem>>) src(%arg8 : memref<80x128xf32, #tpu.memory_space<vmem>>) dst(%dma_wait3A_295 : memref<8008x128xf32, #tpu.memory_space<vmem_shared>>)
      } else {
      }
      %mul3A_28 = arith.constant 2 : i32
      %mul3A_29 = arith.muli %mul3A_28, %scan3A_23 : i32
      %mul3A_30 = arith.constant 80 : i32
      %mul3A_31 = arith.muli %mul3A_29, %mul3A_30 : i32
      %add3A = arith.addi %mul3A_0, %mul3A_31 : i32
      "tpu.region"() ({
        %run_scoped3A = tpu.sem_alloc : memref<!tpu.dma_semaphore, #tpu.memory_space<semaphore_mem>>
        %dma_start3A_293 = tpu.memref_slice %arg2[%add3A] : memref<256000xi32, #tpu.memory_space<hbm>> -> memref<80xi32, #tpu.memory_space<hbm>>
        %dma_start3A_294 = tpu.memref_slice %arg2[%add3A] : memref<256000xi32, #tpu.memory_space<hbm>> -> memref<80xi32, #tpu.memory_space<hbm>>
        tpu.enqueue_dma source(%dma_start3A_294 : memref<80xi32, #tpu.memory_space<hbm>>) target(%arg6 : memref<80xi32, #tpu.memory_space<vmem>>) target_semaphore(%run_scoped3A : memref<!tpu.dma_semaphore, #tpu.memory_space<semaphore_mem>>)
        %dma_wait3A_295 = tpu.memref_slice %arg2[%add3A] : memref<256000xi32, #tpu.memory_space<hbm>> -> memref<80xi32, #tpu.memory_space<hbm>>
        %dma_wait3A_296 = tpu.memref_slice %arg2[%add3A] : memref<256000xi32, #tpu.memory_space<hbm>> -> memref<80xi32, #tpu.memory_space<hbm>>
        tpu.wait_dma2 semaphore(%run_scoped3A : memref<!tpu.dma_semaphore, #tpu.memory_space<semaphore_mem>>) src(%dma_wait3A_296 : memref<80xi32, #tpu.memory_space<hbm>>) dst(%arg6 : memref<80xi32, #tpu.memory_space<vmem>>)
        tpu.yield
      }) : () -> ()
      %get3A = arith.constant 0 : index
      %get3A_32 = tpu.vector_load %arg6[%get3A] {strides = array<i32>} : memref<80xi32, #tpu.memory_space<vmem>>, vector<16xi32>,
      %get3A_33 = vector.shape_cast %get3A_32 : vector<16xi32> to vector<16xi32>
      %mul3A_34 = arith.constant 8000 : i32
      %mul3A_35 = arith.muli %arg0, %mul3A_34 : i32
      %sub3A = vector.broadcast %mul3A_35 : i32 to vector<16xi32>
      %sub3A_36 = arith.subi %get3A_33, %sub3A : vector<16xi32>
      %ge3A = arith.constant 0 : i32
      %ge3A_37 = vector.broadcast %ge3A : i32 to vector<16xi32>
      %ge3A_38 = arith.cmpi sge, %sub3A_36, %ge3A_37 : vector<16xi32>
      %lt3A_39 = arith.constant 8000 : i32
      %lt3A_40 = vector.broadcast %lt3A_39 : i32 to vector<16xi32>
      %lt3A_41 = arith.cmpi slt, %sub3A_36, %lt3A_40 : vector<16xi32>
      %and3A = arith.andi %ge3A_38, %lt3A_41 : vector<16xi1>
      %and3A_42 = arith.constant 7 : i32
      %and3A_43 = vector.broadcast %and3A_42 : i32 to vector<16xi32>
      %and3A_44 = arith.andi %get3A_33, %and3A_43 : vector<16xi32>
      %add3A_45 = arith.constant 8000 : i32
      %add3A_46 = vector.broadcast %add3A_45 : i32 to vector<16xi32>
      %add3A_47 = arith.addi %add3A_46, %and3A_44 : vector<16xi32>
      %select_n3A = arith.select %and3A, %sub3A_36, %add3A_47 : vector<16xi1>, vector<16xi32>
      %swap3A = arith.constant 0 : index
      %swap3A_48 = tpu.vector_load %arg6[%swap3A] {strides = array<i32>} : memref<80xi32, #tpu.memory_space<vmem>>, vector<16xi32>,
      %swap3A_49 = vector.shape_cast %swap3A_48 : vector<16xi32> to vector<16xi32>
      %swap3A_50 = vector.shape_cast %select_n3A : vector<16xi32> to vector<16xi32>
      tpu.vector_store %arg6[%swap3A], %swap3A_50 {strides = array<i32>} : memref<80xi32, #tpu.memory_space<vmem>>, vector<16xi32>,
      %get3A_51 = arith.constant 16 : index
      %get3A_52 = tpu.vector_load %arg6[%get3A_51] {strides = array<i32>} : memref<80xi32, #tpu.memory_space<vmem>>, vector<16xi32>,
      %get3A_53 = vector.shape_cast %get3A_52 : vector<16xi32> to vector<16xi32>
      %mul3A_54 = arith.constant 8000 : i32
      %mul3A_55 = arith.muli %arg0, %mul3A_54 : i32
      %sub3A_56 = vector.broadcast %mul3A_55 : i32 to vector<16xi32>
      %sub3A_57 = arith.subi %get3A_53, %sub3A_56 : vector<16xi32>
      %ge3A_58 = arith.constant 0 : i32
      %ge3A_59 = vector.broadcast %ge3A_58 : i32 to vector<16xi32>
      %ge3A_60 = arith.cmpi sge, %sub3A_57, %ge3A_59 : vector<16xi32>
      %lt3A_61 = arith.constant 8000 : i32
      %lt3A_62 = vector.broadcast %lt3A_61 : i32 to vector<16xi32>
      %lt3A_63 = arith.cmpi slt, %sub3A_57, %lt3A_62 : vector<16xi32>
      %and3A_64 = arith.andi %ge3A_60, %lt3A_63 : vector<16xi1>
      %and3A_65 = arith.constant 7 : i32
      %and3A_66 = vector.broadcast %and3A_65 : i32 to vector<16xi32>
      %and3A_67 = arith.andi %get3A_53, %and3A_66 : vector<16xi32>
      %add3A_68 = arith.constant 8000 : i32
      %add3A_69 = vector.broadcast %add3A_68 : i32 to vector<16xi32>
      %add3A_70 = arith.addi %add3A_69, %and3A_67 : vector<16xi32>
      %select_n3A_71 = arith.select %and3A_64, %sub3A_57, %add3A_70 : vector<16xi1>, vector<16xi32>
      %swap3A_72 = arith.constant 16 : index
      %swap3A_73 = tpu.vector_load %arg6[%swap3A_72] {strides = array<i32>} : memref<80xi32, #tpu.memory_space<vmem>>, vector<16xi32>,
      %swap3A_74 = vector.shape_cast %swap3A_73 : vector<16xi32> to vector<16xi32>
      %swap3A_75 = vector.shape_cast %select_n3A_71 : vector<16xi32> to vector<16xi32>
      tpu.vector_store %arg6[%swap3A_72], %swap3A_75 {strides = array<i32>} : memref<80xi32, #tpu.memory_space<vmem>>, vector<16xi32>,
      %get3A_76 = arith.constant 32 : index
      %get3A_77 = tpu.vector_load %arg6[%get3A_76] {strides = array<i32>} : memref<80xi32, #tpu.memory_space<vmem>>, vector<16xi32>,
      %get3A_78 = vector.shape_cast %get3A_77 : vector<16xi32> to vector<16xi32>
      %mul3A_79 = arith.constant 8000 : i32
      %mul3A_80 = arith.muli %arg0, %mul3A_79 : i32
      %sub3A_81 = vector.broadcast %mul3A_80 : i32 to vector<16xi32>
      %sub3A_82 = arith.subi %get3A_78, %sub3A_81 : vector<16xi32>
      %ge3A_83 = arith.constant 0 : i32
      %ge3A_84 = vector.broadcast %ge3A_83 : i32 to vector<16xi32>
      %ge3A_85 = arith.cmpi sge, %sub3A_82, %ge3A_84 : vector<16xi32>
      %lt3A_86 = arith.constant 8000 : i32
      %lt3A_87 = vector.broadcast %lt3A_86 : i32 to vector<16xi32>
      %lt3A_88 = arith.cmpi slt, %sub3A_82, %lt3A_87 : vector<16xi32>
      %and3A_89 = arith.andi %ge3A_85, %lt3A_88 : vector<16xi1>
      %and3A_90 = arith.constant 7 : i32
      %and3A_91 = vector.broadcast %and3A_90 : i32 to vector<16xi32>
      %and3A_92 = arith.andi %get3A_78, %and3A_91 : vector<16xi32>
      %add3A_93 = arith.constant 8000 : i32
      %add3A_94 = vector.broadcast %add3A_93 : i32 to vector<16xi32>
      %add3A_95 = arith.addi %add3A_94, %and3A_92 : vector<16xi32>
      %select_n3A_96 = arith.select %and3A_89, %sub3A_82, %add3A_95 : vector<16xi1>, vector<16xi32>
      %swap3A_97 = arith.constant 32 : index
      %swap3A_98 = tpu.vector_load %arg6[%swap3A_97] {strides = array<i32>} : memref<80xi32, #tpu.memory_space<vmem>>, vector<16xi32>,
      %swap3A_99 = vector.shape_cast %swap3A_98 : vector<16xi32> to vector<16xi32>
      %swap3A_100 = vector.shape_cast %select_n3A_96 : vector<16xi32> to vector<16xi32>
      tpu.vector_store %arg6[%swap3A_97], %swap3A_100 {strides = array<i32>} : memref<80xi32, #tpu.memory_space<vmem>>, vector<16xi32>,
      %get3A_101 = arith.constant 48 : index
      %get3A_102 = tpu.vector_load %arg6[%get3A_101] {strides = array<i32>} : memref<80xi32, #tpu.memory_space<vmem>>, vector<16xi32>,
      %get3A_103 = vector.shape_cast %get3A_102 : vector<16xi32> to vector<16xi32>
      %mul3A_104 = arith.constant 8000 : i32
      %mul3A_105 = arith.muli %arg0, %mul3A_104 : i32
      %sub3A_106 = vector.broadcast %mul3A_105 : i32 to vector<16xi32>
      %sub3A_107 = arith.subi %get3A_103, %sub3A_106 : vector<16xi32>
      %ge3A_108 = arith.constant 0 : i32
      %ge3A_109 = vector.broadcast %ge3A_108 : i32 to vector<16xi32>
      %ge3A_110 = arith.cmpi sge, %sub3A_107, %ge3A_109 : vector<16xi32>
      %lt3A_111 = arith.constant 8000 : i32
      %lt3A_112 = vector.broadcast %lt3A_111 : i32 to vector<16xi32>
      %lt3A_113 = arith.cmpi slt, %sub3A_107, %lt3A_112 : vector<16xi32>
      %and3A_114 = arith.andi %ge3A_110, %lt3A_113 : vector<16xi1>
      %and3A_115 = arith.constant 7 : i32
      %and3A_116 = vector.broadcast %and3A_115 : i32 to vector<16xi32>
      %and3A_117 = arith.andi %get3A_103, %and3A_116 : vector<16xi32>
      %add3A_118 = arith.constant 8000 : i32
      %add3A_119 = vector.broadcast %add3A_118 : i32 to vector<16xi32>
      %add3A_120 = arith.addi %add3A_119, %and3A_117 : vector<16xi32>
      %select_n3A_121 = arith.select %and3A_114, %sub3A_107, %add3A_120 : vector<16xi1>, vector<16xi32>
      %swap3A_122 = arith.constant 48 : index
      %swap3A_123 = tpu.vector_load %arg6[%swap3A_122] {strides = array<i32>} : memref<80xi32, #tpu.memory_space<vmem>>, vector<16xi32>,
      %swap3A_124 = vector.shape_cast %swap3A_123 : vector<16xi32> to vector<16xi32>
      %swap3A_125 = vector.shape_cast %select_n3A_121 : vector<16xi32> to vector<16xi32>
      tpu.vector_store %arg6[%swap3A_122], %swap3A_125 {strides = array<i32>} : memref<80xi32, #tpu.memory_space<vmem>>, vector<16xi32>,
      %get3A_126 = arith.constant 64 : index
      %get3A_127 = tpu.vector_load %arg6[%get3A_126] {strides = array<i32>} : memref<80xi32, #tpu.memory_space<vmem>>, vector<16xi32>,
      %get3A_128 = vector.shape_cast %get3A_127 : vector<16xi32> to vector<16xi32>
      %mul3A_129 = arith.constant 8000 : i32
      %mul3A_130 = arith.muli %arg0, %mul3A_129 : i32
      %sub3A_131 = vector.broadcast %mul3A_130 : i32 to vector<16xi32>
      %sub3A_132 = arith.subi %get3A_128, %sub3A_131 : vector<16xi32>
      %ge3A_133 = arith.constant 0 : i32
      %ge3A_134 = vector.broadcast %ge3A_133 : i32 to vector<16xi32>
      %ge3A_135 = arith.cmpi sge, %sub3A_132, %ge3A_134 : vector<16xi32>
      %lt3A_136 = arith.constant 8000 : i32
      %lt3A_137 = vector.broadcast %lt3A_136 : i32 to vector<16xi32>
      %lt3A_138 = arith.cmpi slt, %sub3A_132, %lt3A_137 : vector<16xi32>
      %and3A_139 = arith.andi %ge3A_135, %lt3A_138 : vector<16xi1>
      %and3A_140 = arith.constant 7 : i32
      %and3A_141 = vector.broadcast %and3A_140 : i32 to vector<16xi32>
      %and3A_142 = arith.andi %get3A_128, %and3A_141 : vector<16xi32>
      %add3A_143 = arith.constant 8000 : i32
      %add3A_144 = vector.broadcast %add3A_143 : i32 to vector<16xi32>
      %add3A_145 = arith.addi %add3A_144, %and3A_142 : vector<16xi32>
      %select_n3A_146 = arith.select %and3A_139, %sub3A_132, %add3A_145 : vector<16xi1>, vector<16xi32>
      %swap3A_147 = arith.constant 64 : index
      %swap3A_148 = tpu.vector_load %arg6[%swap3A_147] {strides = array<i32>} : memref<80xi32, #tpu.memory_space<vmem>>, vector<16xi32>,
      %swap3A_149 = vector.shape_cast %swap3A_148 : vector<16xi32> to vector<16xi32>
      %swap3A_150 = vector.shape_cast %select_n3A_146 : vector<16xi32> to vector<16xi32>
      tpu.vector_store %arg6[%swap3A_147], %swap3A_150 {strides = array<i32>} : memref<80xi32, #tpu.memory_space<vmem>>, vector<16xi32>,
      %dma_start3A = arith.constant 0 : i32
      %dma_start3A_151 = arith.constant 0 : i32
      %dma_start3A_152 = tpu.memref_slice %arg10[%dma_start3A, %dma_start3A_151] : memref<8008x128xf32, #tpu.memory_space<vmem_shared>> -> memref<8008x128xf32, #tpu.memory_space<vmem_shared>>
      tpu.enqueue_indirect_dma source(%arg8 : memref<80x128xf32, #tpu.memory_space<vmem>>) target(%dma_start3A_152 : memref<8008x128xf32, #tpu.memory_space<vmem_shared>>) offsets(%arg6 : memref<80xi32, #tpu.memory_space<vmem>>) semaphore(%arg11 : memref<!tpu.dma_semaphore, #tpu.memory_space<semaphore_mem>>) {add = true}
      %gt3A_153 = arith.constant 0 : i32
      %gt3A_154 = arith.cmpi sgt, %scan3A_23, %gt3A_153 : i32
      %convert_element_type3A_155 = arith.extui %gt3A_154 : i1 to i32
      %cond3A_156 = arith.constant 0 : i32
      %cond3A_157 = arith.cmpi ne, %convert_element_type3A_155, %cond3A_156 : i32
      scf.if %cond3A_157 {
        %dma_wait3A_293 = arith.constant 0 : i32
        %dma_wait3A_294 = arith.constant 0 : i32
        %dma_wait3A_295 = tpu.memref_slice %arg10[%dma_wait3A_293, %dma_wait3A_294] : memref<8008x128xf32, #tpu.memory_space<vmem_shared>> -> memref<8008x128xf32, #tpu.memory_space<vmem_shared>>
        tpu.wait_indirect_dma semaphore(%arg12 : memref<!tpu.dma_semaphore, #tpu.memory_space<semaphore_mem>>) src(%arg8 : memref<80x128xf32, #tpu.memory_space<vmem>>) dst(%dma_wait3A_295 : memref<8008x128xf32, #tpu.memory_space<vmem_shared>>)
      } else {
      }
      %mul3A_158 = arith.constant 2 : i32
      %mul3A_159 = arith.muli %mul3A_158, %scan3A_23 : i32
      %add3A_160 = arith.constant 1 : i32
      %add3A_161 = arith.addi %mul3A_159, %add3A_160 : i32
      %mul3A_162 = arith.constant 80 : i32
      %mul3A_163 = arith.muli %add3A_161, %mul3A_162 : i32
      %add3A_164 = arith.addi %mul3A_0, %mul3A_163 : i32
      "tpu.region"() ({
        %run_scoped3A = tpu.sem_alloc : memref<!tpu.dma_semaphore, #tpu.memory_space<semaphore_mem>>
        %dma_start3A_293 = tpu.memref_slice %arg2[%add3A_164] : memref<256000xi32, #tpu.memory_space<hbm>> -> memref<80xi32, #tpu.memory_space<hbm>>
        %dma_start3A_294 = tpu.memref_slice %arg2[%add3A_164] : memref<256000xi32, #tpu.memory_space<hbm>> -> memref<80xi32, #tpu.memory_space<hbm>>
        tpu.enqueue_dma source(%dma_start3A_294 : memref<80xi32, #tpu.memory_space<hbm>>) target(%arg7 : memref<80xi32, #tpu.memory_space<vmem>>) target_semaphore(%run_scoped3A : memref<!tpu.dma_semaphore, #tpu.memory_space<semaphore_mem>>)
        %dma_wait3A_295 = tpu.memref_slice %arg2[%add3A_164] : memref<256000xi32, #tpu.memory_space<hbm>> -> memref<80xi32, #tpu.memory_space<hbm>>
        %dma_wait3A_296 = tpu.memref_slice %arg2[%add3A_164] : memref<256000xi32, #tpu.memory_space<hbm>> -> memref<80xi32, #tpu.memory_space<hbm>>
        tpu.wait_dma2 semaphore(%run_scoped3A : memref<!tpu.dma_semaphore, #tpu.memory_space<semaphore_mem>>) src(%dma_wait3A_296 : memref<80xi32, #tpu.memory_space<hbm>>) dst(%arg7 : memref<80xi32, #tpu.memory_space<vmem>>)
        tpu.yield
      }) : () -> ()
      %get3A_165 = arith.constant 0 : index
      %get3A_166 = tpu.vector_load %arg7[%get3A_165] {strides = array<i32>} : memref<80xi32, #tpu.memory_space<vmem>>, vector<16xi32>,
      %get3A_167 = vector.shape_cast %get3A_166 : vector<16xi32> to vector<16xi32>
      %mul3A_168 = arith.constant 8000 : i32
      %mul3A_169 = arith.muli %arg0, %mul3A_168 : i32
      %sub3A_170 = vector.broadcast %mul3A_169 : i32 to vector<16xi32>
      %sub3A_171 = arith.subi %get3A_167, %sub3A_170 : vector<16xi32>
      %ge3A_172 = arith.constant 0 : i32
      %ge3A_173 = vector.broadcast %ge3A_172 : i32 to vector<16xi32>
      %ge3A_174 = arith.cmpi sge, %sub3A_171, %ge3A_173 : vector<16xi32>
      %lt3A_175 = arith.constant 8000 : i32
      %lt3A_176 = vector.broadcast %lt3A_175 : i32 to vector<16xi32>
      %lt3A_177 = arith.cmpi slt, %sub3A_171, %lt3A_176 : vector<16xi32>
      %and3A_178 = arith.andi %ge3A_174, %lt3A_177 : vector<16xi1>
      %and3A_179 = arith.constant 7 : i32
      %and3A_180 = vector.broadcast %and3A_179 : i32 to vector<16xi32>
      %and3A_181 = arith.andi %get3A_167, %and3A_180 : vector<16xi32>
      %add3A_182 = arith.constant 8000 : i32
      %add3A_183 = vector.broadcast %add3A_182 : i32 to vector<16xi32>
      %add3A_184 = arith.addi %add3A_183, %and3A_181 : vector<16xi32>
      %select_n3A_185 = arith.select %and3A_178, %sub3A_171, %add3A_184 : vector<16xi1>, vector<16xi32>
      %swap3A_186 = arith.constant 0 : index
      %swap3A_187 = tpu.vector_load %arg7[%swap3A_186] {strides = array<i32>} : memref<80xi32, #tpu.memory_space<vmem>>, vector<16xi32>,
      %swap3A_188 = vector.shape_cast %swap3A_187 : vector<16xi32> to vector<16xi32>
      %swap3A_189 = vector.shape_cast %select_n3A_185 : vector<16xi32> to vector<16xi32>
      tpu.vector_store %arg7[%swap3A_186], %swap3A_189 {strides = array<i32>} : memref<80xi32, #tpu.memory_space<vmem>>, vector<16xi32>,
      %get3A_190 = arith.constant 16 : index
      %get3A_191 = tpu.vector_load %arg7[%get3A_190] {strides = array<i32>} : memref<80xi32, #tpu.memory_space<vmem>>, vector<16xi32>,
      %get3A_192 = vector.shape_cast %get3A_191 : vector<16xi32> to vector<16xi32>
      %mul3A_193 = arith.constant 8000 : i32
      %mul3A_194 = arith.muli %arg0, %mul3A_193 : i32
      %sub3A_195 = vector.broadcast %mul3A_194 : i32 to vector<16xi32>
      %sub3A_196 = arith.subi %get3A_192, %sub3A_195 : vector<16xi32>
      %ge3A_197 = arith.constant 0 : i32
      %ge3A_198 = vector.broadcast %ge3A_197 : i32 to vector<16xi32>
      %ge3A_199 = arith.cmpi sge, %sub3A_196, %ge3A_198 : vector<16xi32>
      %lt3A_200 = arith.constant 8000 : i32
      %lt3A_201 = vector.broadcast %lt3A_200 : i32 to vector<16xi32>
      %lt3A_202 = arith.cmpi slt, %sub3A_196, %lt3A_201 : vector<16xi32>
      %and3A_203 = arith.andi %ge3A_199, %lt3A_202 : vector<16xi1>
      %and3A_204 = arith.constant 7 : i32
      %and3A_205 = vector.broadcast %and3A_204 : i32 to vector<16xi32>
      %and3A_206 = arith.andi %get3A_192, %and3A_205 : vector<16xi32>
      %add3A_207 = arith.constant 8000 : i32
      %add3A_208 = vector.broadcast %add3A_207 : i32 to vector<16xi32>
      %add3A_209 = arith.addi %add3A_208, %and3A_206 : vector<16xi32>
      %select_n3A_210 = arith.select %and3A_203, %sub3A_196, %add3A_209 : vector<16xi1>, vector<16xi32>
      %swap3A_211 = arith.constant 16 : index
      %swap3A_212 = tpu.vector_load %arg7[%swap3A_211] {strides = array<i32>} : memref<80xi32, #tpu.memory_space<vmem>>, vector<16xi32>,
      %swap3A_213 = vector.shape_cast %swap3A_212 : vector<16xi32> to vector<16xi32>
      %swap3A_214 = vector.shape_cast %select_n3A_210 : vector<16xi32> to vector<16xi32>
      tpu.vector_store %arg7[%swap3A_211], %swap3A_214 {strides = array<i32>} : memref<80xi32, #tpu.memory_space<vmem>>, vector<16xi32>,
      %get3A_215 = arith.constant 32 : index
      %get3A_216 = tpu.vector_load %arg7[%get3A_215] {strides = array<i32>} : memref<80xi32, #tpu.memory_space<vmem>>, vector<16xi32>,
      %get3A_217 = vector.shape_cast %get3A_216 : vector<16xi32> to vector<16xi32>
      %mul3A_218 = arith.constant 8000 : i32
      %mul3A_219 = arith.muli %arg0, %mul3A_218 : i32
      %sub3A_220 = vector.broadcast %mul3A_219 : i32 to vector<16xi32>
      %sub3A_221 = arith.subi %get3A_217, %sub3A_220 : vector<16xi32>
      %ge3A_222 = arith.constant 0 : i32
      %ge3A_223 = vector.broadcast %ge3A_222 : i32 to vector<16xi32>
      %ge3A_224 = arith.cmpi sge, %sub3A_221, %ge3A_223 : vector<16xi32>
      %lt3A_225 = arith.constant 8000 : i32
      %lt3A_226 = vector.broadcast %lt3A_225 : i32 to vector<16xi32>
      %lt3A_227 = arith.cmpi slt, %sub3A_221, %lt3A_226 : vector<16xi32>
      %and3A_228 = arith.andi %ge3A_224, %lt3A_227 : vector<16xi1>
      %and3A_229 = arith.constant 7 : i32
      %and3A_230 = vector.broadcast %and3A_229 : i32 to vector<16xi32>
      %and3A_231 = arith.andi %get3A_217, %and3A_230 : vector<16xi32>
      %add3A_232 = arith.constant 8000 : i32
      %add3A_233 = vector.broadcast %add3A_232 : i32 to vector<16xi32>
      %add3A_234 = arith.addi %add3A_233, %and3A_231 : vector<16xi32>
      %select_n3A_235 = arith.select %and3A_228, %sub3A_221, %add3A_234 : vector<16xi1>, vector<16xi32>
      %swap3A_236 = arith.constant 32 : index
      %swap3A_237 = tpu.vector_load %arg7[%swap3A_236] {strides = array<i32>} : memref<80xi32, #tpu.memory_space<vmem>>, vector<16xi32>,
      %swap3A_238 = vector.shape_cast %swap3A_237 : vector<16xi32> to vector<16xi32>
      %swap3A_239 = vector.shape_cast %select_n3A_235 : vector<16xi32> to vector<16xi32>
      tpu.vector_store %arg7[%swap3A_236], %swap3A_239 {strides = array<i32>} : memref<80xi32, #tpu.memory_space<vmem>>, vector<16xi32>,
      %get3A_240 = arith.constant 48 : index
      %get3A_241 = tpu.vector_load %arg7[%get3A_240] {strides = array<i32>} : memref<80xi32, #tpu.memory_space<vmem>>, vector<16xi32>,
      %get3A_242 = vector.shape_cast %get3A_241 : vector<16xi32> to vector<16xi32>
      %mul3A_243 = arith.constant 8000 : i32
      %mul3A_244 = arith.muli %arg0, %mul3A_243 : i32
      %sub3A_245 = vector.broadcast %mul3A_244 : i32 to vector<16xi32>
      %sub3A_246 = arith.subi %get3A_242, %sub3A_245 : vector<16xi32>
      %ge3A_247 = arith.constant 0 : i32
      %ge3A_248 = vector.broadcast %ge3A_247 : i32 to vector<16xi32>
      %ge3A_249 = arith.cmpi sge, %sub3A_246, %ge3A_248 : vector<16xi32>
      %lt3A_250 = arith.constant 8000 : i32
      %lt3A_251 = vector.broadcast %lt3A_250 : i32 to vector<16xi32>
      %lt3A_252 = arith.cmpi slt, %sub3A_246, %lt3A_251 : vector<16xi32>
      %and3A_253 = arith.andi %ge3A_249, %lt3A_252 : vector<16xi1>
      %and3A_254 = arith.constant 7 : i32
      %and3A_255 = vector.broadcast %and3A_254 : i32 to vector<16xi32>
      %and3A_256 = arith.andi %get3A_242, %and3A_255 : vector<16xi32>
      %add3A_257 = arith.constant 8000 : i32
      %add3A_258 = vector.broadcast %add3A_257 : i32 to vector<16xi32>
      %add3A_259 = arith.addi %add3A_258, %and3A_256 : vector<16xi32>
      %select_n3A_260 = arith.select %and3A_253, %sub3A_246, %add3A_259 : vector<16xi1>, vector<16xi32>
      %swap3A_261 = arith.constant 48 : index
      %swap3A_262 = tpu.vector_load %arg7[%swap3A_261] {strides = array<i32>} : memref<80xi32, #tpu.memory_space<vmem>>, vector<16xi32>,
      %swap3A_263 = vector.shape_cast %swap3A_262 : vector<16xi32> to vector<16xi32>
      %swap3A_264 = vector.shape_cast %select_n3A_260 : vector<16xi32> to vector<16xi32>
      tpu.vector_store %arg7[%swap3A_261], %swap3A_264 {strides = array<i32>} : memref<80xi32, #tpu.memory_space<vmem>>, vector<16xi32>,
      %get3A_265 = arith.constant 64 : index
      %get3A_266 = tpu.vector_load %arg7[%get3A_265] {strides = array<i32>} : memref<80xi32, #tpu.memory_space<vmem>>, vector<16xi32>,
      %get3A_267 = vector.shape_cast %get3A_266 : vector<16xi32> to vector<16xi32>
      %mul3A_268 = arith.constant 8000 : i32
      %mul3A_269 = arith.muli %arg0, %mul3A_268 : i32
      %sub3A_270 = vector.broadcast %mul3A_269 : i32 to vector<16xi32>
      %sub3A_271 = arith.subi %get3A_267, %sub3A_270 : vector<16xi32>
      %ge3A_272 = arith.constant 0 : i32
      %ge3A_273 = vector.broadcast %ge3A_272 : i32 to vector<16xi32>
      %ge3A_274 = arith.cmpi sge, %sub3A_271, %ge3A_273 : vector<16xi32>
      %lt3A_275 = arith.constant 8000 : i32
      %lt3A_276 = vector.broadcast %lt3A_275 : i32 to vector<16xi32>
      %lt3A_277 = arith.cmpi slt, %sub3A_271, %lt3A_276 : vector<16xi32>
      %and3A_278 = arith.andi %ge3A_274, %lt3A_277 : vector<16xi1>
      %and3A_279 = arith.constant 7 : i32
      %and3A_280 = vector.broadcast %and3A_279 : i32 to vector<16xi32>
      %and3A_281 = arith.andi %get3A_267, %and3A_280 : vector<16xi32>
      %add3A_282 = arith.constant 8000 : i32
      %add3A_283 = vector.broadcast %add3A_282 : i32 to vector<16xi32>
      %add3A_284 = arith.addi %add3A_283, %and3A_281 : vector<16xi32>
      %select_n3A_285 = arith.select %and3A_278, %sub3A_271, %add3A_284 : vector<16xi1>, vector<16xi32>
      %swap3A_286 = arith.constant 64 : index
      %swap3A_287 = tpu.vector_load %arg7[%swap3A_286] {strides = array<i32>} : memref<80xi32, #tpu.memory_space<vmem>>, vector<16xi32>,
      %swap3A_288 = vector.shape_cast %swap3A_287 : vector<16xi32> to vector<16xi32>
      %swap3A_289 = vector.shape_cast %select_n3A_285 : vector<16xi32> to vector<16xi32>
      tpu.vector_store %arg7[%swap3A_286], %swap3A_289 {strides = array<i32>} : memref<80xi32, #tpu.memory_space<vmem>>, vector<16xi32>,
      %dma_start3A_290 = arith.constant 0 : i32
      %dma_start3A_291 = arith.constant 0 : i32
      %dma_start3A_292 = tpu.memref_slice %arg10[%dma_start3A_290, %dma_start3A_291] : memref<8008x128xf32, #tpu.memory_space<vmem_shared>> -> memref<8008x128xf32, #tpu.memory_space<vmem_shared>>
      tpu.enqueue_indirect_dma source(%arg8 : memref<80x128xf32, #tpu.memory_space<vmem>>) target(%dma_start3A_292 : memref<8008x128xf32, #tpu.memory_space<vmem_shared>>) offsets(%arg7 : memref<80xi32, #tpu.memory_space<vmem>>) semaphore(%arg12 : memref<!tpu.dma_semaphore, #tpu.memory_space<semaphore_mem>>) {add = true}
    }
    %scan3A_11 = arith.constant 100 : i32
    %dma_wait3A = arith.constant 0 : i32
    %dma_wait3A_12 = arith.constant 0 : i32
    %dma_wait3A_13 = tpu.memref_slice %arg10[%dma_wait3A, %dma_wait3A_12] : memref<8008x128xf32, #tpu.memory_space<vmem_shared>> -> memref<8008x128xf32, #tpu.memory_space<vmem_shared>>
    tpu.wait_indirect_dma semaphore(%arg11 : memref<!tpu.dma_semaphore, #tpu.memory_space<semaphore_mem>>) src(%arg8 : memref<80x128xf32, #tpu.memory_space<vmem>>) dst(%dma_wait3A_13 : memref<8008x128xf32, #tpu.memory_space<vmem_shared>>)
    %dma_wait3A_14 = arith.constant 0 : i32
    %dma_wait3A_15 = arith.constant 0 : i32
    %dma_wait3A_16 = tpu.memref_slice %arg10[%dma_wait3A_14, %dma_wait3A_15] : memref<8008x128xf32, #tpu.memory_space<vmem_shared>> -> memref<8008x128xf32, #tpu.memory_space<vmem_shared>>
    tpu.wait_indirect_dma semaphore(%arg12 : memref<!tpu.dma_semaphore, #tpu.memory_space<semaphore_mem>>) src(%arg8 : memref<80x128xf32, #tpu.memory_space<vmem>>) dst(%dma_wait3A_16 : memref<8008x128xf32, #tpu.memory_space<vmem_shared>>)
    %barrier3A_17 = arith.constant 0 : index
    tpu.barrier barrier_id(%barrier3A_17)
    %lt3A_18 = arith.constant 8 : i32
    %lt3A_19 = arith.cmpi slt, %arg1, %lt3A_18 : i32
    %convert_element_type3A_20 = arith.extui %lt3A_19 : i1 to i32
    %cond3A_21 = arith.constant 0 : i32
    %cond3A_22 = arith.cmpi ne, %convert_element_type3A_20, %cond3A_21 : i32
    scf.if %cond3A_22 {
      %scan3A_23 = arith.constant 0 : i32
      %scan3A_24 = arith.constant 0 : i32
      %scan3A_25 = arith.constant 5 : i32
      %scan3A_26 = arith.addi %scan3A_24, %scan3A_25 : i32
      %scan3A_27 = arith.constant 1 : i32
      scf.for %scan3A_29 = %scan3A_24 to %scan3A_26 step %scan3A_27  : i32 {
        %mul3A_30 = arith.constant 1000 : i32
        %mul3A_31 = arith.muli %arg1, %mul3A_30 : i32
        %mul3A_32 = arith.constant 200 : i32
        %mul3A_33 = arith.muli %scan3A_29, %mul3A_32 : i32
        %add3A = arith.addi %mul3A_31, %mul3A_33 : i32
        "tpu.region"() ({
          %run_scoped3A = tpu.sem_alloc : memref<!tpu.dma_semaphore, #tpu.memory_space<semaphore_mem>>
          %dma_start3A = arith.constant 0 : i32
          %dma_start3A_42 = tpu.memref_slice %arg10[%add3A, %dma_start3A] : memref<8008x128xf32, #tpu.memory_space<vmem_shared>> -> memref<200x128xf32, #tpu.memory_space<vmem_shared>>
          %dma_start3A_43 = arith.constant 0 : i32
          %dma_start3A_44 = tpu.memref_slice %arg10[%add3A, %dma_start3A_43] : memref<8008x128xf32, #tpu.memory_space<vmem_shared>> -> memref<200x128xf32, #tpu.memory_space<vmem_shared>>
          tpu.enqueue_dma source(%dma_start3A_44 : memref<200x128xf32, #tpu.memory_space<vmem_shared>>) target(%arg9 : memref<200x128xf32, #tpu.memory_space<vmem>>) target_semaphore(%run_scoped3A : memref<!tpu.dma_semaphore, #tpu.memory_space<semaphore_mem>>)
          %dma_wait3A_45 = arith.constant 0 : i32
          %dma_wait3A_46 = tpu.memref_slice %arg10[%add3A, %dma_wait3A_45] : memref<8008x128xf32, #tpu.memory_space<vmem_shared>> -> memref<200x128xf32, #tpu.memory_space<vmem_shared>>
          %dma_wait3A_47 = arith.constant 0 : i32
          %dma_wait3A_48 = tpu.memref_slice %arg10[%add3A, %dma_wait3A_47] : memref<8008x128xf32, #tpu.memory_space<vmem_shared>> -> memref<200x128xf32, #tpu.memory_space<vmem_shared>>
          tpu.wait_dma2 semaphore(%run_scoped3A : memref<!tpu.dma_semaphore, #tpu.memory_space<semaphore_mem>>) src(%dma_wait3A_48 : memref<200x128xf32, #tpu.memory_space<vmem_shared>>) dst(%arg9 : memref<200x128xf32, #tpu.memory_space<vmem>>)
          tpu.yield
        }) : () -> ()
        %mul3A_34 = arith.constant 8000 : i32
        %mul3A_35 = arith.muli %arg0, %mul3A_34 : i32
        %mul3A_36 = arith.constant 1000 : i32
        %mul3A_37 = arith.muli %arg1, %mul3A_36 : i32
        %add3A_38 = arith.addi %mul3A_35, %mul3A_37 : i32
        %mul3A_39 = arith.constant 200 : i32
        %mul3A_40 = arith.muli %scan3A_29, %mul3A_39 : i32
        %add3A_41 = arith.addi %add3A_38, %mul3A_40 : i32
        "tpu.region"() ({
          %run_scoped3A = tpu.sem_alloc : memref<!tpu.dma_semaphore, #tpu.memory_space<semaphore_mem>>
          %dma_start3A = arith.constant 0 : i32
          %dma_start3A_42 = tpu.memref_slice %arg5[%add3A_41, %dma_start3A] : memref<16000x128xf32, #tpu.memory_space<hbm>> -> memref<200x128xf32, #tpu.memory_space<hbm>>
          %dma_start3A_43 = arith.constant 0 : i32
          %dma_start3A_44 = tpu.memref_slice %arg5[%add3A_41, %dma_start3A_43] : memref<16000x128xf32, #tpu.memory_space<hbm>> -> memref<200x128xf32, #tpu.memory_space<hbm>>
          tpu.enqueue_dma source(%arg9 : memref<200x128xf32, #tpu.memory_space<vmem>>) target(%dma_start3A_44 : memref<200x128xf32, #tpu.memory_space<hbm>>) target_semaphore(%run_scoped3A : memref<!tpu.dma_semaphore, #tpu.memory_space<semaphore_mem>>)
          %dma_wait3A_45 = arith.constant 0 : i32
          %dma_wait3A_46 = tpu.memref_slice %arg5[%add3A_41, %dma_wait3A_45] : memref<16000x128xf32, #tpu.memory_space<hbm>> -> memref<200x128xf32, #tpu.memory_space<hbm>>
          %dma_wait3A_47 = arith.constant 0 : i32
          %dma_wait3A_48 = tpu.memref_slice %arg5[%add3A_41, %dma_wait3A_47] : memref<16000x128xf32, #tpu.memory_space<hbm>> -> memref<200x128xf32, #tpu.memory_space<hbm>>
          tpu.wait_dma2 semaphore(%run_scoped3A : memref<!tpu.dma_semaphore, #tpu.memory_space<semaphore_mem>>) src(%arg9 : memref<200x128xf32, #tpu.memory_space<vmem>>) dst(%dma_wait3A_48 : memref<200x128xf32, #tpu.memory_space<hbm>>)
          tpu.yield
        }) : () -> ()
      }
      %scan3A_28 = arith.constant 5 : i32
    } else {
    }
    return
  }
}

#map = affine_map<(d0, d1) -> (0, 0)>
#map1 = affine_map<(d0, d1) -> (0)>
module attributes {stable_mosaic.version = 14 : i64} {
  func.func @_sc_scat_body(%arg0: i32, %arg1: i32, %arg2: memref<16000x128xf32, #tpu.memory_space<hbm>>, %arg3: memref<256000xi32, #tpu.memory_space<hbm>>, %arg4: memref<256000xi32, #tpu.memory_space<hbm>>, %arg5: memref<200x128xf32, #tpu.memory_space<hbm>>, %arg6: memref<16000x128xf32, #tpu.memory_space<hbm>>, %arg7: memref<80xi32, #tpu.memory_space<vmem>>, %arg8: memref<80xi32, #tpu.memory_space<vmem>>, %arg9: memref<80xi32, #tpu.memory_space<vmem>>, %arg10: memref<80xi32, #tpu.memory_space<vmem>>, %arg11: memref<80x128xf32, #tpu.memory_space<vmem>>, %arg12: memref<80x128xf32, #tpu.memory_space<vmem>>, %arg13: memref<200x128xf32, #tpu.memory_space<vmem>>, %arg14: memref<8008x128xf32, #tpu.memory_space<vmem_shared>>, %arg15: memref<!tpu.dma_semaphore, #tpu.memory_space<semaphore_mem>>, %arg16: memref<!tpu.dma_semaphore, #tpu.memory_space<semaphore_mem>>, %arg17: memref<!tpu.dma_semaphore, #tpu.memory_space<semaphore_mem>>, %arg18: memref<!tpu.dma_semaphore, #tpu.memory_space<semaphore_mem>>) attributes {dimension_semantics = [#tpu.dimension_semantics<core_parallel>, #tpu.dimension_semantics<subcore_parallel>], iteration_bounds = array<i64: 2, 16>, scalar_prefetch = 0 : i64, scratch_operands = 12 : i64, tpu.core_type = #tpu.core_type<sc_vector_subcore>, window_params = [{transform_indices = #map}, {transform_indices = #map1}, {transform_indices = #map1}, {transform_indices = #map}, {transform_indices = #map}]} {
    %mul3A = arith.constant 16000 : i32
    %mul3A_0 = arith.muli %arg1, %mul3A : i32
    "tpu.region"() ({
      %run_scoped3A = tpu.sem_alloc : memref<!tpu.dma_semaphore, #tpu.memory_space<semaphore_mem>>
      tpu.enqueue_dma source(%arg5 : memref<200x128xf32, #tpu.memory_space<hbm>>) target(%arg13 : memref<200x128xf32, #tpu.memory_space<vmem>>) target_semaphore(%run_scoped3A : memref<!tpu.dma_semaphore, #tpu.memory_space<semaphore_mem>>)
      tpu.wait_dma2 semaphore(%run_scoped3A : memref<!tpu.dma_semaphore, #tpu.memory_space<semaphore_mem>>) src(%arg5 : memref<200x128xf32, #tpu.memory_space<hbm>>) dst(%arg13 : memref<200x128xf32, #tpu.memory_space<vmem>>)
      tpu.yield
    }) : () -> ()
    %lt3A = arith.constant 8 : i32
    %lt3A_1 = arith.cmpi slt, %arg1, %lt3A : i32
    %convert_element_type3A = arith.extui %lt3A_1 : i1 to i32
    %cond3A = arith.constant 0 : i32
    %cond3A_2 = arith.cmpi ne, %convert_element_type3A, %cond3A : i32
    scf.if %cond3A_2 {
      %scan3A_23 = arith.constant 0 : i32
      %scan3A_24 = arith.constant 0 : i32
      %scan3A_25 = arith.constant 5 : i32
      %scan3A_26 = arith.addi %scan3A_24, %scan3A_25 : i32
      %scan3A_27 = arith.constant 1 : i32
      scf.for %scan3A_29 = %scan3A_24 to %scan3A_26 step %scan3A_27  : i32 {
        %mul3A_30 = arith.constant 1000 : i32
        %mul3A_31 = arith.muli %arg1, %mul3A_30 : i32
        %mul3A_32 = arith.constant 200 : i32
        %mul3A_33 = arith.muli %scan3A_29, %mul3A_32 : i32
        %add3A = arith.addi %mul3A_31, %mul3A_33 : i32
        "tpu.region"() ({
          %run_scoped3A = tpu.sem_alloc : memref<!tpu.dma_semaphore, #tpu.memory_space<semaphore_mem>>
          %dma_start3A = arith.constant 0 : i32
          %dma_start3A_34 = tpu.memref_slice %arg14[%add3A, %dma_start3A] : memref<8008x128xf32, #tpu.memory_space<vmem_shared>> -> memref<200x128xf32, #tpu.memory_space<vmem_shared>>
          %dma_start3A_35 = arith.constant 0 : i32
          %dma_start3A_36 = tpu.memref_slice %arg14[%add3A, %dma_start3A_35] : memref<8008x128xf32, #tpu.memory_space<vmem_shared>> -> memref<200x128xf32, #tpu.memory_space<vmem_shared>>
          tpu.enqueue_dma source(%arg13 : memref<200x128xf32, #tpu.memory_space<vmem>>) target(%dma_start3A_36 : memref<200x128xf32, #tpu.memory_space<vmem_shared>>) target_semaphore(%run_scoped3A : memref<!tpu.dma_semaphore, #tpu.memory_space<semaphore_mem>>)
          %dma_wait3A_37 = arith.constant 0 : i32
          %dma_wait3A_38 = tpu.memref_slice %arg14[%add3A, %dma_wait3A_37] : memref<8008x128xf32, #tpu.memory_space<vmem_shared>> -> memref<200x128xf32, #tpu.memory_space<vmem_shared>>
          %dma_wait3A_39 = arith.constant 0 : i32
          %dma_wait3A_40 = tpu.memref_slice %arg14[%add3A, %dma_wait3A_39] : memref<8008x128xf32, #tpu.memory_space<vmem_shared>> -> memref<200x128xf32, #tpu.memory_space<vmem_shared>>
          tpu.wait_dma2 semaphore(%run_scoped3A : memref<!tpu.dma_semaphore, #tpu.memory_space<semaphore_mem>>) src(%arg13 : memref<200x128xf32, #tpu.memory_space<vmem>>) dst(%dma_wait3A_40 : memref<200x128xf32, #tpu.memory_space<vmem_shared>>)
          tpu.yield
        }) : () -> ()
      }
      %scan3A_28 = arith.constant 5 : i32
    } else {
    }
    %eq3A = arith.constant 8 : i32
    %eq3A_3 = arith.cmpi eq, %arg1, %eq3A : i32
    %convert_element_type3A_4 = arith.extui %eq3A_3 : i1 to i32
    %cond3A_5 = arith.constant 0 : i32
    %cond3A_6 = arith.cmpi ne, %convert_element_type3A_4, %cond3A_5 : i32
    scf.if %cond3A_6 {
      "tpu.region"() ({
        %run_scoped3A = tpu.sem_alloc : memref<!tpu.dma_semaphore, #tpu.memory_space<semaphore_mem>>
        %dma_start3A = arith.constant 0 : i32
        %dma_start3A_23 = arith.constant 0 : i32
        %dma_start3A_24 = tpu.memref_slice %arg13[%dma_start3A, %dma_start3A_23] : memref<200x128xf32, #tpu.memory_space<vmem>> -> memref<8x128xf32, #tpu.memory_space<vmem>>
        %dma_start3A_25 = arith.constant 8000 : i32
        %dma_start3A_26 = arith.constant 0 : i32
        %dma_start3A_27 = tpu.memref_slice %arg14[%dma_start3A_25, %dma_start3A_26] : memref<8008x128xf32, #tpu.memory_space<vmem_shared>> -> memref<8x128xf32, #tpu.memory_space<vmem_shared>>
        %dma_start3A_28 = arith.constant 8000 : i32
        %dma_start3A_29 = arith.constant 0 : i32
        %dma_start3A_30 = tpu.memref_slice %arg14[%dma_start3A_28, %dma_start3A_29] : memref<8008x128xf32, #tpu.memory_space<vmem_shared>> -> memref<8x128xf32, #tpu.memory_space<vmem_shared>>
        %dma_start3A_31 = arith.constant 0 : i32
        %dma_start3A_32 = arith.constant 0 : i32
        %dma_start3A_33 = tpu.memref_slice %arg13[%dma_start3A_31, %dma_start3A_32] : memref<200x128xf32, #tpu.memory_space<vmem>> -> memref<8x128xf32, #tpu.memory_space<vmem>>
        tpu.enqueue_dma source(%dma_start3A_33 : memref<8x128xf32, #tpu.memory_space<vmem>>) target(%dma_start3A_30 : memref<8x128xf32, #tpu.memory_space<vmem_shared>>) target_semaphore(%run_scoped3A : memref<!tpu.dma_semaphore, #tpu.memory_space<semaphore_mem>>)
        %dma_wait3A_34 = arith.constant 0 : i32
        %dma_wait3A_35 = arith.constant 0 : i32
        %dma_wait3A_36 = tpu.memref_slice %arg13[%dma_wait3A_34, %dma_wait3A_35] : memref<200x128xf32, #tpu.memory_space<vmem>> -> memref<8x128xf32, #tpu.memory_space<vmem>>
        %dma_wait3A_37 = arith.constant 8000 : i32
        %dma_wait3A_38 = arith.constant 0 : i32
        %dma_wait3A_39 = tpu.memref_slice %arg14[%dma_wait3A_37, %dma_wait3A_38] : memref<8008x128xf32, #tpu.memory_space<vmem_shared>> -> memref<8x128xf32, #tpu.memory_space<vmem_shared>>
        %dma_wait3A_40 = arith.constant 8000 : i32
        %dma_wait3A_41 = arith.constant 0 : i32
        %dma_wait3A_42 = tpu.memref_slice %arg14[%dma_wait3A_40, %dma_wait3A_41] : memref<8008x128xf32, #tpu.memory_space<vmem_shared>> -> memref<8x128xf32, #tpu.memory_space<vmem_shared>>
        %dma_wait3A_43 = arith.constant 0 : i32
        %dma_wait3A_44 = arith.constant 0 : i32
        %dma_wait3A_45 = tpu.memref_slice %arg13[%dma_wait3A_43, %dma_wait3A_44] : memref<200x128xf32, #tpu.memory_space<vmem>> -> memref<8x128xf32, #tpu.memory_space<vmem>>
        tpu.wait_dma2 semaphore(%run_scoped3A : memref<!tpu.dma_semaphore, #tpu.memory_space<semaphore_mem>>) src(%dma_wait3A_45 : memref<8x128xf32, #tpu.memory_space<vmem>>) dst(%dma_wait3A_42 : memref<8x128xf32, #tpu.memory_space<vmem_shared>>)
        tpu.yield
      }) : () -> ()
    } else {
    }
    %barrier3A = arith.constant 0 : index
    tpu.barrier barrier_id(%barrier3A)
    %scan3A = arith.constant 0 : i32
    %scan3A_7 = arith.constant 0 : i32
    %scan3A_8 = arith.constant 100 : i32
    %scan3A_9 = arith.addi %scan3A_7, %scan3A_8 : i32
    %scan3A_10 = arith.constant 1 : i32
    scf.for %scan3A_23 = %scan3A_7 to %scan3A_9 step %scan3A_10  : i32 {
      %mul3A_24 = arith.constant 2 : i32
      %mul3A_25 = arith.muli %mul3A_24, %scan3A_23 : i32
      %mul3A_26 = arith.constant 80 : i32
      %mul3A_27 = arith.muli %mul3A_25, %mul3A_26 : i32
      %add3A = arith.addi %mul3A_0, %mul3A_27 : i32
      %mul3A_28 = arith.constant 2 : i32
      %mul3A_29 = arith.muli %mul3A_28, %scan3A_23 : i32
      %add3A_30 = arith.constant 1 : i32
      %add3A_31 = arith.addi %mul3A_29, %add3A_30 : i32
      %mul3A_32 = arith.constant 80 : i32
      %mul3A_33 = arith.muli %add3A_31, %mul3A_32 : i32
      %add3A_34 = arith.addi %mul3A_0, %mul3A_33 : i32
      %gt3A = arith.constant 0 : i32
      %gt3A_35 = arith.cmpi sgt, %scan3A_23, %gt3A : i32
      %convert_element_type3A_36 = arith.extui %gt3A_35 : i1 to i32
      %cond3A_37 = arith.constant 0 : i32
      %cond3A_38 = arith.cmpi ne, %convert_element_type3A_36, %cond3A_37 : i32
      scf.if %cond3A_38 {
        %dma_wait3A_300 = arith.constant 0 : i32
        %dma_wait3A_301 = arith.constant 0 : i32
        %dma_wait3A_302 = tpu.memref_slice %arg14[%dma_wait3A_300, %dma_wait3A_301] : memref<8008x128xf32, #tpu.memory_space<vmem_shared>> -> memref<8008x128xf32, #tpu.memory_space<vmem_shared>>
        tpu.wait_indirect_dma semaphore(%arg17 : memref<!tpu.dma_semaphore, #tpu.memory_space<semaphore_mem>>) src(%arg11 : memref<80x128xf32, #tpu.memory_space<vmem>>) dst(%dma_wait3A_302 : memref<8008x128xf32, #tpu.memory_space<vmem_shared>>)
        %dma_wait3A_303 = arith.constant 0 : i32
        %dma_wait3A_304 = arith.constant 0 : i32
        %dma_wait3A_305 = tpu.memref_slice %arg14[%dma_wait3A_303, %dma_wait3A_304] : memref<8008x128xf32, #tpu.memory_space<vmem_shared>> -> memref<8008x128xf32, #tpu.memory_space<vmem_shared>>
        tpu.wait_indirect_dma semaphore(%arg18 : memref<!tpu.dma_semaphore, #tpu.memory_space<semaphore_mem>>) src(%arg12 : memref<80x128xf32, #tpu.memory_space<vmem>>) dst(%dma_wait3A_305 : memref<8008x128xf32, #tpu.memory_space<vmem_shared>>)
      } else {
      }
      "tpu.region"() ({
        %run_scoped3A = tpu.sem_alloc : memref<!tpu.dma_semaphore, #tpu.memory_space<semaphore_mem>>
        %dma_start3A_300 = tpu.memref_slice %arg3[%add3A] : memref<256000xi32, #tpu.memory_space<hbm>> -> memref<80xi32, #tpu.memory_space<hbm>>
        %dma_start3A_301 = tpu.memref_slice %arg3[%add3A] : memref<256000xi32, #tpu.memory_space<hbm>> -> memref<80xi32, #tpu.memory_space<hbm>>
        tpu.enqueue_dma source(%dma_start3A_301 : memref<80xi32, #tpu.memory_space<hbm>>) target(%arg7 : memref<80xi32, #tpu.memory_space<vmem>>) target_semaphore(%run_scoped3A : memref<!tpu.dma_semaphore, #tpu.memory_space<semaphore_mem>>)
        %dma_wait3A_302 = tpu.memref_slice %arg3[%add3A] : memref<256000xi32, #tpu.memory_space<hbm>> -> memref<80xi32, #tpu.memory_space<hbm>>
        %dma_wait3A_303 = tpu.memref_slice %arg3[%add3A] : memref<256000xi32, #tpu.memory_space<hbm>> -> memref<80xi32, #tpu.memory_space<hbm>>
        tpu.wait_dma2 semaphore(%run_scoped3A : memref<!tpu.dma_semaphore, #tpu.memory_space<semaphore_mem>>) src(%dma_wait3A_303 : memref<80xi32, #tpu.memory_space<hbm>>) dst(%arg7 : memref<80xi32, #tpu.memory_space<vmem>>)
        tpu.yield
      }) : () -> ()
      %dma_start3A = arith.constant 0 : i32
      %dma_start3A_39 = arith.constant 0 : i32
      %dma_start3A_40 = tpu.memref_slice %arg2[%dma_start3A, %dma_start3A_39] : memref<16000x128xf32, #tpu.memory_space<hbm>> -> memref<16000x128xf32, #tpu.memory_space<hbm>>
      tpu.enqueue_indirect_dma source(%dma_start3A_40 : memref<16000x128xf32, #tpu.memory_space<hbm>>) target(%arg11 : memref<80x128xf32, #tpu.memory_space<vmem>>) offsets(%arg7 : memref<80xi32, #tpu.memory_space<vmem>>) semaphore(%arg15 : memref<!tpu.dma_semaphore, #tpu.memory_space<semaphore_mem>>)
      "tpu.region"() ({
        %run_scoped3A = tpu.sem_alloc : memref<!tpu.dma_semaphore, #tpu.memory_space<semaphore_mem>>
        %dma_start3A_300 = tpu.memref_slice %arg3[%add3A_34] : memref<256000xi32, #tpu.memory_space<hbm>> -> memref<80xi32, #tpu.memory_space<hbm>>
        %dma_start3A_301 = tpu.memref_slice %arg3[%add3A_34] : memref<256000xi32, #tpu.memory_space<hbm>> -> memref<80xi32, #tpu.memory_space<hbm>>
        tpu.enqueue_dma source(%dma_start3A_301 : memref<80xi32, #tpu.memory_space<hbm>>) target(%arg8 : memref<80xi32, #tpu.memory_space<vmem>>) target_semaphore(%run_scoped3A : memref<!tpu.dma_semaphore, #tpu.memory_space<semaphore_mem>>)
        %dma_wait3A_302 = tpu.memref_slice %arg3[%add3A_34] : memref<256000xi32, #tpu.memory_space<hbm>> -> memref<80xi32, #tpu.memory_space<hbm>>
        %dma_wait3A_303 = tpu.memref_slice %arg3[%add3A_34] : memref<256000xi32, #tpu.memory_space<hbm>> -> memref<80xi32, #tpu.memory_space<hbm>>
        tpu.wait_dma2 semaphore(%run_scoped3A : memref<!tpu.dma_semaphore, #tpu.memory_space<semaphore_mem>>) src(%dma_wait3A_303 : memref<80xi32, #tpu.memory_space<hbm>>) dst(%arg8 : memref<80xi32, #tpu.memory_space<vmem>>)
        tpu.yield
      }) : () -> ()
      %dma_start3A_41 = arith.constant 0 : i32
      %dma_start3A_42 = arith.constant 0 : i32
      %dma_start3A_43 = tpu.memref_slice %arg2[%dma_start3A_41, %dma_start3A_42] : memref<16000x128xf32, #tpu.memory_space<hbm>> -> memref<16000x128xf32, #tpu.memory_space<hbm>>
      tpu.enqueue_indirect_dma source(%dma_start3A_43 : memref<16000x128xf32, #tpu.memory_space<hbm>>) target(%arg12 : memref<80x128xf32, #tpu.memory_space<vmem>>) offsets(%arg8 : memref<80xi32, #tpu.memory_space<vmem>>) semaphore(%arg16 : memref<!tpu.dma_semaphore, #tpu.memory_space<semaphore_mem>>)
      "tpu.region"() ({
        %run_scoped3A = tpu.sem_alloc : memref<!tpu.dma_semaphore, #tpu.memory_space<semaphore_mem>>
        %dma_start3A_300 = tpu.memref_slice %arg4[%add3A] : memref<256000xi32, #tpu.memory_space<hbm>> -> memref<80xi32, #tpu.memory_space<hbm>>
        %dma_start3A_301 = tpu.memref_slice %arg4[%add3A] : memref<256000xi32, #tpu.memory_space<hbm>> -> memref<80xi32, #tpu.memory_space<hbm>>
        tpu.enqueue_dma source(%dma_start3A_301 : memref<80xi32, #tpu.memory_space<hbm>>) target(%arg9 : memref<80xi32, #tpu.memory_space<vmem>>) target_semaphore(%run_scoped3A : memref<!tpu.dma_semaphore, #tpu.memory_space<semaphore_mem>>)
        %dma_wait3A_302 = tpu.memref_slice %arg4[%add3A] : memref<256000xi32, #tpu.memory_space<hbm>> -> memref<80xi32, #tpu.memory_space<hbm>>
        %dma_wait3A_303 = tpu.memref_slice %arg4[%add3A] : memref<256000xi32, #tpu.memory_space<hbm>> -> memref<80xi32, #tpu.memory_space<hbm>>
        tpu.wait_dma2 semaphore(%run_scoped3A : memref<!tpu.dma_semaphore, #tpu.memory_space<semaphore_mem>>) src(%dma_wait3A_303 : memref<80xi32, #tpu.memory_space<hbm>>) dst(%arg9 : memref<80xi32, #tpu.memory_space<vmem>>)
        tpu.yield
      }) : () -> ()
      %get3A = arith.constant 0 : index
      %get3A_44 = tpu.vector_load %arg9[%get3A] {strides = array<i32>} : memref<80xi32, #tpu.memory_space<vmem>>, vector<16xi32>,
      %get3A_45 = vector.shape_cast %get3A_44 : vector<16xi32> to vector<16xi32>
      %mul3A_46 = arith.constant 8000 : i32
      %mul3A_47 = arith.muli %arg0, %mul3A_46 : i32
      %sub3A = vector.broadcast %mul3A_47 : i32 to vector<16xi32>
      %sub3A_48 = arith.subi %get3A_45, %sub3A : vector<16xi32>
      %ge3A = arith.constant 0 : i32
      %ge3A_49 = vector.broadcast %ge3A : i32 to vector<16xi32>
      %ge3A_50 = arith.cmpi sge, %sub3A_48, %ge3A_49 : vector<16xi32>
      %lt3A_51 = arith.constant 8000 : i32
      %lt3A_52 = vector.broadcast %lt3A_51 : i32 to vector<16xi32>
      %lt3A_53 = arith.cmpi slt, %sub3A_48, %lt3A_52 : vector<16xi32>
      %and3A = arith.andi %ge3A_50, %lt3A_53 : vector<16xi1>
      %and3A_54 = arith.constant 7 : i32
      %and3A_55 = vector.broadcast %and3A_54 : i32 to vector<16xi32>
      %and3A_56 = arith.andi %get3A_45, %and3A_55 : vector<16xi32>
      %add3A_57 = arith.constant 8000 : i32
      %add3A_58 = vector.broadcast %add3A_57 : i32 to vector<16xi32>
      %add3A_59 = arith.addi %add3A_58, %and3A_56 : vector<16xi32>
      %select_n3A = arith.select %and3A, %sub3A_48, %add3A_59 : vector<16xi1>, vector<16xi32>
      %swap3A = arith.constant 0 : index
      %swap3A_60 = tpu.vector_load %arg9[%swap3A] {strides = array<i32>} : memref<80xi32, #tpu.memory_space<vmem>>, vector<16xi32>,
      %swap3A_61 = vector.shape_cast %swap3A_60 : vector<16xi32> to vector<16xi32>
      %swap3A_62 = vector.shape_cast %select_n3A : vector<16xi32> to vector<16xi32>
      tpu.vector_store %arg9[%swap3A], %swap3A_62 {strides = array<i32>} : memref<80xi32, #tpu.memory_space<vmem>>, vector<16xi32>,
      %get3A_63 = arith.constant 16 : index
      %get3A_64 = tpu.vector_load %arg9[%get3A_63] {strides = array<i32>} : memref<80xi32, #tpu.memory_space<vmem>>, vector<16xi32>,
      %get3A_65 = vector.shape_cast %get3A_64 : vector<16xi32> to vector<16xi32>
      %mul3A_66 = arith.constant 8000 : i32
      %mul3A_67 = arith.muli %arg0, %mul3A_66 : i32
      %sub3A_68 = vector.broadcast %mul3A_67 : i32 to vector<16xi32>
      %sub3A_69 = arith.subi %get3A_65, %sub3A_68 : vector<16xi32>
      %ge3A_70 = arith.constant 0 : i32
      %ge3A_71 = vector.broadcast %ge3A_70 : i32 to vector<16xi32>
      %ge3A_72 = arith.cmpi sge, %sub3A_69, %ge3A_71 : vector<16xi32>
      %lt3A_73 = arith.constant 8000 : i32
      %lt3A_74 = vector.broadcast %lt3A_73 : i32 to vector<16xi32>
      %lt3A_75 = arith.cmpi slt, %sub3A_69, %lt3A_74 : vector<16xi32>
      %and3A_76 = arith.andi %ge3A_72, %lt3A_75 : vector<16xi1>
      %and3A_77 = arith.constant 7 : i32
      %and3A_78 = vector.broadcast %and3A_77 : i32 to vector<16xi32>
      %and3A_79 = arith.andi %get3A_65, %and3A_78 : vector<16xi32>
      %add3A_80 = arith.constant 8000 : i32
      %add3A_81 = vector.broadcast %add3A_80 : i32 to vector<16xi32>
      %add3A_82 = arith.addi %add3A_81, %and3A_79 : vector<16xi32>
      %select_n3A_83 = arith.select %and3A_76, %sub3A_69, %add3A_82 : vector<16xi1>, vector<16xi32>
      %swap3A_84 = arith.constant 16 : index
      %swap3A_85 = tpu.vector_load %arg9[%swap3A_84] {strides = array<i32>} : memref<80xi32, #tpu.memory_space<vmem>>, vector<16xi32>,
      %swap3A_86 = vector.shape_cast %swap3A_85 : vector<16xi32> to vector<16xi32>
      %swap3A_87 = vector.shape_cast %select_n3A_83 : vector<16xi32> to vector<16xi32>
      tpu.vector_store %arg9[%swap3A_84], %swap3A_87 {strides = array<i32>} : memref<80xi32, #tpu.memory_space<vmem>>, vector<16xi32>,
      %get3A_88 = arith.constant 32 : index
      %get3A_89 = tpu.vector_load %arg9[%get3A_88] {strides = array<i32>} : memref<80xi32, #tpu.memory_space<vmem>>, vector<16xi32>,
      %get3A_90 = vector.shape_cast %get3A_89 : vector<16xi32> to vector<16xi32>
      %mul3A_91 = arith.constant 8000 : i32
      %mul3A_92 = arith.muli %arg0, %mul3A_91 : i32
      %sub3A_93 = vector.broadcast %mul3A_92 : i32 to vector<16xi32>
      %sub3A_94 = arith.subi %get3A_90, %sub3A_93 : vector<16xi32>
      %ge3A_95 = arith.constant 0 : i32
      %ge3A_96 = vector.broadcast %ge3A_95 : i32 to vector<16xi32>
      %ge3A_97 = arith.cmpi sge, %sub3A_94, %ge3A_96 : vector<16xi32>
      %lt3A_98 = arith.constant 8000 : i32
      %lt3A_99 = vector.broadcast %lt3A_98 : i32 to vector<16xi32>
      %lt3A_100 = arith.cmpi slt, %sub3A_94, %lt3A_99 : vector<16xi32>
      %and3A_101 = arith.andi %ge3A_97, %lt3A_100 : vector<16xi1>
      %and3A_102 = arith.constant 7 : i32
      %and3A_103 = vector.broadcast %and3A_102 : i32 to vector<16xi32>
      %and3A_104 = arith.andi %get3A_90, %and3A_103 : vector<16xi32>
      %add3A_105 = arith.constant 8000 : i32
      %add3A_106 = vector.broadcast %add3A_105 : i32 to vector<16xi32>
      %add3A_107 = arith.addi %add3A_106, %and3A_104 : vector<16xi32>
      %select_n3A_108 = arith.select %and3A_101, %sub3A_94, %add3A_107 : vector<16xi1>, vector<16xi32>
      %swap3A_109 = arith.constant 32 : index
      %swap3A_110 = tpu.vector_load %arg9[%swap3A_109] {strides = array<i32>} : memref<80xi32, #tpu.memory_space<vmem>>, vector<16xi32>,
      %swap3A_111 = vector.shape_cast %swap3A_110 : vector<16xi32> to vector<16xi32>
      %swap3A_112 = vector.shape_cast %select_n3A_108 : vector<16xi32> to vector<16xi32>
      tpu.vector_store %arg9[%swap3A_109], %swap3A_112 {strides = array<i32>} : memref<80xi32, #tpu.memory_space<vmem>>, vector<16xi32>,
      %get3A_113 = arith.constant 48 : index
      %get3A_114 = tpu.vector_load %arg9[%get3A_113] {strides = array<i32>} : memref<80xi32, #tpu.memory_space<vmem>>, vector<16xi32>,
      %get3A_115 = vector.shape_cast %get3A_114 : vector<16xi32> to vector<16xi32>
      %mul3A_116 = arith.constant 8000 : i32
      %mul3A_117 = arith.muli %arg0, %mul3A_116 : i32
      %sub3A_118 = vector.broadcast %mul3A_117 : i32 to vector<16xi32>
      %sub3A_119 = arith.subi %get3A_115, %sub3A_118 : vector<16xi32>
      %ge3A_120 = arith.constant 0 : i32
      %ge3A_121 = vector.broadcast %ge3A_120 : i32 to vector<16xi32>
      %ge3A_122 = arith.cmpi sge, %sub3A_119, %ge3A_121 : vector<16xi32>
      %lt3A_123 = arith.constant 8000 : i32
      %lt3A_124 = vector.broadcast %lt3A_123 : i32 to vector<16xi32>
      %lt3A_125 = arith.cmpi slt, %sub3A_119, %lt3A_124 : vector<16xi32>
      %and3A_126 = arith.andi %ge3A_122, %lt3A_125 : vector<16xi1>
      %and3A_127 = arith.constant 7 : i32
      %and3A_128 = vector.broadcast %and3A_127 : i32 to vector<16xi32>
      %and3A_129 = arith.andi %get3A_115, %and3A_128 : vector<16xi32>
      %add3A_130 = arith.constant 8000 : i32
      %add3A_131 = vector.broadcast %add3A_130 : i32 to vector<16xi32>
      %add3A_132 = arith.addi %add3A_131, %and3A_129 : vector<16xi32>
      %select_n3A_133 = arith.select %and3A_126, %sub3A_119, %add3A_132 : vector<16xi1>, vector<16xi32>
      %swap3A_134 = arith.constant 48 : index
      %swap3A_135 = tpu.vector_load %arg9[%swap3A_134] {strides = array<i32>} : memref<80xi32, #tpu.memory_space<vmem>>, vector<16xi32>,
      %swap3A_136 = vector.shape_cast %swap3A_135 : vector<16xi32> to vector<16xi32>
      %swap3A_137 = vector.shape_cast %select_n3A_133 : vector<16xi32> to vector<16xi32>
      tpu.vector_store %arg9[%swap3A_134], %swap3A_137 {strides = array<i32>} : memref<80xi32, #tpu.memory_space<vmem>>, vector<16xi32>,
      %get3A_138 = arith.constant 64 : index
      %get3A_139 = tpu.vector_load %arg9[%get3A_138] {strides = array<i32>} : memref<80xi32, #tpu.memory_space<vmem>>, vector<16xi32>,
      %get3A_140 = vector.shape_cast %get3A_139 : vector<16xi32> to vector<16xi32>
      %mul3A_141 = arith.constant 8000 : i32
      %mul3A_142 = arith.muli %arg0, %mul3A_141 : i32
      %sub3A_143 = vector.broadcast %mul3A_142 : i32 to vector<16xi32>
      %sub3A_144 = arith.subi %get3A_140, %sub3A_143 : vector<16xi32>
      %ge3A_145 = arith.constant 0 : i32
      %ge3A_146 = vector.broadcast %ge3A_145 : i32 to vector<16xi32>
      %ge3A_147 = arith.cmpi sge, %sub3A_144, %ge3A_146 : vector<16xi32>
      %lt3A_148 = arith.constant 8000 : i32
      %lt3A_149 = vector.broadcast %lt3A_148 : i32 to vector<16xi32>
      %lt3A_150 = arith.cmpi slt, %sub3A_144, %lt3A_149 : vector<16xi32>
      %and3A_151 = arith.andi %ge3A_147, %lt3A_150 : vector<16xi1>
      %and3A_152 = arith.constant 7 : i32
      %and3A_153 = vector.broadcast %and3A_152 : i32 to vector<16xi32>
      %and3A_154 = arith.andi %get3A_140, %and3A_153 : vector<16xi32>
      %add3A_155 = arith.constant 8000 : i32
      %add3A_156 = vector.broadcast %add3A_155 : i32 to vector<16xi32>
      %add3A_157 = arith.addi %add3A_156, %and3A_154 : vector<16xi32>
      %select_n3A_158 = arith.select %and3A_151, %sub3A_144, %add3A_157 : vector<16xi1>, vector<16xi32>
      %swap3A_159 = arith.constant 64 : index
      %swap3A_160 = tpu.vector_load %arg9[%swap3A_159] {strides = array<i32>} : memref<80xi32, #tpu.memory_space<vmem>>, vector<16xi32>,
      %swap3A_161 = vector.shape_cast %swap3A_160 : vector<16xi32> to vector<16xi32>
      %swap3A_162 = vector.shape_cast %select_n3A_158 : vector<16xi32> to vector<16xi32>
      tpu.vector_store %arg9[%swap3A_159], %swap3A_162 {strides = array<i32>} : memref<80xi32, #tpu.memory_space<vmem>>, vector<16xi32>,
      "tpu.region"() ({
        %run_scoped3A = tpu.sem_alloc : memref<!tpu.dma_semaphore, #tpu.memory_space<semaphore_mem>>
        %dma_start3A_300 = tpu.memref_slice %arg4[%add3A_34] : memref<256000xi32, #tpu.memory_space<hbm>> -> memref<80xi32, #tpu.memory_space<hbm>>
        %dma_start3A_301 = tpu.memref_slice %arg4[%add3A_34] : memref<256000xi32, #tpu.memory_space<hbm>> -> memref<80xi32, #tpu.memory_space<hbm>>
        tpu.enqueue_dma source(%dma_start3A_301 : memref<80xi32, #tpu.memory_space<hbm>>) target(%arg10 : memref<80xi32, #tpu.memory_space<vmem>>) target_semaphore(%run_scoped3A : memref<!tpu.dma_semaphore, #tpu.memory_space<semaphore_mem>>)
        %dma_wait3A_302 = tpu.memref_slice %arg4[%add3A_34] : memref<256000xi32, #tpu.memory_space<hbm>> -> memref<80xi32, #tpu.memory_space<hbm>>
        %dma_wait3A_303 = tpu.memref_slice %arg4[%add3A_34] : memref<256000xi32, #tpu.memory_space<hbm>> -> memref<80xi32, #tpu.memory_space<hbm>>
        tpu.wait_dma2 semaphore(%run_scoped3A : memref<!tpu.dma_semaphore, #tpu.memory_space<semaphore_mem>>) src(%dma_wait3A_303 : memref<80xi32, #tpu.memory_space<hbm>>) dst(%arg10 : memref<80xi32, #tpu.memory_space<vmem>>)
        tpu.yield
      }) : () -> ()
      %get3A_163 = arith.constant 0 : index
      %get3A_164 = tpu.vector_load %arg10[%get3A_163] {strides = array<i32>} : memref<80xi32, #tpu.memory_space<vmem>>, vector<16xi32>,
      %get3A_165 = vector.shape_cast %get3A_164 : vector<16xi32> to vector<16xi32>
      %mul3A_166 = arith.constant 8000 : i32
      %mul3A_167 = arith.muli %arg0, %mul3A_166 : i32
      %sub3A_168 = vector.broadcast %mul3A_167 : i32 to vector<16xi32>
      %sub3A_169 = arith.subi %get3A_165, %sub3A_168 : vector<16xi32>
      %ge3A_170 = arith.constant 0 : i32
      %ge3A_171 = vector.broadcast %ge3A_170 : i32 to vector<16xi32>
      %ge3A_172 = arith.cmpi sge, %sub3A_169, %ge3A_171 : vector<16xi32>
      %lt3A_173 = arith.constant 8000 : i32
      %lt3A_174 = vector.broadcast %lt3A_173 : i32 to vector<16xi32>
      %lt3A_175 = arith.cmpi slt, %sub3A_169, %lt3A_174 : vector<16xi32>
      %and3A_176 = arith.andi %ge3A_172, %lt3A_175 : vector<16xi1>
      %and3A_177 = arith.constant 7 : i32
      %and3A_178 = vector.broadcast %and3A_177 : i32 to vector<16xi32>
      %and3A_179 = arith.andi %get3A_165, %and3A_178 : vector<16xi32>
      %add3A_180 = arith.constant 8000 : i32
      %add3A_181 = vector.broadcast %add3A_180 : i32 to vector<16xi32>
      %add3A_182 = arith.addi %add3A_181, %and3A_179 : vector<16xi32>
      %select_n3A_183 = arith.select %and3A_176, %sub3A_169, %add3A_182 : vector<16xi1>, vector<16xi32>
      %swap3A_184 = arith.constant 0 : index
      %swap3A_185 = tpu.vector_load %arg10[%swap3A_184] {strides = array<i32>} : memref<80xi32, #tpu.memory_space<vmem>>, vector<16xi32>,
      %swap3A_186 = vector.shape_cast %swap3A_185 : vector<16xi32> to vector<16xi32>
      %swap3A_187 = vector.shape_cast %select_n3A_183 : vector<16xi32> to vector<16xi32>
      tpu.vector_store %arg10[%swap3A_184], %swap3A_187 {strides = array<i32>} : memref<80xi32, #tpu.memory_space<vmem>>, vector<16xi32>,
      %get3A_188 = arith.constant 16 : index
      %get3A_189 = tpu.vector_load %arg10[%get3A_188] {strides = array<i32>} : memref<80xi32, #tpu.memory_space<vmem>>, vector<16xi32>,
      %get3A_190 = vector.shape_cast %get3A_189 : vector<16xi32> to vector<16xi32>
      %mul3A_191 = arith.constant 8000 : i32
      %mul3A_192 = arith.muli %arg0, %mul3A_191 : i32
      %sub3A_193 = vector.broadcast %mul3A_192 : i32 to vector<16xi32>
      %sub3A_194 = arith.subi %get3A_190, %sub3A_193 : vector<16xi32>
      %ge3A_195 = arith.constant 0 : i32
      %ge3A_196 = vector.broadcast %ge3A_195 : i32 to vector<16xi32>
      %ge3A_197 = arith.cmpi sge, %sub3A_194, %ge3A_196 : vector<16xi32>
      %lt3A_198 = arith.constant 8000 : i32
      %lt3A_199 = vector.broadcast %lt3A_198 : i32 to vector<16xi32>
      %lt3A_200 = arith.cmpi slt, %sub3A_194, %lt3A_199 : vector<16xi32>
      %and3A_201 = arith.andi %ge3A_197, %lt3A_200 : vector<16xi1>
      %and3A_202 = arith.constant 7 : i32
      %and3A_203 = vector.broadcast %and3A_202 : i32 to vector<16xi32>
      %and3A_204 = arith.andi %get3A_190, %and3A_203 : vector<16xi32>
      %add3A_205 = arith.constant 8000 : i32
      %add3A_206 = vector.broadcast %add3A_205 : i32 to vector<16xi32>
      %add3A_207 = arith.addi %add3A_206, %and3A_204 : vector<16xi32>
      %select_n3A_208 = arith.select %and3A_201, %sub3A_194, %add3A_207 : vector<16xi1>, vector<16xi32>
      %swap3A_209 = arith.constant 16 : index
      %swap3A_210 = tpu.vector_load %arg10[%swap3A_209] {strides = array<i32>} : memref<80xi32, #tpu.memory_space<vmem>>, vector<16xi32>,
      %swap3A_211 = vector.shape_cast %swap3A_210 : vector<16xi32> to vector<16xi32>
      %swap3A_212 = vector.shape_cast %select_n3A_208 : vector<16xi32> to vector<16xi32>
      tpu.vector_store %arg10[%swap3A_209], %swap3A_212 {strides = array<i32>} : memref<80xi32, #tpu.memory_space<vmem>>, vector<16xi32>,
      %get3A_213 = arith.constant 32 : index
      %get3A_214 = tpu.vector_load %arg10[%get3A_213] {strides = array<i32>} : memref<80xi32, #tpu.memory_space<vmem>>, vector<16xi32>,
      %get3A_215 = vector.shape_cast %get3A_214 : vector<16xi32> to vector<16xi32>
      %mul3A_216 = arith.constant 8000 : i32
      %mul3A_217 = arith.muli %arg0, %mul3A_216 : i32
      %sub3A_218 = vector.broadcast %mul3A_217 : i32 to vector<16xi32>
      %sub3A_219 = arith.subi %get3A_215, %sub3A_218 : vector<16xi32>
      %ge3A_220 = arith.constant 0 : i32
      %ge3A_221 = vector.broadcast %ge3A_220 : i32 to vector<16xi32>
      %ge3A_222 = arith.cmpi sge, %sub3A_219, %ge3A_221 : vector<16xi32>
      %lt3A_223 = arith.constant 8000 : i32
      %lt3A_224 = vector.broadcast %lt3A_223 : i32 to vector<16xi32>
      %lt3A_225 = arith.cmpi slt, %sub3A_219, %lt3A_224 : vector<16xi32>
      %and3A_226 = arith.andi %ge3A_222, %lt3A_225 : vector<16xi1>
      %and3A_227 = arith.constant 7 : i32
      %and3A_228 = vector.broadcast %and3A_227 : i32 to vector<16xi32>
      %and3A_229 = arith.andi %get3A_215, %and3A_228 : vector<16xi32>
      %add3A_230 = arith.constant 8000 : i32
      %add3A_231 = vector.broadcast %add3A_230 : i32 to vector<16xi32>
      %add3A_232 = arith.addi %add3A_231, %and3A_229 : vector<16xi32>
      %select_n3A_233 = arith.select %and3A_226, %sub3A_219, %add3A_232 : vector<16xi1>, vector<16xi32>
      %swap3A_234 = arith.constant 32 : index
      %swap3A_235 = tpu.vector_load %arg10[%swap3A_234] {strides = array<i32>} : memref<80xi32, #tpu.memory_space<vmem>>, vector<16xi32>,
      %swap3A_236 = vector.shape_cast %swap3A_235 : vector<16xi32> to vector<16xi32>
      %swap3A_237 = vector.shape_cast %select_n3A_233 : vector<16xi32> to vector<16xi32>
      tpu.vector_store %arg10[%swap3A_234], %swap3A_237 {strides = array<i32>} : memref<80xi32, #tpu.memory_space<vmem>>, vector<16xi32>,
      %get3A_238 = arith.constant 48 : index
      %get3A_239 = tpu.vector_load %arg10[%get3A_238] {strides = array<i32>} : memref<80xi32, #tpu.memory_space<vmem>>, vector<16xi32>,
      %get3A_240 = vector.shape_cast %get3A_239 : vector<16xi32> to vector<16xi32>
      %mul3A_241 = arith.constant 8000 : i32
      %mul3A_242 = arith.muli %arg0, %mul3A_241 : i32
      %sub3A_243 = vector.broadcast %mul3A_242 : i32 to vector<16xi32>
      %sub3A_244 = arith.subi %get3A_240, %sub3A_243 : vector<16xi32>
      %ge3A_245 = arith.constant 0 : i32
      %ge3A_246 = vector.broadcast %ge3A_245 : i32 to vector<16xi32>
      %ge3A_247 = arith.cmpi sge, %sub3A_244, %ge3A_246 : vector<16xi32>
      %lt3A_248 = arith.constant 8000 : i32
      %lt3A_249 = vector.broadcast %lt3A_248 : i32 to vector<16xi32>
      %lt3A_250 = arith.cmpi slt, %sub3A_244, %lt3A_249 : vector<16xi32>
      %and3A_251 = arith.andi %ge3A_247, %lt3A_250 : vector<16xi1>
      %and3A_252 = arith.constant 7 : i32
      %and3A_253 = vector.broadcast %and3A_252 : i32 to vector<16xi32>
      %and3A_254 = arith.andi %get3A_240, %and3A_253 : vector<16xi32>
      %add3A_255 = arith.constant 8000 : i32
      %add3A_256 = vector.broadcast %add3A_255 : i32 to vector<16xi32>
      %add3A_257 = arith.addi %add3A_256, %and3A_254 : vector<16xi32>
      %select_n3A_258 = arith.select %and3A_251, %sub3A_244, %add3A_257 : vector<16xi1>, vector<16xi32>
      %swap3A_259 = arith.constant 48 : index
      %swap3A_260 = tpu.vector_load %arg10[%swap3A_259] {strides = array<i32>} : memref<80xi32, #tpu.memory_space<vmem>>, vector<16xi32>,
      %swap3A_261 = vector.shape_cast %swap3A_260 : vector<16xi32> to vector<16xi32>
      %swap3A_262 = vector.shape_cast %select_n3A_258 : vector<16xi32> to vector<16xi32>
      tpu.vector_store %arg10[%swap3A_259], %swap3A_262 {strides = array<i32>} : memref<80xi32, #tpu.memory_space<vmem>>, vector<16xi32>,
      %get3A_263 = arith.constant 64 : index
      %get3A_264 = tpu.vector_load %arg10[%get3A_263] {strides = array<i32>} : memref<80xi32, #tpu.memory_space<vmem>>, vector<16xi32>,
      %get3A_265 = vector.shape_cast %get3A_264 : vector<16xi32> to vector<16xi32>
      %mul3A_266 = arith.constant 8000 : i32
      %mul3A_267 = arith.muli %arg0, %mul3A_266 : i32
      %sub3A_268 = vector.broadcast %mul3A_267 : i32 to vector<16xi32>
      %sub3A_269 = arith.subi %get3A_265, %sub3A_268 : vector<16xi32>
      %ge3A_270 = arith.constant 0 : i32
      %ge3A_271 = vector.broadcast %ge3A_270 : i32 to vector<16xi32>
      %ge3A_272 = arith.cmpi sge, %sub3A_269, %ge3A_271 : vector<16xi32>
      %lt3A_273 = arith.constant 8000 : i32
      %lt3A_274 = vector.broadcast %lt3A_273 : i32 to vector<16xi32>
      %lt3A_275 = arith.cmpi slt, %sub3A_269, %lt3A_274 : vector<16xi32>
      %and3A_276 = arith.andi %ge3A_272, %lt3A_275 : vector<16xi1>
      %and3A_277 = arith.constant 7 : i32
      %and3A_278 = vector.broadcast %and3A_277 : i32 to vector<16xi32>
      %and3A_279 = arith.andi %get3A_265, %and3A_278 : vector<16xi32>
      %add3A_280 = arith.constant 8000 : i32
      %add3A_281 = vector.broadcast %add3A_280 : i32 to vector<16xi32>
      %add3A_282 = arith.addi %add3A_281, %and3A_279 : vector<16xi32>
      %select_n3A_283 = arith.select %and3A_276, %sub3A_269, %add3A_282 : vector<16xi1>, vector<16xi32>
      %swap3A_284 = arith.constant 64 : index
      %swap3A_285 = tpu.vector_load %arg10[%swap3A_284] {strides = array<i32>} : memref<80xi32, #tpu.memory_space<vmem>>, vector<16xi32>,
      %swap3A_286 = vector.shape_cast %swap3A_285 : vector<16xi32> to vector<16xi32>
      %swap3A_287 = vector.shape_cast %select_n3A_283 : vector<16xi32> to vector<16xi32>
      tpu.vector_store %arg10[%swap3A_284], %swap3A_287 {strides = array<i32>} : memref<80xi32, #tpu.memory_space<vmem>>, vector<16xi32>,
      %dma_wait3A_288 = arith.constant 0 : i32
      %dma_wait3A_289 = arith.constant 0 : i32
      %dma_wait3A_290 = tpu.memref_slice %arg2[%dma_wait3A_288, %dma_wait3A_289] : memref<16000x128xf32, #tpu.memory_space<hbm>> -> memref<16000x128xf32, #tpu.memory_space<hbm>>
      tpu.wait_indirect_dma semaphore(%arg15 : memref<!tpu.dma_semaphore, #tpu.memory_space<semaphore_mem>>) src(%dma_wait3A_290 : memref<16000x128xf32, #tpu.memory_space<hbm>>) dst(%arg11 : memref<80x128xf32, #tpu.memory_space<vmem>>)
      %dma_start3A_291 = arith.constant 0 : i32
      %dma_start3A_292 = arith.constant 0 : i32
      %dma_start3A_293 = tpu.memref_slice %arg14[%dma_start3A_291, %dma_start3A_292] : memref<8008x128xf32, #tpu.memory_space<vmem_shared>> -> memref<8008x128xf32, #tpu.memory_space<vmem_shared>>
      tpu.enqueue_indirect_dma source(%arg11 : memref<80x128xf32, #tpu.memory_space<vmem>>) target(%dma_start3A_293 : memref<8008x128xf32, #tpu.memory_space<vmem_shared>>) offsets(%arg9 : memref<80xi32, #tpu.memory_space<vmem>>) semaphore(%arg17 : memref<!tpu.dma_semaphore, #tpu.memory_space<semaphore_mem>>) {add = true}
      %dma_wait3A_294 = arith.constant 0 : i32
      %dma_wait3A_295 = arith.constant 0 : i32
      %dma_wait3A_296 = tpu.memref_slice %arg2[%dma_wait3A_294, %dma_wait3A_295] : memref<16000x128xf32, #tpu.memory_space<hbm>> -> memref<16000x128xf32, #tpu.memory_space<hbm>>
      tpu.wait_indirect_dma semaphore(%arg16 : memref<!tpu.dma_semaphore, #tpu.memory_space<semaphore_mem>>) src(%dma_wait3A_296 : memref<16000x128xf32, #tpu.memory_space<hbm>>) dst(%arg12 : memref<80x128xf32, #tpu.memory_space<vmem>>)
      %dma_start3A_297 = arith.constant 0 : i32
      %dma_start3A_298 = arith.constant 0 : i32
      %dma_start3A_299 = tpu.memref_slice %arg14[%dma_start3A_297, %dma_start3A_298] : memref<8008x128xf32, #tpu.memory_space<vmem_shared>> -> memref<8008x128xf32, #tpu.memory_space<vmem_shared>>
      tpu.enqueue_indirect_dma source(%arg12 : memref<80x128xf32, #tpu.memory_space<vmem>>) target(%dma_start3A_299 : memref<8008x128xf32, #tpu.memory_space<vmem_shared>>) offsets(%arg10 : memref<80xi32, #tpu.memory_space<vmem>>) semaphore(%arg18 : memref<!tpu.dma_semaphore, #tpu.memory_space<semaphore_mem>>) {add = true}
    }
    %scan3A_11 = arith.constant 100 : i32
    %dma_wait3A = arith.constant 0 : i32
    %dma_wait3A_12 = arith.constant 0 : i32
    %dma_wait3A_13 = tpu.memref_slice %arg14[%dma_wait3A, %dma_wait3A_12] : memref<8008x128xf32, #tpu.memory_space<vmem_shared>> -> memref<8008x128xf32, #tpu.memory_space<vmem_shared>>
    tpu.wait_indirect_dma semaphore(%arg17 : memref<!tpu.dma_semaphore, #tpu.memory_space<semaphore_mem>>) src(%arg11 : memref<80x128xf32, #tpu.memory_space<vmem>>) dst(%dma_wait3A_13 : memref<8008x128xf32, #tpu.memory_space<vmem_shared>>)
    %dma_wait3A_14 = arith.constant 0 : i32
    %dma_wait3A_15 = arith.constant 0 : i32
    %dma_wait3A_16 = tpu.memref_slice %arg14[%dma_wait3A_14, %dma_wait3A_15] : memref<8008x128xf32, #tpu.memory_space<vmem_shared>> -> memref<8008x128xf32, #tpu.memory_space<vmem_shared>>
    tpu.wait_indirect_dma semaphore(%arg18 : memref<!tpu.dma_semaphore, #tpu.memory_space<semaphore_mem>>) src(%arg12 : memref<80x128xf32, #tpu.memory_space<vmem>>) dst(%dma_wait3A_16 : memref<8008x128xf32, #tpu.memory_space<vmem_shared>>)
    %barrier3A_17 = arith.constant 0 : index
    tpu.barrier barrier_id(%barrier3A_17)
    %lt3A_18 = arith.constant 8 : i32
    %lt3A_19 = arith.cmpi slt, %arg1, %lt3A_18 : i32
    %convert_element_type3A_20 = arith.extui %lt3A_19 : i1 to i32
    %cond3A_21 = arith.constant 0 : i32
    %cond3A_22 = arith.cmpi ne, %convert_element_type3A_20, %cond3A_21 : i32
    scf.if %cond3A_22 {
      %scan3A_23 = arith.constant 0 : i32
      %scan3A_24 = arith.constant 0 : i32
      %scan3A_25 = arith.constant 5 : i32
      %scan3A_26 = arith.addi %scan3A_24, %scan3A_25 : i32
      %scan3A_27 = arith.constant 1 : i32
      scf.for %scan3A_29 = %scan3A_24 to %scan3A_26 step %scan3A_27  : i32 {
        %mul3A_30 = arith.constant 1000 : i32
        %mul3A_31 = arith.muli %arg1, %mul3A_30 : i32
        %mul3A_32 = arith.constant 200 : i32
        %mul3A_33 = arith.muli %scan3A_29, %mul3A_32 : i32
        %add3A = arith.addi %mul3A_31, %mul3A_33 : i32
        "tpu.region"() ({
          %run_scoped3A = tpu.sem_alloc : memref<!tpu.dma_semaphore, #tpu.memory_space<semaphore_mem>>
          %dma_start3A = arith.constant 0 : i32
          %dma_start3A_42 = tpu.memref_slice %arg14[%add3A, %dma_start3A] : memref<8008x128xf32, #tpu.memory_space<vmem_shared>> -> memref<200x128xf32, #tpu.memory_space<vmem_shared>>
          %dma_start3A_43 = arith.constant 0 : i32
          %dma_start3A_44 = tpu.memref_slice %arg14[%add3A, %dma_start3A_43] : memref<8008x128xf32, #tpu.memory_space<vmem_shared>> -> memref<200x128xf32, #tpu.memory_space<vmem_shared>>
          tpu.enqueue_dma source(%dma_start3A_44 : memref<200x128xf32, #tpu.memory_space<vmem_shared>>) target(%arg13 : memref<200x128xf32, #tpu.memory_space<vmem>>) target_semaphore(%run_scoped3A : memref<!tpu.dma_semaphore, #tpu.memory_space<semaphore_mem>>)
          %dma_wait3A_45 = arith.constant 0 : i32
          %dma_wait3A_46 = tpu.memref_slice %arg14[%add3A, %dma_wait3A_45] : memref<8008x128xf32, #tpu.memory_space<vmem_shared>> -> memref<200x128xf32, #tpu.memory_space<vmem_shared>>
          %dma_wait3A_47 = arith.constant 0 : i32
          %dma_wait3A_48 = tpu.memref_slice %arg14[%add3A, %dma_wait3A_47] : memref<8008x128xf32, #tpu.memory_space<vmem_shared>> -> memref<200x128xf32, #tpu.memory_space<vmem_shared>>
          tpu.wait_dma2 semaphore(%run_scoped3A : memref<!tpu.dma_semaphore, #tpu.memory_space<semaphore_mem>>) src(%dma_wait3A_48 : memref<200x128xf32, #tpu.memory_space<vmem_shared>>) dst(%arg13 : memref<200x128xf32, #tpu.memory_space<vmem>>)
          tpu.yield
        }) : () -> ()
        %mul3A_34 = arith.constant 8000 : i32
        %mul3A_35 = arith.muli %arg0, %mul3A_34 : i32
        %mul3A_36 = arith.constant 1000 : i32
        %mul3A_37 = arith.muli %arg1, %mul3A_36 : i32
        %add3A_38 = arith.addi %mul3A_35, %mul3A_37 : i32
        %mul3A_39 = arith.constant 200 : i32
        %mul3A_40 = arith.muli %scan3A_29, %mul3A_39 : i32
        %add3A_41 = arith.addi %add3A_38, %mul3A_40 : i32
        "tpu.region"() ({
          %run_scoped3A = tpu.sem_alloc : memref<!tpu.dma_semaphore, #tpu.memory_space<semaphore_mem>>
          %dma_start3A = arith.constant 0 : i32
          %dma_start3A_42 = tpu.memref_slice %arg6[%add3A_41, %dma_start3A] : memref<16000x128xf32, #tpu.memory_space<hbm>> -> memref<200x128xf32, #tpu.memory_space<hbm>>
          %dma_start3A_43 = arith.constant 0 : i32
          %dma_start3A_44 = tpu.memref_slice %arg6[%add3A_41, %dma_start3A_43] : memref<16000x128xf32, #tpu.memory_space<hbm>> -> memref<200x128xf32, #tpu.memory_space<hbm>>
          tpu.enqueue_dma source(%arg13 : memref<200x128xf32, #tpu.memory_space<vmem>>) target(%dma_start3A_44 : memref<200x128xf32, #tpu.memory_space<hbm>>) target_semaphore(%run_scoped3A : memref<!tpu.dma_semaphore, #tpu.memory_space<semaphore_mem>>)
          %dma_wait3A_45 = arith.constant 0 : i32
          %dma_wait3A_46 = tpu.memref_slice %arg6[%add3A_41, %dma_wait3A_45] : memref<16000x128xf32, #tpu.memory_space<hbm>> -> memref<200x128xf32, #tpu.memory_space<hbm>>
          %dma_wait3A_47 = arith.constant 0 : i32
          %dma_wait3A_48 = tpu.memref_slice %arg6[%add3A_41, %dma_wait3A_47] : memref<16000x128xf32, #tpu.memory_space<hbm>> -> memref<200x128xf32, #tpu.memory_space<hbm>>
          tpu.wait_dma2 semaphore(%run_scoped3A : memref<!tpu.dma_semaphore, #tpu.memory_space<semaphore_mem>>) src(%arg13 : memref<200x128xf32, #tpu.memory_space<vmem>>) dst(%dma_wait3A_48 : memref<200x128xf32, #tpu.memory_space<hbm>>)
          tpu.yield
        }) : () -> ()
      }
      %scan3A_28 = arith.constant 5 : i32
    } else {
    }
    return
  }
}

#map = affine_map<(d0, d1) -> (0, 0)>
#map1 = affine_map<(d0, d1) -> (0)>
module attributes {stable_mosaic.version = 14 : i64} {
  func.func @_sc_scat_body(%arg0: i32, %arg1: i32, %arg2: memref<16000x128xf32, #tpu.memory_space<hbm>>, %arg3: memref<256000xi32, #tpu.memory_space<hbm>>, %arg4: memref<256000xi32, #tpu.memory_space<hbm>>, %arg5: memref<200x128xf32, #tpu.memory_space<hbm>>, %arg6: memref<16000x128xf32, #tpu.memory_space<hbm>>, %arg7: memref<80xi32, #tpu.memory_space<vmem>>, %arg8: memref<80xi32, #tpu.memory_space<vmem>>, %arg9: memref<80xi32, #tpu.memory_space<vmem>>, %arg10: memref<80xi32, #tpu.memory_space<vmem>>, %arg11: memref<80x128xf32, #tpu.memory_space<vmem>>, %arg12: memref<80x128xf32, #tpu.memory_space<vmem>>, %arg13: memref<200x128xf32, #tpu.memory_space<vmem>>, %arg14: memref<8008x128xf32, #tpu.memory_space<vmem_shared>>, %arg15: memref<!tpu.dma_semaphore, #tpu.memory_space<semaphore_mem>>, %arg16: memref<!tpu.dma_semaphore, #tpu.memory_space<semaphore_mem>>, %arg17: memref<!tpu.dma_semaphore, #tpu.memory_space<semaphore_mem>>, %arg18: memref<!tpu.dma_semaphore, #tpu.memory_space<semaphore_mem>>) attributes {dimension_semantics = [#tpu.dimension_semantics<core_parallel>, #tpu.dimension_semantics<subcore_parallel>], iteration_bounds = array<i64: 2, 16>, scalar_prefetch = 0 : i64, scratch_operands = 12 : i64, tpu.core_type = #tpu.core_type<sc_vector_subcore>, window_params = [{transform_indices = #map}, {transform_indices = #map1}, {transform_indices = #map1}, {transform_indices = #map}, {transform_indices = #map}]} {
    %mul3A = arith.constant 16000 : i32
    %mul3A_0 = arith.muli %arg1, %mul3A : i32
    "tpu.region"() ({
      %run_scoped3A = tpu.sem_alloc : memref<!tpu.dma_semaphore, #tpu.memory_space<semaphore_mem>>
      tpu.enqueue_dma source(%arg5 : memref<200x128xf32, #tpu.memory_space<hbm>>) target(%arg13 : memref<200x128xf32, #tpu.memory_space<vmem>>) target_semaphore(%run_scoped3A : memref<!tpu.dma_semaphore, #tpu.memory_space<semaphore_mem>>)
      tpu.wait_dma2 semaphore(%run_scoped3A : memref<!tpu.dma_semaphore, #tpu.memory_space<semaphore_mem>>) src(%arg5 : memref<200x128xf32, #tpu.memory_space<hbm>>) dst(%arg13 : memref<200x128xf32, #tpu.memory_space<vmem>>)
      tpu.yield
    }) : () -> ()
    %lt3A = arith.constant 8 : i32
    %lt3A_1 = arith.cmpi slt, %arg1, %lt3A : i32
    %convert_element_type3A = arith.extui %lt3A_1 : i1 to i32
    %cond3A = arith.constant 0 : i32
    %cond3A_2 = arith.cmpi ne, %convert_element_type3A, %cond3A : i32
    scf.if %cond3A_2 {
      %scan3A_23 = arith.constant 0 : i32
      %scan3A_24 = arith.constant 0 : i32
      %scan3A_25 = arith.constant 5 : i32
      %scan3A_26 = arith.addi %scan3A_24, %scan3A_25 : i32
      %scan3A_27 = arith.constant 1 : i32
      scf.for %scan3A_29 = %scan3A_24 to %scan3A_26 step %scan3A_27  : i32 {
        %mul3A_30 = arith.constant 1000 : i32
        %mul3A_31 = arith.muli %arg1, %mul3A_30 : i32
        %mul3A_32 = arith.constant 200 : i32
        %mul3A_33 = arith.muli %scan3A_29, %mul3A_32 : i32
        %add3A = arith.addi %mul3A_31, %mul3A_33 : i32
        "tpu.region"() ({
          %run_scoped3A = tpu.sem_alloc : memref<!tpu.dma_semaphore, #tpu.memory_space<semaphore_mem>>
          %dma_start3A = arith.constant 0 : i32
          %dma_start3A_34 = tpu.memref_slice %arg14[%add3A, %dma_start3A] : memref<8008x128xf32, #tpu.memory_space<vmem_shared>> -> memref<200x128xf32, #tpu.memory_space<vmem_shared>>
          %dma_start3A_35 = arith.constant 0 : i32
          %dma_start3A_36 = tpu.memref_slice %arg14[%add3A, %dma_start3A_35] : memref<8008x128xf32, #tpu.memory_space<vmem_shared>> -> memref<200x128xf32, #tpu.memory_space<vmem_shared>>
          tpu.enqueue_dma source(%arg13 : memref<200x128xf32, #tpu.memory_space<vmem>>) target(%dma_start3A_36 : memref<200x128xf32, #tpu.memory_space<vmem_shared>>) target_semaphore(%run_scoped3A : memref<!tpu.dma_semaphore, #tpu.memory_space<semaphore_mem>>)
          %dma_wait3A_37 = arith.constant 0 : i32
          %dma_wait3A_38 = tpu.memref_slice %arg14[%add3A, %dma_wait3A_37] : memref<8008x128xf32, #tpu.memory_space<vmem_shared>> -> memref<200x128xf32, #tpu.memory_space<vmem_shared>>
          %dma_wait3A_39 = arith.constant 0 : i32
          %dma_wait3A_40 = tpu.memref_slice %arg14[%add3A, %dma_wait3A_39] : memref<8008x128xf32, #tpu.memory_space<vmem_shared>> -> memref<200x128xf32, #tpu.memory_space<vmem_shared>>
          tpu.wait_dma2 semaphore(%run_scoped3A : memref<!tpu.dma_semaphore, #tpu.memory_space<semaphore_mem>>) src(%arg13 : memref<200x128xf32, #tpu.memory_space<vmem>>) dst(%dma_wait3A_40 : memref<200x128xf32, #tpu.memory_space<vmem_shared>>)
          tpu.yield
        }) : () -> ()
      }
      %scan3A_28 = arith.constant 5 : i32
    } else {
    }
    %eq3A = arith.constant 8 : i32
    %eq3A_3 = arith.cmpi eq, %arg1, %eq3A : i32
    %convert_element_type3A_4 = arith.extui %eq3A_3 : i1 to i32
    %cond3A_5 = arith.constant 0 : i32
    %cond3A_6 = arith.cmpi ne, %convert_element_type3A_4, %cond3A_5 : i32
    scf.if %cond3A_6 {
      "tpu.region"() ({
        %run_scoped3A = tpu.sem_alloc : memref<!tpu.dma_semaphore, #tpu.memory_space<semaphore_mem>>
        %dma_start3A = arith.constant 0 : i32
        %dma_start3A_23 = arith.constant 0 : i32
        %dma_start3A_24 = tpu.memref_slice %arg13[%dma_start3A, %dma_start3A_23] : memref<200x128xf32, #tpu.memory_space<vmem>> -> memref<8x128xf32, #tpu.memory_space<vmem>>
        %dma_start3A_25 = arith.constant 8000 : i32
        %dma_start3A_26 = arith.constant 0 : i32
        %dma_start3A_27 = tpu.memref_slice %arg14[%dma_start3A_25, %dma_start3A_26] : memref<8008x128xf32, #tpu.memory_space<vmem_shared>> -> memref<8x128xf32, #tpu.memory_space<vmem_shared>>
        %dma_start3A_28 = arith.constant 8000 : i32
        %dma_start3A_29 = arith.constant 0 : i32
        %dma_start3A_30 = tpu.memref_slice %arg14[%dma_start3A_28, %dma_start3A_29] : memref<8008x128xf32, #tpu.memory_space<vmem_shared>> -> memref<8x128xf32, #tpu.memory_space<vmem_shared>>
        %dma_start3A_31 = arith.constant 0 : i32
        %dma_start3A_32 = arith.constant 0 : i32
        %dma_start3A_33 = tpu.memref_slice %arg13[%dma_start3A_31, %dma_start3A_32] : memref<200x128xf32, #tpu.memory_space<vmem>> -> memref<8x128xf32, #tpu.memory_space<vmem>>
        tpu.enqueue_dma source(%dma_start3A_33 : memref<8x128xf32, #tpu.memory_space<vmem>>) target(%dma_start3A_30 : memref<8x128xf32, #tpu.memory_space<vmem_shared>>) target_semaphore(%run_scoped3A : memref<!tpu.dma_semaphore, #tpu.memory_space<semaphore_mem>>)
        %dma_wait3A_34 = arith.constant 0 : i32
        %dma_wait3A_35 = arith.constant 0 : i32
        %dma_wait3A_36 = tpu.memref_slice %arg13[%dma_wait3A_34, %dma_wait3A_35] : memref<200x128xf32, #tpu.memory_space<vmem>> -> memref<8x128xf32, #tpu.memory_space<vmem>>
        %dma_wait3A_37 = arith.constant 8000 : i32
        %dma_wait3A_38 = arith.constant 0 : i32
        %dma_wait3A_39 = tpu.memref_slice %arg14[%dma_wait3A_37, %dma_wait3A_38] : memref<8008x128xf32, #tpu.memory_space<vmem_shared>> -> memref<8x128xf32, #tpu.memory_space<vmem_shared>>
        %dma_wait3A_40 = arith.constant 8000 : i32
        %dma_wait3A_41 = arith.constant 0 : i32
        %dma_wait3A_42 = tpu.memref_slice %arg14[%dma_wait3A_40, %dma_wait3A_41] : memref<8008x128xf32, #tpu.memory_space<vmem_shared>> -> memref<8x128xf32, #tpu.memory_space<vmem_shared>>
        %dma_wait3A_43 = arith.constant 0 : i32
        %dma_wait3A_44 = arith.constant 0 : i32
        %dma_wait3A_45 = tpu.memref_slice %arg13[%dma_wait3A_43, %dma_wait3A_44] : memref<200x128xf32, #tpu.memory_space<vmem>> -> memref<8x128xf32, #tpu.memory_space<vmem>>
        tpu.wait_dma2 semaphore(%run_scoped3A : memref<!tpu.dma_semaphore, #tpu.memory_space<semaphore_mem>>) src(%dma_wait3A_45 : memref<8x128xf32, #tpu.memory_space<vmem>>) dst(%dma_wait3A_42 : memref<8x128xf32, #tpu.memory_space<vmem_shared>>)
        tpu.yield
      }) : () -> ()
    } else {
    }
    %barrier3A = arith.constant 0 : index
    tpu.barrier barrier_id(%barrier3A)
    %scan3A = arith.constant 0 : i32
    %scan3A_7 = arith.constant 0 : i32
    %scan3A_8 = arith.constant 100 : i32
    %scan3A_9 = arith.addi %scan3A_7, %scan3A_8 : i32
    %scan3A_10 = arith.constant 1 : i32
    scf.for %scan3A_23 = %scan3A_7 to %scan3A_9 step %scan3A_10  : i32 {
      %mul3A_24 = arith.constant 2 : i32
      %mul3A_25 = arith.muli %mul3A_24, %scan3A_23 : i32
      %mul3A_26 = arith.constant 80 : i32
      %mul3A_27 = arith.muli %mul3A_25, %mul3A_26 : i32
      %add3A = arith.addi %mul3A_0, %mul3A_27 : i32
      %mul3A_28 = arith.constant 2 : i32
      %mul3A_29 = arith.muli %mul3A_28, %scan3A_23 : i32
      %add3A_30 = arith.constant 1 : i32
      %add3A_31 = arith.addi %mul3A_29, %add3A_30 : i32
      %mul3A_32 = arith.constant 80 : i32
      %mul3A_33 = arith.muli %add3A_31, %mul3A_32 : i32
      %add3A_34 = arith.addi %mul3A_0, %mul3A_33 : i32
      %gt3A = arith.constant 0 : i32
      %gt3A_35 = arith.cmpi sgt, %scan3A_23, %gt3A : i32
      %convert_element_type3A_36 = arith.extui %gt3A_35 : i1 to i32
      %cond3A_37 = arith.constant 0 : i32
      %cond3A_38 = arith.cmpi ne, %convert_element_type3A_36, %cond3A_37 : i32
      scf.if %cond3A_38 {
        %dma_wait3A_300 = arith.constant 0 : i32
        %dma_wait3A_301 = arith.constant 0 : i32
        %dma_wait3A_302 = tpu.memref_slice %arg14[%dma_wait3A_300, %dma_wait3A_301] : memref<8008x128xf32, #tpu.memory_space<vmem_shared>> -> memref<8008x128xf32, #tpu.memory_space<vmem_shared>>
        tpu.wait_indirect_dma semaphore(%arg17 : memref<!tpu.dma_semaphore, #tpu.memory_space<semaphore_mem>>) src(%arg11 : memref<80x128xf32, #tpu.memory_space<vmem>>) dst(%dma_wait3A_302 : memref<8008x128xf32, #tpu.memory_space<vmem_shared>>)
        %dma_wait3A_303 = arith.constant 0 : i32
        %dma_wait3A_304 = arith.constant 0 : i32
        %dma_wait3A_305 = tpu.memref_slice %arg14[%dma_wait3A_303, %dma_wait3A_304] : memref<8008x128xf32, #tpu.memory_space<vmem_shared>> -> memref<8008x128xf32, #tpu.memory_space<vmem_shared>>
        tpu.wait_indirect_dma semaphore(%arg18 : memref<!tpu.dma_semaphore, #tpu.memory_space<semaphore_mem>>) src(%arg12 : memref<80x128xf32, #tpu.memory_space<vmem>>) dst(%dma_wait3A_305 : memref<8008x128xf32, #tpu.memory_space<vmem_shared>>)
      } else {
      }
      "tpu.region"() ({
        %run_scoped3A = tpu.sem_alloc : memref<!tpu.dma_semaphore, #tpu.memory_space<semaphore_mem>>
        %dma_start3A_300 = tpu.memref_slice %arg3[%add3A] : memref<256000xi32, #tpu.memory_space<hbm>> -> memref<80xi32, #tpu.memory_space<hbm>>
        %dma_start3A_301 = tpu.memref_slice %arg3[%add3A] : memref<256000xi32, #tpu.memory_space<hbm>> -> memref<80xi32, #tpu.memory_space<hbm>>
        tpu.enqueue_dma source(%dma_start3A_301 : memref<80xi32, #tpu.memory_space<hbm>>) target(%arg7 : memref<80xi32, #tpu.memory_space<vmem>>) target_semaphore(%run_scoped3A : memref<!tpu.dma_semaphore, #tpu.memory_space<semaphore_mem>>)
        %dma_wait3A_302 = tpu.memref_slice %arg3[%add3A] : memref<256000xi32, #tpu.memory_space<hbm>> -> memref<80xi32, #tpu.memory_space<hbm>>
        %dma_wait3A_303 = tpu.memref_slice %arg3[%add3A] : memref<256000xi32, #tpu.memory_space<hbm>> -> memref<80xi32, #tpu.memory_space<hbm>>
        tpu.wait_dma2 semaphore(%run_scoped3A : memref<!tpu.dma_semaphore, #tpu.memory_space<semaphore_mem>>) src(%dma_wait3A_303 : memref<80xi32, #tpu.memory_space<hbm>>) dst(%arg7 : memref<80xi32, #tpu.memory_space<vmem>>)
        tpu.yield
      }) : () -> ()
      %dma_start3A = arith.constant 0 : i32
      %dma_start3A_39 = arith.constant 0 : i32
      %dma_start3A_40 = tpu.memref_slice %arg2[%dma_start3A, %dma_start3A_39] : memref<16000x128xf32, #tpu.memory_space<hbm>> -> memref<16000x128xf32, #tpu.memory_space<hbm>>
      tpu.enqueue_indirect_dma source(%dma_start3A_40 : memref<16000x128xf32, #tpu.memory_space<hbm>>) target(%arg11 : memref<80x128xf32, #tpu.memory_space<vmem>>) offsets(%arg7 : memref<80xi32, #tpu.memory_space<vmem>>) semaphore(%arg15 : memref<!tpu.dma_semaphore, #tpu.memory_space<semaphore_mem>>)
      "tpu.region"() ({
        %run_scoped3A = tpu.sem_alloc : memref<!tpu.dma_semaphore, #tpu.memory_space<semaphore_mem>>
        %dma_start3A_300 = tpu.memref_slice %arg3[%add3A_34] : memref<256000xi32, #tpu.memory_space<hbm>> -> memref<80xi32, #tpu.memory_space<hbm>>
        %dma_start3A_301 = tpu.memref_slice %arg3[%add3A_34] : memref<256000xi32, #tpu.memory_space<hbm>> -> memref<80xi32, #tpu.memory_space<hbm>>
        tpu.enqueue_dma source(%dma_start3A_301 : memref<80xi32, #tpu.memory_space<hbm>>) target(%arg8 : memref<80xi32, #tpu.memory_space<vmem>>) target_semaphore(%run_scoped3A : memref<!tpu.dma_semaphore, #tpu.memory_space<semaphore_mem>>)
        %dma_wait3A_302 = tpu.memref_slice %arg3[%add3A_34] : memref<256000xi32, #tpu.memory_space<hbm>> -> memref<80xi32, #tpu.memory_space<hbm>>
        %dma_wait3A_303 = tpu.memref_slice %arg3[%add3A_34] : memref<256000xi32, #tpu.memory_space<hbm>> -> memref<80xi32, #tpu.memory_space<hbm>>
        tpu.wait_dma2 semaphore(%run_scoped3A : memref<!tpu.dma_semaphore, #tpu.memory_space<semaphore_mem>>) src(%dma_wait3A_303 : memref<80xi32, #tpu.memory_space<hbm>>) dst(%arg8 : memref<80xi32, #tpu.memory_space<vmem>>)
        tpu.yield
      }) : () -> ()
      %dma_start3A_41 = arith.constant 0 : i32
      %dma_start3A_42 = arith.constant 0 : i32
      %dma_start3A_43 = tpu.memref_slice %arg2[%dma_start3A_41, %dma_start3A_42] : memref<16000x128xf32, #tpu.memory_space<hbm>> -> memref<16000x128xf32, #tpu.memory_space<hbm>>
      tpu.enqueue_indirect_dma source(%dma_start3A_43 : memref<16000x128xf32, #tpu.memory_space<hbm>>) target(%arg12 : memref<80x128xf32, #tpu.memory_space<vmem>>) offsets(%arg8 : memref<80xi32, #tpu.memory_space<vmem>>) semaphore(%arg16 : memref<!tpu.dma_semaphore, #tpu.memory_space<semaphore_mem>>)
      "tpu.region"() ({
        %run_scoped3A = tpu.sem_alloc : memref<!tpu.dma_semaphore, #tpu.memory_space<semaphore_mem>>
        %dma_start3A_300 = tpu.memref_slice %arg4[%add3A] : memref<256000xi32, #tpu.memory_space<hbm>> -> memref<80xi32, #tpu.memory_space<hbm>>
        %dma_start3A_301 = tpu.memref_slice %arg4[%add3A] : memref<256000xi32, #tpu.memory_space<hbm>> -> memref<80xi32, #tpu.memory_space<hbm>>
        tpu.enqueue_dma source(%dma_start3A_301 : memref<80xi32, #tpu.memory_space<hbm>>) target(%arg9 : memref<80xi32, #tpu.memory_space<vmem>>) target_semaphore(%run_scoped3A : memref<!tpu.dma_semaphore, #tpu.memory_space<semaphore_mem>>)
        %dma_wait3A_302 = tpu.memref_slice %arg4[%add3A] : memref<256000xi32, #tpu.memory_space<hbm>> -> memref<80xi32, #tpu.memory_space<hbm>>
        %dma_wait3A_303 = tpu.memref_slice %arg4[%add3A] : memref<256000xi32, #tpu.memory_space<hbm>> -> memref<80xi32, #tpu.memory_space<hbm>>
        tpu.wait_dma2 semaphore(%run_scoped3A : memref<!tpu.dma_semaphore, #tpu.memory_space<semaphore_mem>>) src(%dma_wait3A_303 : memref<80xi32, #tpu.memory_space<hbm>>) dst(%arg9 : memref<80xi32, #tpu.memory_space<vmem>>)
        tpu.yield
      }) : () -> ()
      %get3A = arith.constant 0 : index
      %get3A_44 = tpu.vector_load %arg9[%get3A] {strides = array<i32>} : memref<80xi32, #tpu.memory_space<vmem>>, vector<16xi32>,
      %get3A_45 = vector.shape_cast %get3A_44 : vector<16xi32> to vector<16xi32>
      %mul3A_46 = arith.constant 8000 : i32
      %mul3A_47 = arith.muli %arg0, %mul3A_46 : i32
      %sub3A = vector.broadcast %mul3A_47 : i32 to vector<16xi32>
      %sub3A_48 = arith.subi %get3A_45, %sub3A : vector<16xi32>
      %ge3A = arith.constant 0 : i32
      %ge3A_49 = vector.broadcast %ge3A : i32 to vector<16xi32>
      %ge3A_50 = arith.cmpi sge, %sub3A_48, %ge3A_49 : vector<16xi32>
      %lt3A_51 = arith.constant 8000 : i32
      %lt3A_52 = vector.broadcast %lt3A_51 : i32 to vector<16xi32>
      %lt3A_53 = arith.cmpi slt, %sub3A_48, %lt3A_52 : vector<16xi32>
      %and3A = arith.andi %ge3A_50, %lt3A_53 : vector<16xi1>
      %and3A_54 = arith.constant 7 : i32
      %and3A_55 = vector.broadcast %and3A_54 : i32 to vector<16xi32>
      %and3A_56 = arith.andi %get3A_45, %and3A_55 : vector<16xi32>
      %add3A_57 = arith.constant 8000 : i32
      %add3A_58 = vector.broadcast %add3A_57 : i32 to vector<16xi32>
      %add3A_59 = arith.addi %add3A_58, %and3A_56 : vector<16xi32>
      %select_n3A = arith.select %and3A, %sub3A_48, %add3A_59 : vector<16xi1>, vector<16xi32>
      %swap3A = arith.constant 0 : index
      %swap3A_60 = tpu.vector_load %arg9[%swap3A] {strides = array<i32>} : memref<80xi32, #tpu.memory_space<vmem>>, vector<16xi32>,
      %swap3A_61 = vector.shape_cast %swap3A_60 : vector<16xi32> to vector<16xi32>
      %swap3A_62 = vector.shape_cast %select_n3A : vector<16xi32> to vector<16xi32>
      tpu.vector_store %arg9[%swap3A], %swap3A_62 {strides = array<i32>} : memref<80xi32, #tpu.memory_space<vmem>>, vector<16xi32>,
      %get3A_63 = arith.constant 16 : index
      %get3A_64 = tpu.vector_load %arg9[%get3A_63] {strides = array<i32>} : memref<80xi32, #tpu.memory_space<vmem>>, vector<16xi32>,
      %get3A_65 = vector.shape_cast %get3A_64 : vector<16xi32> to vector<16xi32>
      %mul3A_66 = arith.constant 8000 : i32
      %mul3A_67 = arith.muli %arg0, %mul3A_66 : i32
      %sub3A_68 = vector.broadcast %mul3A_67 : i32 to vector<16xi32>
      %sub3A_69 = arith.subi %get3A_65, %sub3A_68 : vector<16xi32>
      %ge3A_70 = arith.constant 0 : i32
      %ge3A_71 = vector.broadcast %ge3A_70 : i32 to vector<16xi32>
      %ge3A_72 = arith.cmpi sge, %sub3A_69, %ge3A_71 : vector<16xi32>
      %lt3A_73 = arith.constant 8000 : i32
      %lt3A_74 = vector.broadcast %lt3A_73 : i32 to vector<16xi32>
      %lt3A_75 = arith.cmpi slt, %sub3A_69, %lt3A_74 : vector<16xi32>
      %and3A_76 = arith.andi %ge3A_72, %lt3A_75 : vector<16xi1>
      %and3A_77 = arith.constant 7 : i32
      %and3A_78 = vector.broadcast %and3A_77 : i32 to vector<16xi32>
      %and3A_79 = arith.andi %get3A_65, %and3A_78 : vector<16xi32>
      %add3A_80 = arith.constant 8000 : i32
      %add3A_81 = vector.broadcast %add3A_80 : i32 to vector<16xi32>
      %add3A_82 = arith.addi %add3A_81, %and3A_79 : vector<16xi32>
      %select_n3A_83 = arith.select %and3A_76, %sub3A_69, %add3A_82 : vector<16xi1>, vector<16xi32>
      %swap3A_84 = arith.constant 16 : index
      %swap3A_85 = tpu.vector_load %arg9[%swap3A_84] {strides = array<i32>} : memref<80xi32, #tpu.memory_space<vmem>>, vector<16xi32>,
      %swap3A_86 = vector.shape_cast %swap3A_85 : vector<16xi32> to vector<16xi32>
      %swap3A_87 = vector.shape_cast %select_n3A_83 : vector<16xi32> to vector<16xi32>
      tpu.vector_store %arg9[%swap3A_84], %swap3A_87 {strides = array<i32>} : memref<80xi32, #tpu.memory_space<vmem>>, vector<16xi32>,
      %get3A_88 = arith.constant 32 : index
      %get3A_89 = tpu.vector_load %arg9[%get3A_88] {strides = array<i32>} : memref<80xi32, #tpu.memory_space<vmem>>, vector<16xi32>,
      %get3A_90 = vector.shape_cast %get3A_89 : vector<16xi32> to vector<16xi32>
      %mul3A_91 = arith.constant 8000 : i32
      %mul3A_92 = arith.muli %arg0, %mul3A_91 : i32
      %sub3A_93 = vector.broadcast %mul3A_92 : i32 to vector<16xi32>
      %sub3A_94 = arith.subi %get3A_90, %sub3A_93 : vector<16xi32>
      %ge3A_95 = arith.constant 0 : i32
      %ge3A_96 = vector.broadcast %ge3A_95 : i32 to vector<16xi32>
      %ge3A_97 = arith.cmpi sge, %sub3A_94, %ge3A_96 : vector<16xi32>
      %lt3A_98 = arith.constant 8000 : i32
      %lt3A_99 = vector.broadcast %lt3A_98 : i32 to vector<16xi32>
      %lt3A_100 = arith.cmpi slt, %sub3A_94, %lt3A_99 : vector<16xi32>
      %and3A_101 = arith.andi %ge3A_97, %lt3A_100 : vector<16xi1>
      %and3A_102 = arith.constant 7 : i32
      %and3A_103 = vector.broadcast %and3A_102 : i32 to vector<16xi32>
      %and3A_104 = arith.andi %get3A_90, %and3A_103 : vector<16xi32>
      %add3A_105 = arith.constant 8000 : i32
      %add3A_106 = vector.broadcast %add3A_105 : i32 to vector<16xi32>
      %add3A_107 = arith.addi %add3A_106, %and3A_104 : vector<16xi32>
      %select_n3A_108 = arith.select %and3A_101, %sub3A_94, %add3A_107 : vector<16xi1>, vector<16xi32>
      %swap3A_109 = arith.constant 32 : index
      %swap3A_110 = tpu.vector_load %arg9[%swap3A_109] {strides = array<i32>} : memref<80xi32, #tpu.memory_space<vmem>>, vector<16xi32>,
      %swap3A_111 = vector.shape_cast %swap3A_110 : vector<16xi32> to vector<16xi32>
      %swap3A_112 = vector.shape_cast %select_n3A_108 : vector<16xi32> to vector<16xi32>
      tpu.vector_store %arg9[%swap3A_109], %swap3A_112 {strides = array<i32>} : memref<80xi32, #tpu.memory_space<vmem>>, vector<16xi32>,
      %get3A_113 = arith.constant 48 : index
      %get3A_114 = tpu.vector_load %arg9[%get3A_113] {strides = array<i32>} : memref<80xi32, #tpu.memory_space<vmem>>, vector<16xi32>,
      %get3A_115 = vector.shape_cast %get3A_114 : vector<16xi32> to vector<16xi32>
      %mul3A_116 = arith.constant 8000 : i32
      %mul3A_117 = arith.muli %arg0, %mul3A_116 : i32
      %sub3A_118 = vector.broadcast %mul3A_117 : i32 to vector<16xi32>
      %sub3A_119 = arith.subi %get3A_115, %sub3A_118 : vector<16xi32>
      %ge3A_120 = arith.constant 0 : i32
      %ge3A_121 = vector.broadcast %ge3A_120 : i32 to vector<16xi32>
      %ge3A_122 = arith.cmpi sge, %sub3A_119, %ge3A_121 : vector<16xi32>
      %lt3A_123 = arith.constant 8000 : i32
      %lt3A_124 = vector.broadcast %lt3A_123 : i32 to vector<16xi32>
      %lt3A_125 = arith.cmpi slt, %sub3A_119, %lt3A_124 : vector<16xi32>
      %and3A_126 = arith.andi %ge3A_122, %lt3A_125 : vector<16xi1>
      %and3A_127 = arith.constant 7 : i32
      %and3A_128 = vector.broadcast %and3A_127 : i32 to vector<16xi32>
      %and3A_129 = arith.andi %get3A_115, %and3A_128 : vector<16xi32>
      %add3A_130 = arith.constant 8000 : i32
      %add3A_131 = vector.broadcast %add3A_130 : i32 to vector<16xi32>
      %add3A_132 = arith.addi %add3A_131, %and3A_129 : vector<16xi32>
      %select_n3A_133 = arith.select %and3A_126, %sub3A_119, %add3A_132 : vector<16xi1>, vector<16xi32>
      %swap3A_134 = arith.constant 48 : index
      %swap3A_135 = tpu.vector_load %arg9[%swap3A_134] {strides = array<i32>} : memref<80xi32, #tpu.memory_space<vmem>>, vector<16xi32>,
      %swap3A_136 = vector.shape_cast %swap3A_135 : vector<16xi32> to vector<16xi32>
      %swap3A_137 = vector.shape_cast %select_n3A_133 : vector<16xi32> to vector<16xi32>
      tpu.vector_store %arg9[%swap3A_134], %swap3A_137 {strides = array<i32>} : memref<80xi32, #tpu.memory_space<vmem>>, vector<16xi32>,
      %get3A_138 = arith.constant 64 : index
      %get3A_139 = tpu.vector_load %arg9[%get3A_138] {strides = array<i32>} : memref<80xi32, #tpu.memory_space<vmem>>, vector<16xi32>,
      %get3A_140 = vector.shape_cast %get3A_139 : vector<16xi32> to vector<16xi32>
      %mul3A_141 = arith.constant 8000 : i32
      %mul3A_142 = arith.muli %arg0, %mul3A_141 : i32
      %sub3A_143 = vector.broadcast %mul3A_142 : i32 to vector<16xi32>
      %sub3A_144 = arith.subi %get3A_140, %sub3A_143 : vector<16xi32>
      %ge3A_145 = arith.constant 0 : i32
      %ge3A_146 = vector.broadcast %ge3A_145 : i32 to vector<16xi32>
      %ge3A_147 = arith.cmpi sge, %sub3A_144, %ge3A_146 : vector<16xi32>
      %lt3A_148 = arith.constant 8000 : i32
      %lt3A_149 = vector.broadcast %lt3A_148 : i32 to vector<16xi32>
      %lt3A_150 = arith.cmpi slt, %sub3A_144, %lt3A_149 : vector<16xi32>
      %and3A_151 = arith.andi %ge3A_147, %lt3A_150 : vector<16xi1>
      %and3A_152 = arith.constant 7 : i32
      %and3A_153 = vector.broadcast %and3A_152 : i32 to vector<16xi32>
      %and3A_154 = arith.andi %get3A_140, %and3A_153 : vector<16xi32>
      %add3A_155 = arith.constant 8000 : i32
      %add3A_156 = vector.broadcast %add3A_155 : i32 to vector<16xi32>
      %add3A_157 = arith.addi %add3A_156, %and3A_154 : vector<16xi32>
      %select_n3A_158 = arith.select %and3A_151, %sub3A_144, %add3A_157 : vector<16xi1>, vector<16xi32>
      %swap3A_159 = arith.constant 64 : index
      %swap3A_160 = tpu.vector_load %arg9[%swap3A_159] {strides = array<i32>} : memref<80xi32, #tpu.memory_space<vmem>>, vector<16xi32>,
      %swap3A_161 = vector.shape_cast %swap3A_160 : vector<16xi32> to vector<16xi32>
      %swap3A_162 = vector.shape_cast %select_n3A_158 : vector<16xi32> to vector<16xi32>
      tpu.vector_store %arg9[%swap3A_159], %swap3A_162 {strides = array<i32>} : memref<80xi32, #tpu.memory_space<vmem>>, vector<16xi32>,
      "tpu.region"() ({
        %run_scoped3A = tpu.sem_alloc : memref<!tpu.dma_semaphore, #tpu.memory_space<semaphore_mem>>
        %dma_start3A_300 = tpu.memref_slice %arg4[%add3A_34] : memref<256000xi32, #tpu.memory_space<hbm>> -> memref<80xi32, #tpu.memory_space<hbm>>
        %dma_start3A_301 = tpu.memref_slice %arg4[%add3A_34] : memref<256000xi32, #tpu.memory_space<hbm>> -> memref<80xi32, #tpu.memory_space<hbm>>
        tpu.enqueue_dma source(%dma_start3A_301 : memref<80xi32, #tpu.memory_space<hbm>>) target(%arg10 : memref<80xi32, #tpu.memory_space<vmem>>) target_semaphore(%run_scoped3A : memref<!tpu.dma_semaphore, #tpu.memory_space<semaphore_mem>>)
        %dma_wait3A_302 = tpu.memref_slice %arg4[%add3A_34] : memref<256000xi32, #tpu.memory_space<hbm>> -> memref<80xi32, #tpu.memory_space<hbm>>
        %dma_wait3A_303 = tpu.memref_slice %arg4[%add3A_34] : memref<256000xi32, #tpu.memory_space<hbm>> -> memref<80xi32, #tpu.memory_space<hbm>>
        tpu.wait_dma2 semaphore(%run_scoped3A : memref<!tpu.dma_semaphore, #tpu.memory_space<semaphore_mem>>) src(%dma_wait3A_303 : memref<80xi32, #tpu.memory_space<hbm>>) dst(%arg10 : memref<80xi32, #tpu.memory_space<vmem>>)
        tpu.yield
      }) : () -> ()
      %get3A_163 = arith.constant 0 : index
      %get3A_164 = tpu.vector_load %arg10[%get3A_163] {strides = array<i32>} : memref<80xi32, #tpu.memory_space<vmem>>, vector<16xi32>,
      %get3A_165 = vector.shape_cast %get3A_164 : vector<16xi32> to vector<16xi32>
      %mul3A_166 = arith.constant 8000 : i32
      %mul3A_167 = arith.muli %arg0, %mul3A_166 : i32
      %sub3A_168 = vector.broadcast %mul3A_167 : i32 to vector<16xi32>
      %sub3A_169 = arith.subi %get3A_165, %sub3A_168 : vector<16xi32>
      %ge3A_170 = arith.constant 0 : i32
      %ge3A_171 = vector.broadcast %ge3A_170 : i32 to vector<16xi32>
      %ge3A_172 = arith.cmpi sge, %sub3A_169, %ge3A_171 : vector<16xi32>
      %lt3A_173 = arith.constant 8000 : i32
      %lt3A_174 = vector.broadcast %lt3A_173 : i32 to vector<16xi32>
      %lt3A_175 = arith.cmpi slt, %sub3A_169, %lt3A_174 : vector<16xi32>
      %and3A_176 = arith.andi %ge3A_172, %lt3A_175 : vector<16xi1>
      %and3A_177 = arith.constant 7 : i32
      %and3A_178 = vector.broadcast %and3A_177 : i32 to vector<16xi32>
      %and3A_179 = arith.andi %get3A_165, %and3A_178 : vector<16xi32>
      %add3A_180 = arith.constant 8000 : i32
      %add3A_181 = vector.broadcast %add3A_180 : i32 to vector<16xi32>
      %add3A_182 = arith.addi %add3A_181, %and3A_179 : vector<16xi32>
      %select_n3A_183 = arith.select %and3A_176, %sub3A_169, %add3A_182 : vector<16xi1>, vector<16xi32>
      %swap3A_184 = arith.constant 0 : index
      %swap3A_185 = tpu.vector_load %arg10[%swap3A_184] {strides = array<i32>} : memref<80xi32, #tpu.memory_space<vmem>>, vector<16xi32>,
      %swap3A_186 = vector.shape_cast %swap3A_185 : vector<16xi32> to vector<16xi32>
      %swap3A_187 = vector.shape_cast %select_n3A_183 : vector<16xi32> to vector<16xi32>
      tpu.vector_store %arg10[%swap3A_184], %swap3A_187 {strides = array<i32>} : memref<80xi32, #tpu.memory_space<vmem>>, vector<16xi32>,
      %get3A_188 = arith.constant 16 : index
      %get3A_189 = tpu.vector_load %arg10[%get3A_188] {strides = array<i32>} : memref<80xi32, #tpu.memory_space<vmem>>, vector<16xi32>,
      %get3A_190 = vector.shape_cast %get3A_189 : vector<16xi32> to vector<16xi32>
      %mul3A_191 = arith.constant 8000 : i32
      %mul3A_192 = arith.muli %arg0, %mul3A_191 : i32
      %sub3A_193 = vector.broadcast %mul3A_192 : i32 to vector<16xi32>
      %sub3A_194 = arith.subi %get3A_190, %sub3A_193 : vector<16xi32>
      %ge3A_195 = arith.constant 0 : i32
      %ge3A_196 = vector.broadcast %ge3A_195 : i32 to vector<16xi32>
      %ge3A_197 = arith.cmpi sge, %sub3A_194, %ge3A_196 : vector<16xi32>
      %lt3A_198 = arith.constant 8000 : i32
      %lt3A_199 = vector.broadcast %lt3A_198 : i32 to vector<16xi32>
      %lt3A_200 = arith.cmpi slt, %sub3A_194, %lt3A_199 : vector<16xi32>
      %and3A_201 = arith.andi %ge3A_197, %lt3A_200 : vector<16xi1>
      %and3A_202 = arith.constant 7 : i32
      %and3A_203 = vector.broadcast %and3A_202 : i32 to vector<16xi32>
      %and3A_204 = arith.andi %get3A_190, %and3A_203 : vector<16xi32>
      %add3A_205 = arith.constant 8000 : i32
      %add3A_206 = vector.broadcast %add3A_205 : i32 to vector<16xi32>
      %add3A_207 = arith.addi %add3A_206, %and3A_204 : vector<16xi32>
      %select_n3A_208 = arith.select %and3A_201, %sub3A_194, %add3A_207 : vector<16xi1>, vector<16xi32>
      %swap3A_209 = arith.constant 16 : index
      %swap3A_210 = tpu.vector_load %arg10[%swap3A_209] {strides = array<i32>} : memref<80xi32, #tpu.memory_space<vmem>>, vector<16xi32>,
      %swap3A_211 = vector.shape_cast %swap3A_210 : vector<16xi32> to vector<16xi32>
      %swap3A_212 = vector.shape_cast %select_n3A_208 : vector<16xi32> to vector<16xi32>
      tpu.vector_store %arg10[%swap3A_209], %swap3A_212 {strides = array<i32>} : memref<80xi32, #tpu.memory_space<vmem>>, vector<16xi32>,
      %get3A_213 = arith.constant 32 : index
      %get3A_214 = tpu.vector_load %arg10[%get3A_213] {strides = array<i32>} : memref<80xi32, #tpu.memory_space<vmem>>, vector<16xi32>,
      %get3A_215 = vector.shape_cast %get3A_214 : vector<16xi32> to vector<16xi32>
      %mul3A_216 = arith.constant 8000 : i32
      %mul3A_217 = arith.muli %arg0, %mul3A_216 : i32
      %sub3A_218 = vector.broadcast %mul3A_217 : i32 to vector<16xi32>
      %sub3A_219 = arith.subi %get3A_215, %sub3A_218 : vector<16xi32>
      %ge3A_220 = arith.constant 0 : i32
      %ge3A_221 = vector.broadcast %ge3A_220 : i32 to vector<16xi32>
      %ge3A_222 = arith.cmpi sge, %sub3A_219, %ge3A_221 : vector<16xi32>
      %lt3A_223 = arith.constant 8000 : i32
      %lt3A_224 = vector.broadcast %lt3A_223 : i32 to vector<16xi32>
      %lt3A_225 = arith.cmpi slt, %sub3A_219, %lt3A_224 : vector<16xi32>
      %and3A_226 = arith.andi %ge3A_222, %lt3A_225 : vector<16xi1>
      %and3A_227 = arith.constant 7 : i32
      %and3A_228 = vector.broadcast %and3A_227 : i32 to vector<16xi32>
      %and3A_229 = arith.andi %get3A_215, %and3A_228 : vector<16xi32>
      %add3A_230 = arith.constant 8000 : i32
      %add3A_231 = vector.broadcast %add3A_230 : i32 to vector<16xi32>
      %add3A_232 = arith.addi %add3A_231, %and3A_229 : vector<16xi32>
      %select_n3A_233 = arith.select %and3A_226, %sub3A_219, %add3A_232 : vector<16xi1>, vector<16xi32>
      %swap3A_234 = arith.constant 32 : index
      %swap3A_235 = tpu.vector_load %arg10[%swap3A_234] {strides = array<i32>} : memref<80xi32, #tpu.memory_space<vmem>>, vector<16xi32>,
      %swap3A_236 = vector.shape_cast %swap3A_235 : vector<16xi32> to vector<16xi32>
      %swap3A_237 = vector.shape_cast %select_n3A_233 : vector<16xi32> to vector<16xi32>
      tpu.vector_store %arg10[%swap3A_234], %swap3A_237 {strides = array<i32>} : memref<80xi32, #tpu.memory_space<vmem>>, vector<16xi32>,
      %get3A_238 = arith.constant 48 : index
      %get3A_239 = tpu.vector_load %arg10[%get3A_238] {strides = array<i32>} : memref<80xi32, #tpu.memory_space<vmem>>, vector<16xi32>,
      %get3A_240 = vector.shape_cast %get3A_239 : vector<16xi32> to vector<16xi32>
      %mul3A_241 = arith.constant 8000 : i32
      %mul3A_242 = arith.muli %arg0, %mul3A_241 : i32
      %sub3A_243 = vector.broadcast %mul3A_242 : i32 to vector<16xi32>
      %sub3A_244 = arith.subi %get3A_240, %sub3A_243 : vector<16xi32>
      %ge3A_245 = arith.constant 0 : i32
      %ge3A_246 = vector.broadcast %ge3A_245 : i32 to vector<16xi32>
      %ge3A_247 = arith.cmpi sge, %sub3A_244, %ge3A_246 : vector<16xi32>
      %lt3A_248 = arith.constant 8000 : i32
      %lt3A_249 = vector.broadcast %lt3A_248 : i32 to vector<16xi32>
      %lt3A_250 = arith.cmpi slt, %sub3A_244, %lt3A_249 : vector<16xi32>
      %and3A_251 = arith.andi %ge3A_247, %lt3A_250 : vector<16xi1>
      %and3A_252 = arith.constant 7 : i32
      %and3A_253 = vector.broadcast %and3A_252 : i32 to vector<16xi32>
      %and3A_254 = arith.andi %get3A_240, %and3A_253 : vector<16xi32>
      %add3A_255 = arith.constant 8000 : i32
      %add3A_256 = vector.broadcast %add3A_255 : i32 to vector<16xi32>
      %add3A_257 = arith.addi %add3A_256, %and3A_254 : vector<16xi32>
      %select_n3A_258 = arith.select %and3A_251, %sub3A_244, %add3A_257 : vector<16xi1>, vector<16xi32>
      %swap3A_259 = arith.constant 48 : index
      %swap3A_260 = tpu.vector_load %arg10[%swap3A_259] {strides = array<i32>} : memref<80xi32, #tpu.memory_space<vmem>>, vector<16xi32>,
      %swap3A_261 = vector.shape_cast %swap3A_260 : vector<16xi32> to vector<16xi32>
      %swap3A_262 = vector.shape_cast %select_n3A_258 : vector<16xi32> to vector<16xi32>
      tpu.vector_store %arg10[%swap3A_259], %swap3A_262 {strides = array<i32>} : memref<80xi32, #tpu.memory_space<vmem>>, vector<16xi32>,
      %get3A_263 = arith.constant 64 : index
      %get3A_264 = tpu.vector_load %arg10[%get3A_263] {strides = array<i32>} : memref<80xi32, #tpu.memory_space<vmem>>, vector<16xi32>,
      %get3A_265 = vector.shape_cast %get3A_264 : vector<16xi32> to vector<16xi32>
      %mul3A_266 = arith.constant 8000 : i32
      %mul3A_267 = arith.muli %arg0, %mul3A_266 : i32
      %sub3A_268 = vector.broadcast %mul3A_267 : i32 to vector<16xi32>
      %sub3A_269 = arith.subi %get3A_265, %sub3A_268 : vector<16xi32>
      %ge3A_270 = arith.constant 0 : i32
      %ge3A_271 = vector.broadcast %ge3A_270 : i32 to vector<16xi32>
      %ge3A_272 = arith.cmpi sge, %sub3A_269, %ge3A_271 : vector<16xi32>
      %lt3A_273 = arith.constant 8000 : i32
      %lt3A_274 = vector.broadcast %lt3A_273 : i32 to vector<16xi32>
      %lt3A_275 = arith.cmpi slt, %sub3A_269, %lt3A_274 : vector<16xi32>
      %and3A_276 = arith.andi %ge3A_272, %lt3A_275 : vector<16xi1>
      %and3A_277 = arith.constant 7 : i32
      %and3A_278 = vector.broadcast %and3A_277 : i32 to vector<16xi32>
      %and3A_279 = arith.andi %get3A_265, %and3A_278 : vector<16xi32>
      %add3A_280 = arith.constant 8000 : i32
      %add3A_281 = vector.broadcast %add3A_280 : i32 to vector<16xi32>
      %add3A_282 = arith.addi %add3A_281, %and3A_279 : vector<16xi32>
      %select_n3A_283 = arith.select %and3A_276, %sub3A_269, %add3A_282 : vector<16xi1>, vector<16xi32>
      %swap3A_284 = arith.constant 64 : index
      %swap3A_285 = tpu.vector_load %arg10[%swap3A_284] {strides = array<i32>} : memref<80xi32, #tpu.memory_space<vmem>>, vector<16xi32>,
      %swap3A_286 = vector.shape_cast %swap3A_285 : vector<16xi32> to vector<16xi32>
      %swap3A_287 = vector.shape_cast %select_n3A_283 : vector<16xi32> to vector<16xi32>
      tpu.vector_store %arg10[%swap3A_284], %swap3A_287 {strides = array<i32>} : memref<80xi32, #tpu.memory_space<vmem>>, vector<16xi32>,
      %dma_wait3A_288 = arith.constant 0 : i32
      %dma_wait3A_289 = arith.constant 0 : i32
      %dma_wait3A_290 = tpu.memref_slice %arg2[%dma_wait3A_288, %dma_wait3A_289] : memref<16000x128xf32, #tpu.memory_space<hbm>> -> memref<16000x128xf32, #tpu.memory_space<hbm>>
      tpu.wait_indirect_dma semaphore(%arg15 : memref<!tpu.dma_semaphore, #tpu.memory_space<semaphore_mem>>) src(%dma_wait3A_290 : memref<16000x128xf32, #tpu.memory_space<hbm>>) dst(%arg11 : memref<80x128xf32, #tpu.memory_space<vmem>>)
      %dma_start3A_291 = arith.constant 0 : i32
      %dma_start3A_292 = arith.constant 0 : i32
      %dma_start3A_293 = tpu.memref_slice %arg14[%dma_start3A_291, %dma_start3A_292] : memref<8008x128xf32, #tpu.memory_space<vmem_shared>> -> memref<8008x128xf32, #tpu.memory_space<vmem_shared>>
      tpu.enqueue_indirect_dma source(%arg11 : memref<80x128xf32, #tpu.memory_space<vmem>>) target(%dma_start3A_293 : memref<8008x128xf32, #tpu.memory_space<vmem_shared>>) offsets(%arg9 : memref<80xi32, #tpu.memory_space<vmem>>) semaphore(%arg17 : memref<!tpu.dma_semaphore, #tpu.memory_space<semaphore_mem>>) {add = true}
      %dma_wait3A_294 = arith.constant 0 : i32
      %dma_wait3A_295 = arith.constant 0 : i32
      %dma_wait3A_296 = tpu.memref_slice %arg2[%dma_wait3A_294, %dma_wait3A_295] : memref<16000x128xf32, #tpu.memory_space<hbm>> -> memref<16000x128xf32, #tpu.memory_space<hbm>>
      tpu.wait_indirect_dma semaphore(%arg16 : memref<!tpu.dma_semaphore, #tpu.memory_space<semaphore_mem>>) src(%dma_wait3A_296 : memref<16000x128xf32, #tpu.memory_space<hbm>>) dst(%arg12 : memref<80x128xf32, #tpu.memory_space<vmem>>)
      %dma_start3A_297 = arith.constant 0 : i32
      %dma_start3A_298 = arith.constant 0 : i32
      %dma_start3A_299 = tpu.memref_slice %arg14[%dma_start3A_297, %dma_start3A_298] : memref<8008x128xf32, #tpu.memory_space<vmem_shared>> -> memref<8008x128xf32, #tpu.memory_space<vmem_shared>>
      tpu.enqueue_indirect_dma source(%arg12 : memref<80x128xf32, #tpu.memory_space<vmem>>) target(%dma_start3A_299 : memref<8008x128xf32, #tpu.memory_space<vmem_shared>>) offsets(%arg10 : memref<80xi32, #tpu.memory_space<vmem>>) semaphore(%arg18 : memref<!tpu.dma_semaphore, #tpu.memory_space<semaphore_mem>>) {add = true}
    }
    %scan3A_11 = arith.constant 100 : i32
    %dma_wait3A = arith.constant 0 : i32
    %dma_wait3A_12 = arith.constant 0 : i32
    %dma_wait3A_13 = tpu.memref_slice %arg14[%dma_wait3A, %dma_wait3A_12] : memref<8008x128xf32, #tpu.memory_space<vmem_shared>> -> memref<8008x128xf32, #tpu.memory_space<vmem_shared>>
    tpu.wait_indirect_dma semaphore(%arg17 : memref<!tpu.dma_semaphore, #tpu.memory_space<semaphore_mem>>) src(%arg11 : memref<80x128xf32, #tpu.memory_space<vmem>>) dst(%dma_wait3A_13 : memref<8008x128xf32, #tpu.memory_space<vmem_shared>>)
    %dma_wait3A_14 = arith.constant 0 : i32
    %dma_wait3A_15 = arith.constant 0 : i32
    %dma_wait3A_16 = tpu.memref_slice %arg14[%dma_wait3A_14, %dma_wait3A_15] : memref<8008x128xf32, #tpu.memory_space<vmem_shared>> -> memref<8008x128xf32, #tpu.memory_space<vmem_shared>>
    tpu.wait_indirect_dma semaphore(%arg18 : memref<!tpu.dma_semaphore, #tpu.memory_space<semaphore_mem>>) src(%arg12 : memref<80x128xf32, #tpu.memory_space<vmem>>) dst(%dma_wait3A_16 : memref<8008x128xf32, #tpu.memory_space<vmem_shared>>)
    %barrier3A_17 = arith.constant 0 : index
    tpu.barrier barrier_id(%barrier3A_17)
    %lt3A_18 = arith.constant 8 : i32
    %lt3A_19 = arith.cmpi slt, %arg1, %lt3A_18 : i32
    %convert_element_type3A_20 = arith.extui %lt3A_19 : i1 to i32
    %cond3A_21 = arith.constant 0 : i32
    %cond3A_22 = arith.cmpi ne, %convert_element_type3A_20, %cond3A_21 : i32
    scf.if %cond3A_22 {
      %scan3A_23 = arith.constant 0 : i32
      %scan3A_24 = arith.constant 0 : i32
      %scan3A_25 = arith.constant 5 : i32
      %scan3A_26 = arith.addi %scan3A_24, %scan3A_25 : i32
      %scan3A_27 = arith.constant 1 : i32
      scf.for %scan3A_29 = %scan3A_24 to %scan3A_26 step %scan3A_27  : i32 {
        %mul3A_30 = arith.constant 1000 : i32
        %mul3A_31 = arith.muli %arg1, %mul3A_30 : i32
        %mul3A_32 = arith.constant 200 : i32
        %mul3A_33 = arith.muli %scan3A_29, %mul3A_32 : i32
        %add3A = arith.addi %mul3A_31, %mul3A_33 : i32
        "tpu.region"() ({
          %run_scoped3A = tpu.sem_alloc : memref<!tpu.dma_semaphore, #tpu.memory_space<semaphore_mem>>
          %dma_start3A = arith.constant 0 : i32
          %dma_start3A_42 = tpu.memref_slice %arg14[%add3A, %dma_start3A] : memref<8008x128xf32, #tpu.memory_space<vmem_shared>> -> memref<200x128xf32, #tpu.memory_space<vmem_shared>>
          %dma_start3A_43 = arith.constant 0 : i32
          %dma_start3A_44 = tpu.memref_slice %arg14[%add3A, %dma_start3A_43] : memref<8008x128xf32, #tpu.memory_space<vmem_shared>> -> memref<200x128xf32, #tpu.memory_space<vmem_shared>>
          tpu.enqueue_dma source(%dma_start3A_44 : memref<200x128xf32, #tpu.memory_space<vmem_shared>>) target(%arg13 : memref<200x128xf32, #tpu.memory_space<vmem>>) target_semaphore(%run_scoped3A : memref<!tpu.dma_semaphore, #tpu.memory_space<semaphore_mem>>)
          %dma_wait3A_45 = arith.constant 0 : i32
          %dma_wait3A_46 = tpu.memref_slice %arg14[%add3A, %dma_wait3A_45] : memref<8008x128xf32, #tpu.memory_space<vmem_shared>> -> memref<200x128xf32, #tpu.memory_space<vmem_shared>>
          %dma_wait3A_47 = arith.constant 0 : i32
          %dma_wait3A_48 = tpu.memref_slice %arg14[%add3A, %dma_wait3A_47] : memref<8008x128xf32, #tpu.memory_space<vmem_shared>> -> memref<200x128xf32, #tpu.memory_space<vmem_shared>>
          tpu.wait_dma2 semaphore(%run_scoped3A : memref<!tpu.dma_semaphore, #tpu.memory_space<semaphore_mem>>) src(%dma_wait3A_48 : memref<200x128xf32, #tpu.memory_space<vmem_shared>>) dst(%arg13 : memref<200x128xf32, #tpu.memory_space<vmem>>)
          tpu.yield
        }) : () -> ()
        %mul3A_34 = arith.constant 8000 : i32
        %mul3A_35 = arith.muli %arg0, %mul3A_34 : i32
        %mul3A_36 = arith.constant 1000 : i32
        %mul3A_37 = arith.muli %arg1, %mul3A_36 : i32
        %add3A_38 = arith.addi %mul3A_35, %mul3A_37 : i32
        %mul3A_39 = arith.constant 200 : i32
        %mul3A_40 = arith.muli %scan3A_29, %mul3A_39 : i32
        %add3A_41 = arith.addi %add3A_38, %mul3A_40 : i32
        "tpu.region"() ({
          %run_scoped3A = tpu.sem_alloc : memref<!tpu.dma_semaphore, #tpu.memory_space<semaphore_mem>>
          %dma_start3A = arith.constant 0 : i32
          %dma_start3A_42 = tpu.memref_slice %arg6[%add3A_41, %dma_start3A] : memref<16000x128xf32, #tpu.memory_space<hbm>> -> memref<200x128xf32, #tpu.memory_space<hbm>>
          %dma_start3A_43 = arith.constant 0 : i32
          %dma_start3A_44 = tpu.memref_slice %arg6[%add3A_41, %dma_start3A_43] : memref<16000x128xf32, #tpu.memory_space<hbm>> -> memref<200x128xf32, #tpu.memory_space<hbm>>
          tpu.enqueue_dma source(%arg13 : memref<200x128xf32, #tpu.memory_space<vmem>>) target(%dma_start3A_44 : memref<200x128xf32, #tpu.memory_space<hbm>>) target_semaphore(%run_scoped3A : memref<!tpu.dma_semaphore, #tpu.memory_space<semaphore_mem>>)
          %dma_wait3A_45 = arith.constant 0 : i32
          %dma_wait3A_46 = tpu.memref_slice %arg6[%add3A_41, %dma_wait3A_45] : memref<16000x128xf32, #tpu.memory_space<hbm>> -> memref<200x128xf32, #tpu.memory_space<hbm>>
          %dma_wait3A_47 = arith.constant 0 : i32
          %dma_wait3A_48 = tpu.memref_slice %arg6[%add3A_41, %dma_wait3A_47] : memref<16000x128xf32, #tpu.memory_space<hbm>> -> memref<200x128xf32, #tpu.memory_space<hbm>>
          tpu.wait_dma2 semaphore(%run_scoped3A : memref<!tpu.dma_semaphore, #tpu.memory_space<semaphore_mem>>) src(%arg13 : memref<200x128xf32, #tpu.memory_space<vmem>>) dst(%dma_wait3A_48 : memref<200x128xf32, #tpu.memory_space<hbm>>)
          tpu.yield
        }) : () -> ()
      }
      %scan3A_28 = arith.constant 5 : i32
    } else {
    }
    return
  }
}

module attributes {stable_mosaic.version = 14 : i64} {
  func.func @_tc_mm1_body(%arg0: i32, %arg1: memref<2000x256xf32, #tpu.memory_space<vmem>>, %arg2: memref<256x128xf32, #tpu.memory_space<vmem>>, %arg3: memref<2000x1xf32, #tpu.memory_space<vmem>>, %arg4: memref<2000x128xf32, #tpu.memory_space<vmem>>, %arg5: memref<2000x1xf32, #tpu.memory_space<vmem>>) attributes {dimension_semantics = [#tpu.dimension_semantics<arbitrary>], iteration_bounds = array<i64: 8>, scalar_prefetch = 0 : i64, scratch_operands = 0 : i64, tpu.core_type = #tpu.core_type<tc>, window_params = [{transform_indices = @transform_0, window_bounds = array<i64: 2000, 256>}, {pipeline_mode = #tpu.pipeline_mode<synchronous>, transform_indices = @transform_1, window_bounds = array<i64: 256, 128>}, {transform_indices = @transform_2, window_bounds = array<i64: 2000, 1>}, {transform_indices = @transform_3, window_bounds = array<i64: 2000, 128>}, {transform_indices = @transform_4, window_bounds = array<i64: 2000, 1>}]} {
    %get3A = arith.constant 0 : index
    %get3A_0 = arith.constant 0 : index
    %get3A_1 = vector.load %arg3[%get3A, %get3A_0] : memref<2000x1xf32, #tpu.memory_space<vmem>>, vector<2000x1xf32>
    %add3A = arith.constant 1.000000e+00 : f32
    %add3A_2 = vector.broadcast %add3A : f32 to vector<2000x1xf32>
    %add3A_3 = arith.addf %get3A_1, %add3A_2 : vector<2000x1xf32>
    %rsqrt3A = math.rsqrt %add3A_3 : vector<2000x1xf32>
    %get3A_4 = arith.constant 0 : index
    %get3A_5 = arith.constant 0 : index
    %get3A_6 = vector.load %arg1[%get3A_4, %get3A_5] : memref<2000x256xf32, #tpu.memory_space<vmem>>, vector<2000x256xf32>
    %get3A_7 = arith.constant 0 : index
    %get3A_8 = arith.constant 0 : index
    %get3A_9 = vector.load %arg2[%get3A_7, %get3A_8] : memref<256x128xf32, #tpu.memory_space<vmem>>, vector<256x128xf32>
    %dot_general3A = arith.constant dense<0.000000e+00> : vector<2000x128xf32>
    %dot_general3A_10 = tpu.matmul %get3A_6, %get3A_9, %dot_general3A {dimension_numbers = #tpu.dot_dimension_numbers<[1], [0], [0], [1], [0, 0, 1, 1], [], []>, transpose_lhs_hint = false} : vector<2000x256xf32>, vector<256x128xf32>, vector<2000x128xf32> -> vector<2000x128xf32>
    %mul3A = vector.broadcast %rsqrt3A : vector<2000x1xf32> to vector<2000x128xf32>
    %mul3A_11 = arith.mulf %dot_general3A_10, %mul3A : vector<2000x128xf32>
    %swap3A = arith.constant 0 : index
    %swap3A_12 = arith.constant 0 : index
    %swap3A_13 = vector.load %arg4[%swap3A, %swap3A_12] : memref<2000x128xf32, #tpu.memory_space<vmem>>, vector<2000x128xf32>
    tpu.vector_store %arg4[%swap3A, %swap3A_12], %mul3A_11 {strides = array<i32>} : memref<2000x128xf32, #tpu.memory_space<vmem>>, vector<2000x128xf32>,
    %swap3A_14 = arith.constant 0 : index
    %swap3A_15 = arith.constant 0 : index
    %swap3A_16 = vector.load %arg5[%swap3A_14, %swap3A_15] : memref<2000x1xf32, #tpu.memory_space<vmem>>, vector<2000x1xf32>
    tpu.vector_store %arg5[%swap3A_14, %swap3A_15], %rsqrt3A {strides = array<i32>} : memref<2000x1xf32, #tpu.memory_space<vmem>>, vector<2000x1xf32>,
    return
  }
  func.func @transform_0(%arg0: i32) -> (i32, i32) {
    %c0_i32 = arith.constant 0 : i32
    %c0_i32_0 = arith.constant 0 : i32
    return %arg0, %c0_i32 : i32, i32
  }
  func.func @transform_1(%arg0: i32) -> (i32, i32) {
    %c0_i32 = arith.constant 0 : i32
    %c0_i32_0 = arith.constant 0 : i32
    %c0_i32_1 = arith.constant 0 : i32
    return %c0_i32, %c0_i32_0 : i32, i32
  }
  func.func @transform_2(%arg0: i32) -> (i32, i32) {
    %c0_i32 = arith.constant 0 : i32
    %c0_i32_0 = arith.constant 0 : i32
    return %arg0, %c0_i32 : i32, i32
  }
  func.func @transform_3(%arg0: i32) -> (i32, i32) {
    %c0_i32 = arith.constant 0 : i32
    %c0_i32_0 = arith.constant 0 : i32
    return %arg0, %c0_i32 : i32, i32
  }
  func.func @transform_4(%arg0: i32) -> (i32, i32) {
    %c0_i32 = arith.constant 0 : i32
    %c0_i32_0 = arith.constant 0 : i32
    return %arg0, %c0_i32 : i32, i32
  }
}

module attributes {stable_mosaic.version = 14 : i64} {
  func.func @_tc_mm2_body(%arg0: i32, %arg1: memref<2000x128xf32, #tpu.memory_space<vmem>>, %arg2: memref<2000x128xf32, #tpu.memory_space<vmem>>, %arg3: memref<2000x1xf32, #tpu.memory_space<vmem>>, %arg4: memref<1x128xf32, #tpu.memory_space<vmem>>, %arg5: memref<128x128xf32, #tpu.memory_space<vmem>>, %arg6: memref<1x128xf32, #tpu.memory_space<vmem>>, %arg7: memref<2000x128xf32, #tpu.memory_space<vmem>>, %arg8: memref<2000x128xf32, #tpu.memory_space<vmem>>) attributes {dimension_semantics = [#tpu.dimension_semantics<arbitrary>], iteration_bounds = array<i64: 8>, scalar_prefetch = 0 : i64, scratch_operands = 0 : i64, tpu.core_type = #tpu.core_type<tc>, window_params = [{transform_indices = @transform_0, window_bounds = array<i64: 2000, 128>}, {transform_indices = @transform_1, window_bounds = array<i64: 2000, 128>}, {transform_indices = @transform_2, window_bounds = array<i64: 2000, 1>}, {pipeline_mode = #tpu.pipeline_mode<synchronous>, transform_indices = @transform_3, window_bounds = array<i64: 1, 128>}, {pipeline_mode = #tpu.pipeline_mode<synchronous>, transform_indices = @transform_4, window_bounds = array<i64: 128, 128>}, {pipeline_mode = #tpu.pipeline_mode<synchronous>, transform_indices = @transform_5, window_bounds = array<i64: 1, 128>}, {transform_indices = @transform_6, window_bounds = array<i64: 2000, 128>}, {transform_indices = @transform_7, window_bounds = array<i64: 2000, 128>}]} {
    %get3A = arith.constant 0 : index
    %get3A_0 = arith.constant 0 : index
    %get3A_1 = vector.load %arg3[%get3A, %get3A_0] : memref<2000x1xf32, #tpu.memory_space<vmem>>, vector<2000x1xf32>
    %get3A_2 = arith.constant 0 : index
    %get3A_3 = arith.constant 0 : index
    %get3A_4 = vector.load %arg1[%get3A_2, %get3A_3] : memref<2000x128xf32, #tpu.memory_space<vmem>>, vector<2000x128xf32>
    %get3A_5 = arith.constant 0 : index
    %get3A_6 = arith.constant 0 : index
    %get3A_7 = vector.load %arg2[%get3A_5, %get3A_6] : memref<2000x128xf32, #tpu.memory_space<vmem>>, vector<2000x128xf32>
    %add3A = arith.addf %get3A_4, %get3A_7 : vector<2000x128xf32>
    %mul3A = vector.broadcast %get3A_1 : vector<2000x1xf32> to vector<2000x128xf32>
    %mul3A_8 = arith.mulf %mul3A, %add3A : vector<2000x128xf32>
    %get3A_9 = arith.constant 0 : index
    %get3A_10 = arith.constant 0 : index
    %get3A_11 = vector.load %arg4[%get3A_9, %get3A_10] : memref<1x128xf32, #tpu.memory_space<vmem>>, vector<1x128xf32>
    %add3A_12 = vector.broadcast %get3A_11 : vector<1x128xf32> to vector<2000x128xf32>
    %add3A_13 = arith.addf %mul3A_8, %add3A_12 : vector<2000x128xf32>
    %max3A = arith.constant 0.000000e+00 : f32
    %max3A_14 = vector.broadcast %max3A : f32 to vector<2000x128xf32>
    %max3A_15 = arith.maximumf %add3A_13, %max3A_14 : vector<2000x128xf32>
    %get3A_16 = arith.constant 0 : index
    %get3A_17 = arith.constant 0 : index
    %get3A_18 = vector.load %arg5[%get3A_16, %get3A_17] : memref<128x128xf32, #tpu.memory_space<vmem>>, vector<128x128xf32>
    %dot_general3A = arith.constant dense<0.000000e+00> : vector<2000x128xf32>
    %dot_general3A_19 = tpu.matmul %max3A_15, %get3A_18, %dot_general3A {dimension_numbers = #tpu.dot_dimension_numbers<[1], [0], [0], [1], [0, 0, 1, 1], [], []>, transpose_lhs_hint = false} : vector<2000x128xf32>, vector<128x128xf32>, vector<2000x128xf32> -> vector<2000x128xf32>
    %mul3A_20 = vector.broadcast %get3A_1 : vector<2000x1xf32> to vector<2000x128xf32>
    %mul3A_21 = arith.mulf %dot_general3A_19, %mul3A_20 : vector<2000x128xf32>
    %swap3A = arith.constant 0 : index
    %swap3A_22 = arith.constant 0 : index
    %swap3A_23 = vector.load %arg7[%swap3A, %swap3A_22] : memref<2000x128xf32, #tpu.memory_space<vmem>>, vector<2000x128xf32>
    tpu.vector_store %arg7[%swap3A, %swap3A_22], %mul3A_21 {strides = array<i32>} : memref<2000x128xf32, #tpu.memory_space<vmem>>, vector<2000x128xf32>,
    %mul3A_24 = vector.broadcast %get3A_1 : vector<2000x1xf32> to vector<2000x128xf32>
    %mul3A_25 = arith.mulf %mul3A_24, %mul3A_21 : vector<2000x128xf32>
    %get3A_26 = arith.constant 0 : index
    %get3A_27 = arith.constant 0 : index
    %get3A_28 = vector.load %arg6[%get3A_26, %get3A_27] : memref<1x128xf32, #tpu.memory_space<vmem>>, vector<1x128xf32>
    %add3A_29 = vector.broadcast %get3A_28 : vector<1x128xf32> to vector<2000x128xf32>
    %add3A_30 = arith.addf %mul3A_25, %add3A_29 : vector<2000x128xf32>
    %swap3A_31 = arith.constant 0 : index
    %swap3A_32 = arith.constant 0 : index
    %swap3A_33 = vector.load %arg8[%swap3A_31, %swap3A_32] : memref<2000x128xf32, #tpu.memory_space<vmem>>, vector<2000x128xf32>
    tpu.vector_store %arg8[%swap3A_31, %swap3A_32], %add3A_30 {strides = array<i32>} : memref<2000x128xf32, #tpu.memory_space<vmem>>, vector<2000x128xf32>,
    return
  }
  func.func @transform_0(%arg0: i32) -> (i32, i32) {
    %c0_i32 = arith.constant 0 : i32
    %c0_i32_0 = arith.constant 0 : i32
    return %arg0, %c0_i32 : i32, i32
  }
  func.func @transform_1(%arg0: i32) -> (i32, i32) {
    %c0_i32 = arith.constant 0 : i32
    %c0_i32_0 = arith.constant 0 : i32
    return %arg0, %c0_i32 : i32, i32
  }
  func.func @transform_2(%arg0: i32) -> (i32, i32) {
    %c0_i32 = arith.constant 0 : i32
    %c0_i32_0 = arith.constant 0 : i32
    return %arg0, %c0_i32 : i32, i32
  }
  func.func @transform_3(%arg0: i32) -> (i32, i32) {
    %c0_i32 = arith.constant 0 : i32
    %c0_i32_0 = arith.constant 0 : i32
    %c0_i32_1 = arith.constant 0 : i32
    return %c0_i32, %c0_i32_0 : i32, i32
  }
  func.func @transform_4(%arg0: i32) -> (i32, i32) {
    %c0_i32 = arith.constant 0 : i32
    %c0_i32_0 = arith.constant 0 : i32
    %c0_i32_1 = arith.constant 0 : i32
    return %c0_i32, %c0_i32_0 : i32, i32
  }
  func.func @transform_5(%arg0: i32) -> (i32, i32) {
    %c0_i32 = arith.constant 0 : i32
    %c0_i32_0 = arith.constant 0 : i32
    %c0_i32_1 = arith.constant 0 : i32
    return %c0_i32, %c0_i32_0 : i32, i32
  }
  func.func @transform_6(%arg0: i32) -> (i32, i32) {
    %c0_i32 = arith.constant 0 : i32
    %c0_i32_0 = arith.constant 0 : i32
    return %arg0, %c0_i32 : i32, i32
  }
  func.func @transform_7(%arg0: i32) -> (i32, i32) {
    %c0_i32 = arith.constant 0 : i32
    %c0_i32_0 = arith.constant 0 : i32
    return %arg0, %c0_i32 : i32, i32
  }
}

module attributes {stable_mosaic.version = 14 : i64} {
  func.func @_tc_fin_body(%arg0: i32, %arg1: memref<1000x128xf32, #tpu.memory_space<vmem>>, %arg2: memref<1000x128xf32, #tpu.memory_space<vmem>>, %arg3: memref<1000x1xf32, #tpu.memory_space<vmem>>, %arg4: memref<1x1x128xf32, #tpu.memory_space<vmem>>, %arg5: memref<128x1xf32, #tpu.memory_space<vmem>>, %arg6: memref<1x1xf32, #tpu.memory_space<vmem>>, %arg7: memref<16x128xf32, #tpu.memory_space<vmem>>, %arg8: memref<16x128xf32, #tpu.memory_space<vmem>>, %arg9: memref<128x384xf32, #tpu.memory_space<vmem>>, %arg10: memref<128x384xf32, #tpu.memory_space<vmem>>, %arg11: memref<1x384xf32, #tpu.memory_space<vmem>>, %arg12: memref<1x384xf32, #tpu.memory_space<vmem>>, %arg13: memref<1000x1xf32, #tpu.memory_space<vmem>>, %arg14: memref<16x128xf32, #tpu.memory_space<vmem>>) attributes {dimension_semantics = [#tpu.dimension_semantics<arbitrary>], iteration_bounds = array<i64: 16>, scalar_prefetch = 0 : i64, scratch_operands = 0 : i64, tpu.core_type = #tpu.core_type<tc>, window_params = [{transform_indices = @transform_0, window_bounds = array<i64: 1000, 128>}, {transform_indices = @transform_1, window_bounds = array<i64: 1000, 128>}, {transform_indices = @transform_2, window_bounds = array<i64: 1000, 1>}, {transform_indices = @transform_3, window_bounds = array<i64: 1, 1, 128>}, {pipeline_mode = #tpu.pipeline_mode<synchronous>, transform_indices = @transform_4, window_bounds = array<i64: 128, 1>}, {pipeline_mode = #tpu.pipeline_mode<synchronous>, transform_indices = @transform_5, window_bounds = array<i64: 1, 1>}, {pipeline_mode = #tpu.pipeline_mode<synchronous>, transform_indices = @transform_6, window_bounds = array<i64: 16, 128>}, {pipeline_mode = #tpu.pipeline_mode<synchronous>, transform_indices = @transform_7, window_bounds = array<i64: 16, 128>}, {pipeline_mode = #tpu.pipeline_mode<synchronous>, transform_indices = @transform_8, window_bounds = array<i64: 128, 384>}, {pipeline_mode = #tpu.pipeline_mode<synchronous>, transform_indices = @transform_9, window_bounds = array<i64: 128, 384>}, {pipeline_mode = #tpu.pipeline_mode<synchronous>, transform_indices = @transform_10, window_bounds = array<i64: 1, 384>}, {pipeline_mode = #tpu.pipeline_mode<synchronous>, transform_indices = @transform_11, window_bounds = array<i64: 1, 384>}, {transform_indices = @transform_12, window_bounds = array<i64: 1000, 1>}, {pipeline_mode = #tpu.pipeline_mode<synchronous>, transform_indices = @transform_13, window_bounds = array<i64: 16, 128>}]} {
    %get3A = arith.constant 0 : index
    %get3A_0 = arith.constant 0 : index
    %get3A_1 = vector.load %arg3[%get3A, %get3A_0] : memref<1000x1xf32, #tpu.memory_space<vmem>>, vector<1000x1xf32>
    %get3A_2 = arith.constant 0 : index
    %get3A_3 = arith.constant 0 : index
    %get3A_4 = vector.load %arg1[%get3A_2, %get3A_3] : memref<1000x128xf32, #tpu.memory_space<vmem>>, vector<1000x128xf32>
    %mul3A = vector.broadcast %get3A_1 : vector<1000x1xf32> to vector<1000x128xf32>
    %mul3A_5 = arith.mulf %mul3A, %get3A_4 : vector<1000x128xf32>
    %get3A_6 = arith.constant 0 : index
    %get3A_7 = arith.constant 0 : index
    %get3A_8 = vector.load %arg2[%get3A_6, %get3A_7] : memref<1000x128xf32, #tpu.memory_space<vmem>>, vector<1000x128xf32>
    %add3A = arith.addf %mul3A_5, %get3A_8 : vector<1000x128xf32>
    %get3A_9 = arith.constant 0 : index
    %get3A_10 = arith.constant 0 : index
    %get3A_11 = arith.constant 0 : index
    %get3A_12 = vector.load %arg4[%get3A_9, %get3A_10, %get3A_11] : memref<1x1x128xf32, #tpu.memory_space<vmem>>, vector<1x1x128xf32>
    %get3A_13 = vector.shape_cast %get3A_12 : vector<1x1x128xf32> to vector<1x128xf32>
    %add3A_14 = vector.broadcast %get3A_13 : vector<1x128xf32> to vector<1000x128xf32>
    %add3A_15 = arith.addf %add3A, %add3A_14 : vector<1000x128xf32>
    %get3A_16 = arith.constant 0 : index
    %get3A_17 = arith.constant 0 : index
    %get3A_18 = vector.load %arg5[%get3A_16, %get3A_17] : memref<128x1xf32, #tpu.memory_space<vmem>>, vector<128x1xf32>
    %dot_general3A = arith.constant dense<0.000000e+00> : vector<1000x1xf32>
    %dot_general3A_19 = tpu.matmul %add3A_15, %get3A_18, %dot_general3A {dimension_numbers = #tpu.dot_dimension_numbers<[1], [0], [0], [1], [0, 0, 1, 1], [], []>, transpose_lhs_hint = false} : vector<1000x128xf32>, vector<128x1xf32>, vector<1000x1xf32> -> vector<1000x1xf32>
    %get3A_20 = arith.constant 0 : index
    %get3A_21 = arith.constant 0 : index
    %get3A_22 = vector.load %arg6[%get3A_20, %get3A_21] : memref<1x1xf32, #tpu.memory_space<vmem>>, vector<1x1xf32>
    %add3A_23 = vector.broadcast %get3A_22 : vector<1x1xf32> to vector<1000x1xf32>
    %add3A_24 = arith.addf %dot_general3A_19, %add3A_23 : vector<1000x1xf32>
    %swap3A = arith.constant 0 : index
    %swap3A_25 = arith.constant 0 : index
    %swap3A_26 = vector.load %arg13[%swap3A, %swap3A_25] : memref<1000x1xf32, #tpu.memory_space<vmem>>, vector<1000x1xf32>
    tpu.vector_store %arg13[%swap3A, %swap3A_25], %add3A_24 {strides = array<i32>} : memref<1000x1xf32, #tpu.memory_space<vmem>>, vector<1000x1xf32>,
    %eq3A = arith.constant 0 : i32
    %eq3A_27 = arith.cmpi eq, %arg0, %eq3A : i32
    %convert_element_type3A = arith.extui %eq3A_27 : i1 to i32
    %cond3A = arith.constant 0 : i32
    %cond3A_28 = arith.cmpi ne, %convert_element_type3A, %cond3A : i32
    scf.if %cond3A_28 {
      %get3A_29 = arith.constant 0 : index
      %get3A_30 = arith.constant 0 : index
      %get3A_31 = vector.load %arg7[%get3A_29, %get3A_30] : memref<16x128xf32, #tpu.memory_space<vmem>>, vector<16x128xf32>
      %get3A_32 = arith.constant 0 : index
      %get3A_33 = arith.constant 0 : index
      %get3A_34 = vector.load %arg8[%get3A_32, %get3A_33] : memref<16x128xf32, #tpu.memory_space<vmem>>, vector<16x128xf32>
      %get3A_35 = arith.constant 0 : index
      %get3A_36 = arith.constant 0 : index
      %get3A_37 = vector.load %arg9[%get3A_35, %get3A_36] : memref<128x384xf32, #tpu.memory_space<vmem>>, vector<128x384xf32>
      %dot_general3A_38 = arith.constant dense<0.000000e+00> : vector<16x384xf32>
      %dot_general3A_39 = tpu.matmul %get3A_31, %get3A_37, %dot_general3A_38 {dimension_numbers = #tpu.dot_dimension_numbers<[1], [0], [0], [1], [0, 0, 1, 1], [], []>, transpose_lhs_hint = false} : vector<16x128xf32>, vector<128x384xf32>, vector<16x384xf32> -> vector<16x384xf32>
      %get3A_40 = arith.constant 0 : index
      %get3A_41 = arith.constant 0 : index
      %get3A_42 = vector.load %arg11[%get3A_40, %get3A_41] : memref<1x384xf32, #tpu.memory_space<vmem>>, vector<1x384xf32>
      %add3A_43 = vector.broadcast %get3A_42 : vector<1x384xf32> to vector<16x384xf32>
      %add3A_44 = arith.addf %dot_general3A_39, %add3A_43 : vector<16x384xf32>
      %get3A_45 = arith.constant 0 : index
      %get3A_46 = arith.constant 0 : index
      %get3A_47 = vector.load %arg10[%get3A_45, %get3A_46] : memref<128x384xf32, #tpu.memory_space<vmem>>, vector<128x384xf32>
      %dot_general3A_48 = arith.constant dense<0.000000e+00> : vector<16x384xf32>
      %dot_general3A_49 = tpu.matmul %get3A_34, %get3A_47, %dot_general3A_48 {dimension_numbers = #tpu.dot_dimension_numbers<[1], [0], [0], [1], [0, 0, 1, 1], [], []>, transpose_lhs_hint = false} : vector<16x128xf32>, vector<128x384xf32>, vector<16x384xf32> -> vector<16x384xf32>
      %get3A_50 = arith.constant 0 : index
      %get3A_51 = arith.constant 0 : index
      %get3A_52 = vector.load %arg12[%get3A_50, %get3A_51] : memref<1x384xf32, #tpu.memory_space<vmem>>, vector<1x384xf32>
      %add3A_53 = vector.broadcast %get3A_52 : vector<1x384xf32> to vector<16x384xf32>
      %add3A_54 = arith.addf %dot_general3A_49, %add3A_53 : vector<16x384xf32>
      %slice3A = vector.extract_strided_slice %add3A_44 {offsets = [0, 0], sizes = [16, 128], strides = [1, 1]} : vector<16x384xf32> to vector<16x128xf32>
      %slice3A_55 = vector.extract_strided_slice %add3A_54 {offsets = [0, 0], sizes = [16, 128], strides = [1, 1]} : vector<16x384xf32> to vector<16x128xf32>
      %add3A_56 = arith.addf %slice3A, %slice3A_55 : vector<16x128xf32>
      %logistic3A = arith.negf %add3A_56 : vector<16x128xf32>
      %logistic3A_57 = math.exp %logistic3A : vector<16x128xf32>
      %logistic3A_58 = arith.constant 1.000000e+00 : f32
      %logistic3A_59 = vector.broadcast %logistic3A_58 : f32 to vector<16x128xf32>
      %logistic3A_60 = arith.addf %logistic3A_59, %logistic3A_57 : vector<16x128xf32>
      %logistic3A_61 = arith.divf %logistic3A_59, %logistic3A_60 : vector<16x128xf32>
      %slice3A_62 = vector.extract_strided_slice %add3A_44 {offsets = [0, 128], sizes = [16, 128], strides = [1, 1]} : vector<16x384xf32> to vector<16x128xf32>
      %slice3A_63 = vector.extract_strided_slice %add3A_54 {offsets = [0, 128], sizes = [16, 128], strides = [1, 1]} : vector<16x384xf32> to vector<16x128xf32>
      %add3A_64 = arith.addf %slice3A_62, %slice3A_63 : vector<16x128xf32>
      %logistic3A_65 = arith.negf %add3A_64 : vector<16x128xf32>
      %logistic3A_66 = math.exp %logistic3A_65 : vector<16x128xf32>
      %logistic3A_67 = arith.constant 1.000000e+00 : f32
      %logistic3A_68 = vector.broadcast %logistic3A_67 : f32 to vector<16x128xf32>
      %logistic3A_69 = arith.addf %logistic3A_68, %logistic3A_66 : vector<16x128xf32>
      %logistic3A_70 = arith.divf %logistic3A_68, %logistic3A_69 : vector<16x128xf32>
      %slice3A_71 = vector.extract_strided_slice %add3A_44 {offsets = [0, 256], sizes = [16, 128], strides = [1, 1]} : vector<16x384xf32> to vector<16x128xf32>
      %slice3A_72 = vector.extract_strided_slice %add3A_54 {offsets = [0, 256], sizes = [16, 128], strides = [1, 1]} : vector<16x384xf32> to vector<16x128xf32>
      %mul3A_73 = arith.mulf %logistic3A_61, %slice3A_72 : vector<16x128xf32>
      %add3A_74 = arith.addf %slice3A_71, %mul3A_73 : vector<16x128xf32>
      %tanh3A = math.tanh %add3A_74 : vector<16x128xf32>
      %sub3A = arith.constant 1.000000e+00 : f32
      %sub3A_75 = vector.broadcast %sub3A : f32 to vector<16x128xf32>
      %sub3A_76 = arith.subf %sub3A_75, %logistic3A_70 : vector<16x128xf32>
      %mul3A_77 = arith.mulf %sub3A_76, %tanh3A : vector<16x128xf32>
      %mul3A_78 = arith.mulf %logistic3A_70, %get3A_34 : vector<16x128xf32>
      %add3A_79 = arith.addf %mul3A_77, %mul3A_78 : vector<16x128xf32>
      %swap3A_80 = arith.constant 0 : index
      %swap3A_81 = arith.constant 0 : index
      %swap3A_82 = vector.load %arg14[%swap3A_80, %swap3A_81] : memref<16x128xf32, #tpu.memory_space<vmem>>, vector<16x128xf32>
      tpu.vector_store %arg14[%swap3A_80, %swap3A_81], %add3A_79 {strides = array<i32>} : memref<16x128xf32, #tpu.memory_space<vmem>>, vector<16x128xf32>,
    } else {
    }
    return
  }
  func.func @transform_0(%arg0: i32) -> (i32, i32) {
    %c0_i32 = arith.constant 0 : i32
    %c0_i32_0 = arith.constant 0 : i32
    return %arg0, %c0_i32 : i32, i32
  }
  func.func @transform_1(%arg0: i32) -> (i32, i32) {
    %c0_i32 = arith.constant 0 : i32
    %c0_i32_0 = arith.constant 0 : i32
    return %arg0, %c0_i32 : i32, i32
  }
  func.func @transform_2(%arg0: i32) -> (i32, i32) {
    %c0_i32 = arith.constant 0 : i32
    %c0_i32_0 = arith.constant 0 : i32
    return %arg0, %c0_i32 : i32, i32
  }
  func.func @transform_3(%arg0: i32) -> (i32, i32, i32) {
    %c0_i32 = arith.constant 0 : i32
    %c0_i32_0 = arith.constant 0 : i32
    %c0_i32_1 = arith.constant 0 : i32
    return %arg0, %c0_i32, %c0_i32_0 : i32, i32, i32
  }
  func.func @transform_4(%arg0: i32) -> (i32, i32) {
    %c0_i32 = arith.constant 0 : i32
    %c0_i32_0 = arith.constant 0 : i32
    %c0_i32_1 = arith.constant 0 : i32
    return %c0_i32, %c0_i32_0 : i32, i32
  }
  func.func @transform_5(%arg0: i32) -> (i32, i32) {
    %c0_i32 = arith.constant 0 : i32
    %c0_i32_0 = arith.constant 0 : i32
    %c0_i32_1 = arith.constant 0 : i32
    return %c0_i32, %c0_i32_0 : i32, i32
  }
  func.func @transform_6(%arg0: i32) -> (i32, i32) {
    %c0_i32 = arith.constant 0 : i32
    %c0_i32_0 = arith.constant 0 : i32
    %c0_i32_1 = arith.constant 0 : i32
    return %c0_i32, %c0_i32_0 : i32, i32
  }
  func.func @transform_7(%arg0: i32) -> (i32, i32) {
    %c0_i32 = arith.constant 0 : i32
    %c0_i32_0 = arith.constant 0 : i32
    %c0_i32_1 = arith.constant 0 : i32
    return %c0_i32, %c0_i32_0 : i32, i32
  }
  func.func @transform_8(%arg0: i32) -> (i32, i32) {
    %c0_i32 = arith.constant 0 : i32
    %c0_i32_0 = arith.constant 0 : i32
    %c0_i32_1 = arith.constant 0 : i32
    return %c0_i32, %c0_i32_0 : i32, i32
  }
  func.func @transform_9(%arg0: i32) -> (i32, i32) {
    %c0_i32 = arith.constant 0 : i32
    %c0_i32_0 = arith.constant 0 : i32
    %c0_i32_1 = arith.constant 0 : i32
    return %c0_i32, %c0_i32_0 : i32, i32
  }
  func.func @transform_10(%arg0: i32) -> (i32, i32) {
    %c0_i32 = arith.constant 0 : i32
    %c0_i32_0 = arith.constant 0 : i32
    %c0_i32_1 = arith.constant 0 : i32
    return %c0_i32, %c0_i32_0 : i32, i32
  }
  func.func @transform_11(%arg0: i32) -> (i32, i32) {
    %c0_i32 = arith.constant 0 : i32
    %c0_i32_0 = arith.constant 0 : i32
    %c0_i32_1 = arith.constant 0 : i32
    return %c0_i32, %c0_i32_0 : i32, i32
  }
  func.func @transform_12(%arg0: i32) -> (i32, i32) {
    %c0_i32 = arith.constant 0 : i32
    %c0_i32_0 = arith.constant 0 : i32
    return %arg0, %c0_i32 : i32, i32
  }
  func.func @transform_13(%arg0: i32) -> (i32, i32) {
    %c0_i32 = arith.constant 0 : i32
    %c0_i32_0 = arith.constant 0 : i32
    %c0_i32_1 = arith.constant 0 : i32
    return %c0_i32, %c0_i32_0 : i32, i32
  }
}

</mosaic_0001>

<sc_bundles>
// kernel: kernel.12.cloned.1.call-start
scs
__scs_entry_jumppad:
0x0: {  	(pc) =	sbr.rel $0x88, $3  }
0x1: {  	(tag) =	ssettag $0x0;
	lr =	simm.s32 $0x1  }
0x2: {  	[smem:$0x3F92] =	sst lr;
	_ =	strace $0xD0000000  }
0x3: {  	_ = 	snop  }
0x4: {  	_ = 	snop  }
0x5: {  	_ = 	snop  }
0x6: {  	_ = 	snop  }
0x7: {  	_ = 	snop  }
__scs_overlays_trampoline_lowered:
0x8: {  	[smem:$0x3FA1] =	sst s0  }
0x9: {  	[smem:$0x3FA2] =	sst s1  }
0xa: {  	[smem:$0x3FA3] =	sst s2  }
0xb: {  	[smem:$0x3FA4] =	sst s3  }
0xc: {  	[smem:$0x3FA5] =	sst s4  }
0xd: {  	[smem:$0x3FA6] =	sst s5  }
0xe: {  	[smem:$0x3FA7] =	sst s6  }
0xf: {  	[smem:$0x3FA8] =	sst s7  }
0x10: {  	[smem:$0x3FA9] =	sst s8  }
0x11: {  	[smem:$0x3FAA] =	sst s9;
	s0 =	simm.s32 @!p0 $0x0  }
0x12: {  	s1 =	sld [smem:$0x3F90];
	s0 =	simm.s32 @p0 $0x1  }
0x13: {  	[smem:$0x3FAB] =	sst s0;
	s0 =	simm.s32 @!p1 $0x0  }
0x14: {  	s2 =	sld [smem:$0x3F8F];
	s0 =	simm.s32 @p1 $0x1  }
0x15: {  	[smem:$0x3FAC] =	sst s0;
	s0 =	simm.s32 @!p2 $0x0  }
0x16: {  	s3 =	sld [smem:$0x3FDB];
	s0 =	simm.s32 @p2 $0x1  }
0x17: {  	s4 =	simm.s32 $0x1BF5;
	[smem:$0x3FAE] =	sst s0  }
0x18: {  	s0 =	sld [smem:$0x3F91];
	_ =	swait.ge [sflag:s4], $0x0  }
0x19: {  	s7 =	sld [smem:$0x3F92]  }
0x1a: {  	s8 =	sadd.s32 $0xFFFFE003, lr  }
0x1b: {  	s9 =	sadd.s32 $0xFFFFFEF7, lr;
	s5 =	simm.s32 $0xFFFFFFFF;
	p2 =	slt.u32 s8, $0xFFFFF086  }
0x1c: {  	p1 =	slt.u32 s9, $0xF7A;
	s5 =	simm.s32 @!p2 $0x0  }
0x1d: {  	s5 =	simm.s32 @p1 $0x1;
	p0 =	seq.s32 s7, s2  }
0x1e: {  	s7 =	smul.u32 @!p0 $0xF7A, s2;
	p2 =	seq.s32 @!p0 s5, $0x0  }
0x1f: {  	s9 =	smul.u32 $0xF7A, s1;
	s8 =	simm.s32 @!p0 $0x1BF5;
	p2 =	por !p2, p0  }
0x20: {  	[sflag:s8] =	ssyncset.s32 @!p0 $0xFFFFF086;
	s6 =	sadd.s32 @!p0 s3, s7;
	s7 =	simm.s32 @!p0 $0x108  }
0x21: {  	s3 =	sadd.s32 s3, s9;
	s6 =	sadd.s32 @!p0 $0x88, s6;
	s7 =	simm.s32 @p2 $0x1082  }
0x22: {  	[simem:s7], [sflag:s8] =	dma.local @!p0 [hbm:s6], $0xF7A  }
0x23: {  	s9 =	sor.u32 $0xD0000000, s2;
	s6 =	simm.s32 $0x108;
	_ =	swait.ge @!p0 [sflag:s8], $0x0  }
0x24: {  	s3 =	sadd.s32 $0x88, s3;
	s6 =	simm.s32 @!p1 $0x1082;
	[sflag:s4] =	ssyncset.s32 $0xFFFFF086  }
0x25: {  	[simem:s6], [sflag:s4] =	dma.local [hbm:s3], $0xF7A  }
0x26: {  	[smem:$0x3F92] =	sst s1;
	(tag) =	ssettag s2;
	_ =	strace s9  }
0x27: {  	s1 =	sld [smem:$0x3FA2]  }
0x28: {  	s2 =	sld [smem:$0x3FA3]  }
0x29: {  	s4 =	sld [smem:$0x3FA5]  }
0x2a: {  	p0 =	seq.s32 s5, $0x0;
	s5 =	sld [smem:$0x3FA6]  }
0x2b: {  	s6 =	sld [smem:$0x3FA7]  }
0x2c: {  	s7 =	sld [smem:$0x3FA8]  }
0x2d: {  	s3 =	simm.s32 $0x108;
	s8 =	sld [smem:$0x3FA9]  }
0x2e: {  	s3 =	simm.s32 @!p0 $0x1082;
	s9 =	sld [smem:$0x3FAA]  }
0x2f: {  	lr =	sadd.s32 s0, s3;
	s0 =	sld [smem:$0x3FA1]  }
0x30: {  	s3 =	sld [smem:$0x3FA4]  }
0x31: {  	[smem:$0x3FAD] =	sst s10  }
0x32: {  	s10 =	sld [smem:$0x3FAB];
	_ =	sdelay $0x3  }
0x33: {  	p0 =	seq.s32 s10, $0x1;
	s10 =	sld [smem:$0x3FAD];
	_ =	sdelay $0x3  }
0x34: {  	[smem:$0x3FAD] =	sst s10  }
0x35: {  	s10 =	sld [smem:$0x3FAC];
	_ =	sdelay $0x3  }
0x36: {  	p1 =	seq.s32 s10, $0x1;
	s10 =	sld [smem:$0x3FAD];
	_ =	sdelay $0x3  }
0x37: {  	[smem:$0x3FAD] =	sst s10  }
0x38: {  	s10 =	sld [smem:$0x3FAE]  }
0x39: {  	_ = 	snop;
	(pc) =	sbr.ind lr, $3  }
0x3a: {  	_ = 	snop  }
0x3b: {  	_ = 	snop  }
0x3c: {  	p2 =	seq.s32 s10, $0x1;
	s10 =	sld [smem:$0x3FAD]  }
0x3d: {  	_ =	shalt  }
0x3e: {  	_ =	shalt  }
0x3f: {  	_ =	shalt  }
0x40: {  	_ =	shalt  }
0x41: {  	_ =	shalt  }
0x42: {  	_ =	shalt  }
0x43: {  	_ =	shalt  }
0x44: {  	_ =	shalt  }
0x45: {  	_ =	shalt  }
0x46: {  	_ =	shalt  }
0x47: {  	_ =	shalt  }
0x48: {  	_ =	shalt  }
0x49: {  	_ =	shalt  }
0x4a: {  	_ =	shalt  }
0x4b: {  	_ =	shalt  }
0x4c: {  	_ =	shalt  }
0x4d: {  	_ =	shalt  }
0x4e: {  	_ =	shalt  }
0x4f: {  	_ =	shalt  }
0x50: {  	_ =	shalt  }
0x51: {  	_ =	shalt  }
0x52: {  	_ =	shalt  }
0x53: {  	_ =	shalt  }
0x54: {  	_ =	shalt  }
0x55: {  	_ =	shalt  }
0x56: {  	_ =	shalt  }
0x57: {  	_ =	shalt  }
0x58: {  	_ =	shalt  }
0x59: {  	_ =	shalt  }
0x5a: {  	_ =	shalt  }
0x5b: {  	_ =	shalt  }
0x5c: {  	_ =	shalt  }
0x5d: {  	_ =	shalt  }
0x5e: {  	_ =	shalt  }
0x5f: {  	_ =	shalt  }
0x60: {  	_ =	shalt  }
0x61: {  	_ =	shalt  }
0x62: {  	_ =	shalt  }
0x63: {  	_ =	shalt  }
0x64: {  	_ =	shalt  }
0x65: {  	_ =	shalt  }
0x66: {  	_ =	shalt  }
0x67: {  	_ =	shalt  }
0x68: {  	_ =	shalt  }
0x69: {  	_ =	shalt  }
0x6a: {  	_ =	shalt  }
0x6b: {  	_ =	shalt  }
0x6c: {  	_ =	shalt  }
0x6d: {  	_ =	shalt  }
0x6e: {  	_ =	shalt  }
0x6f: {  	_ =	shalt  }
0x70: {  	_ =	shalt  }
0x71: {  	_ =	shalt  }
0x72: {  	_ =	shalt  }
0x73: {  	_ =	shalt  }
0x74: {  	_ =	shalt  }
0x75: {  	_ =	shalt  }
0x76: {  	_ =	shalt  }
0x77: {  	_ =	shalt  }
0x78: {  	_ =	shalt  }
0x79: {  	_ =	shalt  }
0x7a: {  	_ =	shalt  }
0x7b: {  	_ =	shalt  }
0x7c: {  	_ =	shalt  }
0x7d: {  	_ =	shalt  }
0x7e: {  	_ =	shalt  }
0x7f: {  	_ =	shalt  }
0x80: {  	_ =	shalt  }
0x81: {  	_ =	shalt  }
0x82: {  	_ =	shalt  }
0x83: {  	_ =	shalt  }
0x84: {  	_ =	shalt  }
0x85: {  	_ =	shalt  }
0x86: {  	_ =	shalt  }
0x87: {  	_ =	shalt  }
.Lfunc_end0:
.L_simem_size_0:
called_computation.1_lowered:
.L_overlay_start_0:
0x88: {  	s2 =	sld [smem:$0x3FD9]  }
0x89: {  	s3 =	sld [smem:$0x3FFE];
	_ =	sdelay $0x1  }
0x8a: {  	s1 =	srdreg.scid  }
0x8b: {  	s0 =	sand.u32 $0x1, s1  }
0x8c: {  	s16 =	sshll.u32 s0, $0xA;
	s2 =	sadd.s32 s3, s2  }
0x8d: {  	s2 =	sadd.s32 s2, s16  }
0x8e: {  	[smem:$0x3FB9] =	sst s2  }
0x8f: {  	_ = 	snop  }
0x90: {  	(tm) =	ssettm $0x1  }
0x91: {  	s17 =	sld [smem:$0x3FFB];
	_ =	sdelay $0x3  }
0x92: {  	_ =	strace s17  }
0x93: {  	s2 =	sld [smem:$0x3FFC];
	_ =	sdelay $0x3  }
0x94: {  	_ =	strace s2  }
0x95: {  	s2 =	sld [smem:$0x3FFD];
	_ =	sdelay $0x3  }
0x96: {  	_ =	strace s2  }
0x97: {  	_ =	strace $0x8FFFFFFF  }
0x98: {  	s18 =	sld [smem:$0x3FDB];
	_ =	sdelay $0x1  }
0x99: {  	s19 =	simm.s32 $_scs_section_size  }
0x9a: {  	s4 =	simm.s32 $_size__tile_overlayer_lowered;
	s5 =	simm.s32 $_tile_overlayer_lowered  }
0x9b: {  	s22 =	simm.s32 $0x1BFF;
	s21 =	sshll.u32 s5, $0x1;
	s2 =	sadd.s32 s19, s18  }
0x9c: {  	s6 =	simm.s32 $0x0;
	s20 =	sshll.u32 s4, $0x1;
	s4 =	sadd.s32 s21, s2  }
0x9d: {  	[timem:s6], [sflag:s22] =	dma.local [hbm:s4], s20  }
0x9e: {  	_ =	swait.ge [sflag:s22], s20  }
0x9f: {  	s3 =	ssub.s32 $0x0, s20;
	[sflag:s22] =	ssyncset.done $0x0  }
0xa0: {  	[sflag:s22] =	ssyncadd.s32 s3;
	_ =	sdelay $0x1  }
0xa1: {  	s23 =	simm.s32 $0x1B8B  }
0xa2: {  	_ =	swait.ge [sflag:s23], $0x1  }
0xa3: {  	[sflag:s23] =	ssyncset.done $0x0  }
0xa4: {  	s25 =	simm.s32 $0x1B8E;
	s24 =	sld [smem:$0x3FFE];
	[sflag:s23] =	ssyncadd.s32 $0xFFFFFFFF  }
0xa5: {  	s26 =	simm.s32 $execute0_lowered;
	[smem:$0x3FD2] =	sst s25  }
0xa6: {  	s4 =	sshll.u32 s26, $0x1;
	_ =	strace $0x80000049;
	[dreg:$0x1] =	wrdreg $0xFFFFFFFF  }
0xa7: {  	s28 =	simm.s32 $_size_execute0_lowered;
	s2 =	sadd.s32 s2, s4;
	[dreg:$0x0] =	wrdreg $0x0  }
0xa8: {  	s4 =	sshll.u32 s28, $0x1;
	[dreg:$0x2] =	wrdreg s2  }
0xa9: {  	[dreg:$0x3] =	wrdreg s4  }
0xaa: {  	[dreg:$0x4] =	wrdreg $0xC0  }
0xab: {  	_ =	task [dreg:s6], $0x5FFFF  }
0xac: {  	[dreg:$0x1] =	wrdreg $0xFFFFFFFF  }
0xad: {  	[dreg:$0x0] =	wrdreg $0x60  }
0xae: {  	[dreg:$0x2] =	wrdreg s24  }
0xaf: {  	[dreg:$0x3] =	wrdreg $0xB6000  }
0xb0: {  	[dreg:$0x4] =	wrdreg $0xA  }
0xb1: {  	_ =	task.clear_ibuf [dreg:s6], $0x5FFFF;
	_ =	strace $0x90000049  }
0xb2: {  	s29 =	simm.s32 $0xA;
	_ =	strace $0x8000004B  }
0xb3: {  	_ =	swait.ge [sflag:s29], $0x1  }
0xb4: {  	[sflag:s29] =	ssyncadd.s32 $0xFFFFFFFF  }
0xb5: {  	_ =	strace $0x9000004B  }
0xb6: {  	_ =	sfence  }
0xb7: {  	s30 =	sld [smem:$0x0];
	_ =	sdelay $0x2  }
0xb8: {  	s31 =	sshll.u32 s1, $0xD;
	s1 =	sshrl.u32 s1, $0x2  }
0xb9: {  	s3 =	sand.u32 $0x4000, s31;
	s1 =	sadd.s32 s1, s30  }
0xba: {  	s0 =	sor.u32 s3, s0;
	s1 =	sshll.u32 s1, $0x11  }
0xbb: {  	s0 =	sor.u32 s1, s0  }
0xbc: {  	s0 =	sadd.s32 $0x8F2B, s0  }
0xbd: {  	[sflag:s0] =	ssyncadd.remote.s32 $0x1  }
0xbe: {  	_ =	sfence.sel $0xFFFF  }
0xbf: {  	[dreg:$0x0] =	wrdreg $0xFFFFFFFF;
	(pc) =	sbr.abs _section_cstart, $3  }
0xc0: {  	[dreg:$0x1] =	wrdreg $0xFFFFFFFF  }
0xc1: {  	_ =	task.clear_ibuf [dreg:s6], $0x2FFFF;
	_ =	strace $0x9FFFFFFF  }
0xc2: {  	(tm) =	ssettm $0x7FFFFFFF  }
0xc3: {  	_ =	shalt  }
tec
execute0_lowered:
.L_overlay_start_1:
0x0: {  	(tag) =	ssettag $0x1  }
0x1: {  	s0 =	rddreg [dreg:$0x0]  }
0x2: {  	s2 =	rddreg [dreg:$0x1]  }
0x3: {  	s22 =	stileid.u32;
	s4 =	srdreg.scid;
	s3 =	simm.s32 $0x0  }
0x4: {  	s21 =	simm.s32 $0x5;
	s23 =	simm.s32 $0x200;
	s28 =	simm.s32 $0x180  }
0x5: {  	s29 =	simm.s32 $0x1;
	s30 =	simm.s32 $0x2;
	s1 =	smul.u32 $0x7D0, s22  }
0x6: {  	s31 =	simm.s32 $0x3;
	s5 =	sand.u32 $0x1, s4;
	s6 =	smul.u32 $0x3E8, s22  }
0x7: {  	[smem:$0x7FF] =	sst s3;
	s4 =	sadd.s32 $0x14000, s0;
	s7 =	smul.u32 $0x7D000, s22  }
0x8: {  	s8 =	sadd.s32 $0x13200, s0;
	s26 =	sadd.s32 $0xFA000, s2;
	p0 =	sgt.u32 s22, $0x7  }
0x9: {  	s20 =	smul.u32 $0x1F40, s5;
	_ =	strace $0x8000004A;
	[dreg:$0x3] =	wrdreg s8  }
0xa: {  	s5 =	ssub.s32 $0x2, s5;
	[dreg:$0x4] =	wrdreg s26;
	p1 =	sne.s32 @p0 s22, $0x8  }
0xb: {  	s22 =	simm.s32 $0x50;
	s26 =	simm.s32 $0x100;
	s1 =	sadd.s32 s1, s0  }
0xc: {  	s24 =	sshrl.u32 s5, $0x1;
	s25 =	sshrl.u32 s7, $0x2;
	p1 =	por p1, !p0  }
0xd: {  	s6 =	sadd.s32 s20, s6;
	s5 =	ssub.s32 s5, s24;
	s8 =	sadd.s32 s25, s2  }
0xe: {  	s18 =	sadd.s32 $0xB400, s1;
	s19 =	sadd.s32 $0x3600, s1;
	s24 =	simm.s32 $0x80  }
0xf: {  	s25 =	simm.s32 $0x2A00;
	s1 =	simm.s32 $0x0;
	s6 =	sshll.u32 s6, $0x4  }
0x10: {  	s7 =	smax.u32 s5, $0x1;
	s9 =	sadd.s32 $0x6400, s8;
	s10 =	sadd.s32 $0xC800, s8  }
0x11: {  	s11 =	sadd.s32 $0x12C00, s8;
	s12 =	sadd.s32 $0x19000, s8;
	s0 =	sadd.s32 s6, s0  }
0x12: {  	s13 =	sadd.s32 $0x91000, s0;
	s14 =	sadd.s32 $0x91C80, s0;
	s15 =	sadd.s32 $0x92900, s0  }
0x13: {  	v0 =	vmov s20;
	s16 =	sadd.s32 $0x93580, s0;
	s17 =	sadd.s32 $0x94200, s0;
	s0 =	simm.s32 $0x4  }
.LBB2_1:
0x14: {  	s5 =	rddreg [dreg:$0x3];
	s6 =	simm.s32 $0x5200  }
0x15: {  	[tilespmem:s6], [sflag:$0x5] =	stream.linear.gather [hbm4b:s5+s3], $0x6400, $0x38;
	[tilespmem:$0x1B040] =	vst v63  }
0x16: {  	_ =	swait.ge [sflag:s21], $0x6400  }
0x17: {  	[sflag:s21] =	ssyncset.done $0x0  }
0x18: {  	s5 =	simm.s32 @!p1 $0x5200;
	s6 =	rddreg [dreg:$0x4];
	[sflag:s21] =	ssyncadd.s32 $0xFFFF9C00  }
0x19: {  	[spmem:s6] =	stream.linear.scatter @!p1 [tilespmem:s5], [sflag:$0x5], $0x400, $0x38;
	[tilespmem:$0x1B040] =	vst v63  }
0x1a: {  	s5 =	simm.s32 @!p1 $0x5  }
0x1b: {  	_ =	swait.ge @!p1 [sflag:s5], $0x400  }
0x1c: {  	[sflag:s5] =	ssyncset.done @!p1 $0x0  }
0x1d: {  	s20 =	simm.s32 @!p0 $0x5;
	[sflag:s5] =	ssyncadd.s32 @!p1 $0xFFFFFC00;
	s5 =	simm.s32 @!p0 $0x5200  }
0x1e: {  	[spmem:s8] =	stream.linear.scatter @!p0 [tilespmem:s5], [sflag:$0x5], $0x6400, $0x38;
	[tilespmem:$0x1B040] =	vst v63  }
0x1f: {  	_ =	swait.ge @!p0 [sflag:s20], $0x6400  }
0x20: {  	[sflag:s20] =	ssyncset.done @!p0 $0x0  }
0x21: {  	[sflag:s20] =	ssyncadd.s32 @!p0 $0xFFFF9C00  }
0x22: {  	[spmem:s9] =	stream.linear.scatter @!p0 [tilespmem:s5], [sflag:$0x5], $0x6400, $0x38;
	[tilespmem:$0x1B040] =	vst v63  }
0x23: {  	_ =	swait.ge @!p0 [sflag:s20], $0x6400  }
0x24: {  	[sflag:s20] =	ssyncset.done @!p0 $0x0  }
0x25: {  	[sflag:s20] =	ssyncadd.s32 @!p0 $0xFFFF9C00  }
0x26: {  	[spmem:s10] =	stream.linear.scatter @!p0 [tilespmem:s5], [sflag:$0x5], $0x6400, $0x38;
	[tilespmem:$0x1B040] =	vst v63  }
0x27: {  	_ =	swait.ge @!p0 [sflag:s20], $0x6400  }
0x28: {  	[sflag:s20] =	ssyncset.done @!p0 $0x0  }
0x29: {  	[sflag:s20] =	ssyncadd.s32 @!p0 $0xFFFF9C00  }
0x2a: {  	[spmem:s11] =	stream.linear.scatter @!p0 [tilespmem:s5], [sflag:$0x5], $0x6400, $0x38;
	[tilespmem:$0x1B040] =	vst v63  }
0x2b: {  	_ =	swait.ge @!p0 [sflag:s20], $0x6400  }
0x2c: {  	[sflag:s20] =	ssyncset.done @!p0 $0x0  }
0x2d: {  	[sflag:s20] =	ssyncadd.s32 @!p0 $0xFFFF9C00  }
0x2e: {  	[spmem:s12] =	stream.linear.scatter @!p0 [tilespmem:s5], [sflag:$0x5], $0x6400, $0x38;
	[tilespmem:$0x1B040] =	vst v63  }
0x2f: {  	_ =	swait.ge @!p0 [sflag:s20], $0x6400  }
0x30: {  	[sflag:s20] =	ssyncset.done @!p0 $0x0  }
0x31: {  	p2 =	por $0x1, $0x1;
	[sflag:s20] =	ssyncadd.s32 @!p0 $0xFFFF9C00  }
0x32: {  	s5 =	simm.s32 @!p2 $0x3;
	[bflag:$0x0] =	sbarrier.arrive $0xFFFF  }
0x33: {  	_ =	swait.ge @!p2 [sflag:s5], $0x2800  }
0x34: {  	[sflag:s5] =	ssyncset.done @!p2 $0x0  }
0x35: {  	[sflag:s5] =	ssyncadd.s32 @!p2 $0xFFFFD800;
	s5 =	simm.s32 @!p2 $0x4  }
0x36: {  	_ =	swait.ge @!p2 [sflag:s5], $0x2800  }
0x37: {  	[sflag:s5] =	ssyncset.done @!p2 $0x0  }
0x38: {  	s6 =	sadd.s32 $0x0, s19;
	[sflag:s5] =	ssyncadd.s32 @!p2 $0xFFFFD800  }
0x39: {  	[tilespmem:s3], [sflag:$0x5] =	stream.linear.gather [hbm4b:s6+s3], $0x50, $0x38;
	[tilespmem:$0x1B040] =	vst v63  }
0x3a: {  	_ =	swait.ge [sflag:s21], $0x50  }
0x3b: {  	[sflag:s21] =	ssyncset.done $0x0  }
0x3c: {  	[sflag:s21] =	ssyncadd.s32 $0xFFFFFFB0  }
0x3d: {  	[tilespmem:s23], [sflag:$0x1] =	stream.indirect.gather [hbm4b:s4+s22], $0x80, s3, s22, $0xb8;
	[tilespmem:$0x1B040] =	vst v63  }
0x3e: {  	s5 =	sadd.s32 $0xA, s6  }
0x3f: {  	[tilespmem:s24], [sflag:$0x5] =	stream.linear.gather [hbm4b:s5+s3], $0x50, $0x38;
	[tilespmem:$0x1B040] =	vst v63  }
0x40: {  	_ =	swait.ge [sflag:s21], $0x50  }
0x41: {  	[sflag:s21] =	ssyncset.done $0x0  }
0x42: {  	[sflag:s21] =	ssyncadd.s32 $0xFFFFFFB0  }
0x43: {  	[tilespmem:s25], [sflag:$0x2] =	stream.indirect.gather [hbm4b:s4+s22], $0x80, s24, s22, $0xb8;
	[tilespmem:$0x1B040] =	vst v63  }
0x44: {  	s20 =	sadd.s32 $0x0, s18  }
0x45: {  	[tilespmem:s26], [sflag:$0x5] =	stream.linear.gather [hbm4b:s20+s3], $0x50, $0x38;
	[tilespmem:$0x1B040] =	vst v63  }
0x46: {  	_ =	swait.ge [sflag:s21], $0x50  }
0x47: {  	[sflag:s21] =	ssyncset.done $0x0  }
0x48: {  	[sflag:s21] =	ssyncadd.s32 $0xFFFFFFB0  }
0x49: {  	v1 =	vld [tilespmem:$0x140]  }
0x4a: {  	v2 =	vld [tilespmem:$0x130]  }
0x4b: {  	v3 =	vld [tilespmem:$0x100]  }
0x4c: {  	v4 =	vld [tilespmem:$0x110];
	_ =	sdelay $0x3  }
0x4d: {  	v7 =	vld [tilespmem:$0x120];
	v5 =	vsub.s32 v1, v0;
	v1 =	vand.u32 $0x7, v1;
	v6 =	vsub.s32 v2, v0  }
0x4e: {  	v2 =	vand.u32 $0x7, v2;
	v8 =	vsub.s32 v3, v0;
	v9 =	vsub.s32 v4, v0  }
0x4f: {  	v3 =	vand.u32 $0x7, v3;
	v4 =	vand.u32 $0x7, v4;
	vm0 =	vlt.u32 v5, $0x1F40  }
0x50: {  	vm1 =	vlt.u32 v6, $0x1F40;
	v2 =	vor.u32 $0x1F40, v2;
	v1 =	vor.u32 $0x1F40, v1  }
0x51: {  	v3 =	vor.u32 $0x1F40, v3;
	vm2 =	vlt.u32 v9, $0x1F40;
	v2 =	vsel vm1, v6, v2  }
0x52: {  	vm1 =	vlt.u32 v8, $0x1F40;
	v6 =	vand.u32 $0x7, v7;
	v1 =	vsel vm0, v5, v1;
	[tilespmem:$0x130] =	vst v2  }
0x53: {  	v2 =	vsel vm1, v8, v3;
	v3 =	vor.u32 $0x1F40, v4;
	v4 =	vsub.s32 v7, v0;
	[tilespmem:$0x140] =	vst v1  }
0x54: {  	[tilespmem:$0x100] =	vst v2;
	v2 =	vsel vm2, v9, v3;
	vm1 =	vlt.u32 v4, $0x1F40;
	v3 =	vor.u32 $0x1F40, v6  }
0x55: {  	[tilespmem:$0x110] =	vst v2;
	v2 =	vsel vm1, v4, v3  }
0x56: {  	s5 =	sadd.s32 $0xA, s20;
	[tilespmem:$0x120] =	vst v2  }
0x57: {  	[tilespmem:s28], [sflag:$0x5] =	stream.linear.gather [hbm4b:s5+s3], $0x50, $0x38;
	[tilespmem:$0x1B040] =	vst v63  }
0x58: {  	_ =	swait.ge [sflag:s21], $0x50  }
0x59: {  	[sflag:s21] =	ssyncset.done $0x0  }
0x5a: {  	[sflag:s21] =	ssyncadd.s32 $0xFFFFFFB0  }
0x5b: {  	v1 =	vld [tilespmem:$0x190]  }
0x5c: {  	v8 =	vld [tilespmem:$0x1B0];
	_ =	sdelay $0x3  }
0x5d: {  	v5 =	vld [tilespmem:$0x1A0]  }
0x5e: {  	v4 =	vsub.s32 v1, v0;
	v7 =	vand.u32 $0x7, v1;
	v1 =	vand.u32 $0x7, v8  }
0x5f: {  	v6 =	vor.u32 $0x1F40, v1;
	v1 =	vld [tilespmem:$0x1C0]  }
0x60: {  	v3 =	vld [tilespmem:$0x180];
	_ =	sdelay $0x1  }
0x61: {  	v2 =	vsub.s32 v5, v0;
	v8 =	vsub.s32 v8, v0  }
0x62: {  	s20 =	simm.s32 $0x14;
	vm1 =	vlt.u32 v4, $0x1F40;
	v7 =	vor.u32 $0x1F40, v7;
	vm0 =	vlt.u32 v2, $0x1F40  }
.LBB2_2:
0x63: {  	v5 =	vand.u32 $0x7, v5;
	vm2 =	vlt.u32 v8, $0x1F40;
	v9 =	vand.u32 $0x7, v1;
	s5 =	smov.u32 s20;
	s20 =	sadd.s32 $0x14, s20  }
0x64: {  	v10 =	vand.u32 $0x7, v3;
	v4 =	vsel vm1, v4, v7;
	p2 =	sne.s32 s20, $0x7D0;
	v6 =	vsel vm2, v8, v6  }
0x65: {  	v3 =	vsub.s32 v3, v0;
	v7 =	vor.u32 $0x1F40, v10;
	v5 =	vor.u32 $0x1F40, v5;
	[tilespmem:$0x1B0] =	vst v6  }
0x66: {  	v1 =	vsub.s32 v1, v0;
	vm1 =	vlt.u32 v3, $0x1F40;
	v2 =	vsel vm0, v2, v5;
	[tilespmem:$0x190] =	vst v4  }
0x67: {  	v3 =	vsel vm1, v3, v7;
	vm0 =	vlt.u32 v1, $0x1F40;
	[tilespmem:$0x1A0] =	vst v2;
	v2 =	vor.u32 $0x1F40, v9  }
0x68: {  	[tilespmem:$0x180] =	vst v3;
	v1 =	vsel vm0, v1, v2  }
0x69: {  	[tilespmem:$0x1C0] =	vst v1  }
0x6a: {  	_ =	swait.ge [sflag:s29], $0x2800  }
0x6b: {  	[sflag:s29] =	ssyncset.done $0x0  }
0x6c: {  	[sflag:s29] =	ssyncadd.s32 $0xFFFFD800  }
0x6d: {  	[spmem:s2] =	stream.indirect.scatter.add.f32 [tilespmem:s23], [sflag:$0x3], $0x80, s26, s22, $0xb8;
	[tilespmem:$0x1B040] =	vst v63  }
0x6e: {  	_ =	swait.ge [sflag:s30], $0x2800  }
0x6f: {  	[sflag:s30] =	ssyncset.done $0x0  }
0x70: {  	p3 =	seq.s32 s5, $0x0;
	[sflag:s30] =	ssyncadd.s32 $0xFFFFD800  }
0x71: {  	[spmem:s2] =	stream.indirect.scatter.add.f32 [tilespmem:s25], [sflag:$0x4], $0x80, s28, s22, $0xb8;
	[tilespmem:$0x1B040] =	vst v63  }
0x72: {  	s6 =	simm.s32 @!p3 $0x3  }
0x73: {  	_ =	swait.ge @!p3 [sflag:s6], $0x2800  }
0x74: {  	[sflag:s6] =	ssyncset.done @!p3 $0x0  }
0x75: {  	[sflag:s6] =	ssyncadd.s32 @!p3 $0xFFFFD800;
	s6 =	simm.s32 @!p3 $0x4  }
0x76: {  	_ =	swait.ge @!p3 [sflag:s6], $0x2800  }
0x77: {  	[sflag:s6] =	ssyncset.done @!p3 $0x0  }
0x78: {  	[sflag:s6] =	ssyncadd.s32 @!p3 $0xFFFFD800;
	s6 =	sadd.s32 s5, s19  }
0x79: {  	[tilespmem:s3], [sflag:$0x5] =	stream.linear.gather [hbm4b:s6+s3], $0x50, $0x38;
	[tilespmem:$0x1B040] =	vst v63  }
0x7a: {  	_ =	swait.ge [sflag:s21], $0x50  }
0x7b: {  	[sflag:s21] =	ssyncset.done $0x0  }
0x7c: {  	[sflag:s21] =	ssyncadd.s32 $0xFFFFFFB0  }
0x7d: {  	[tilespmem:s23], [sflag:$0x1] =	stream.indirect.gather [hbm4b:s4+s22], $0x80, s3, s22, $0xb8;
	[tilespmem:$0x1B040] =	vst v63  }
0x7e: {  	s6 =	sadd.s32 $0xA, s6  }
0x7f: {  	[tilespmem:s24], [sflag:$0x5] =	stream.linear.gather [hbm4b:s6+s3], $0x50, $0x38;
	[tilespmem:$0x1B040] =	vst v63  }
0x80: {  	_ =	swait.ge [sflag:s21], $0x50  }
0x81: {  	[sflag:s21] =	ssyncset.done $0x0  }
0x82: {  	[sflag:s21] =	ssyncadd.s32 $0xFFFFFFB0  }
0x83: {  	[tilespmem:s25], [sflag:$0x2] =	stream.indirect.gather [hbm4b:s4+s22], $0x80, s24, s22, $0xb8;
	[tilespmem:$0x1B040] =	vst v63  }
0x84: {  	s5 =	sadd.s32 s5, s18  }
0x85: {  	[tilespmem:s26], [sflag:$0x5] =	stream.linear.gather [hbm4b:s5+s3], $0x50, $0x38;
	[tilespmem:$0x1B040] =	vst v63  }
0x86: {  	_ =	swait.ge [sflag:s21], $0x50  }
0x87: {  	[sflag:s21] =	ssyncset.done $0x0  }
0x88: {  	[sflag:s21] =	ssyncadd.s32 $0xFFFFFFB0  }
0x89: {  	v1 =	vld [tilespmem:$0x140]  }
0x8a: {  	v2 =	vld [tilespmem:$0x130]  }
0x8b: {  	v3 =	vld [tilespmem:$0x100]  }
0x8c: {  	v4 =	vld [tilespmem:$0x110]  }
0x8d: {  	v5 =	vld [tilespmem:$0x120]  }
0x8e: {  	v6 =	vsub.s32 v1, v0;
	v1 =	vand.u32 $0x7, v1  }
0x8f: {  	v7 =	vsub.s32 v2, v0;
	v2 =	vand.u32 $0x7, v2;
	vm0 =	vlt.u32 v6, $0x1F40  }
0x90: {  	v8 =	vsub.s32 v3, v0;
	vm1 =	vlt.u32 v7, $0x1F40;
	v2 =	vor.u32 $0x1F40, v2  }
0x91: {  	v1 =	vor.u32 $0x1F40, v1;
	v9 =	vsub.s32 v4, v0;
	v2 =	vsel vm1, v7, v2  }
0x92: {  	v3 =	vand.u32 $0x7, v3;
	v4 =	vand.u32 $0x7, v4;
	vm1 =	vlt.u32 v9, $0x1F40;
	[tilespmem:$0x130] =	vst v2  }
0x93: {  	vm2 =	vlt.u32 v8, $0x1F40;
	v2 =	vor.u32 $0x1F40, v3;
	v3 =	vsub.s32 v5, v0  }
0x94: {  	v4 =	vor.u32 $0x1F40, v4;
	v5 =	vand.u32 $0x7, v5;
	v2 =	vsel vm2, v8, v2  }
0x95: {  	[tilespmem:$0x100] =	vst v2;
	v2 =	vsel vm1, v9, v4;
	vm1 =	vlt.u32 v3, $0x1F40;
	v4 =	vor.u32 $0x1F40, v5  }
0x96: {  	v1 =	vsel vm0, v6, v1;
	[tilespmem:$0x110] =	vst v2;
	v2 =	vsel vm1, v3, v4  }
0x97: {  	[tilespmem:$0x140] =	vst v1  }
0x98: {  	s5 =	sadd.s32 $0xA, s5;
	[tilespmem:$0x120] =	vst v2  }
0x99: {  	[tilespmem:s28], [sflag:$0x5] =	stream.linear.gather [hbm4b:s5+s3], $0x50, $0x38;
	[tilespmem:$0x1B040] =	vst v63  }
0x9a: {  	_ =	swait.ge [sflag:s21], $0x50  }
0x9b: {  	[sflag:s21] =	ssyncset.done $0x0  }
0x9c: {  	[sflag:s21] =	ssyncadd.s32 $0xFFFFFFB0  }
0x9d: {  	v2 =	vld [tilespmem:$0x190]  }
0x9e: {  	v8 =	vld [tilespmem:$0x1B0]  }
0x9f: {  	v5 =	vld [tilespmem:$0x1A0]  }
0xa0: {  	v3 =	vld [tilespmem:$0x180]  }
.Ltmp0:
0xa1: {  	v1 =	vld [tilespmem:$0x1C0];
	(pc) =	sbr.rel @p2 .LBB2_2-.Ltmp0, $4  }
0xa2: {  	_ = 	snop  }
0xa3: {  	v4 =	vsub.s32 v2, v0;
	v7 =	vand.u32 $0x7, v2;
	v6 =	vand.u32 $0x7, v8  }
0xa4: {  	vm1 =	vlt.u32 v4, $0x1F40;
	v2 =	vsub.s32 v5, v0;
	v6 =	vor.u32 $0x1F40, v6  }
0xa5: {  	v7 =	vor.u32 $0x1F40, v7;
	v8 =	vsub.s32 v8, v0;
	vm0 =	vlt.u32 v2, $0x1F40  }
0xa6: {  	v5 =	vand.u32 $0x7, v5;
	vm2 =	vlt.u32 v8, $0x1F40;
	v9 =	vand.u32 $0x7, v1  }
0xa7: {  	v10 =	vand.u32 $0x7, v3;
	v4 =	vsel vm1, v4, v7;
	v3 =	vsub.s32 v3, v0  }
0xa8: {  	v1 =	vsub.s32 v1, v0;
	v6 =	vsel vm2, v8, v6;
	v5 =	vor.u32 $0x1F40, v5;
	[tilespmem:$0x190] =	vst v4  }
0xa9: {  	v63 =	vor.u32 $0x1F40, v10;
	vm14 =	vlt.u32 v3, $0x1F40;
	[tilespmem:$0x1B0] =	vst v6;
	v2 =	vsel vm0, v2, v5  }
0xaa: {  	vm15 =	vlt.u32 v1, $0x1F40;
	v3 =	vsel vm14, v3, v63;
	[tilespmem:$0x1A0] =	vst v2;
	v2 =	vor.u32 $0x1F40, v9  }
0xab: {  	[tilespmem:$0x180] =	vst v3;
	v1 =	vsel vm15, v1, v2  }
0xac: {  	[tilespmem:$0x1C0] =	vst v1  }
0xad: {  	_ =	swait.ge [sflag:s29], $0x2800  }
0xae: {  	[sflag:s29] =	ssyncset.done $0x0  }
0xaf: {  	[sflag:s29] =	ssyncadd.s32 $0xFFFFD800  }
0xb0: {  	[spmem:s2] =	stream.indirect.scatter.add.f32 [tilespmem:s23], [sflag:$0x3], $0x80, s26, s22, $0xb8;
	[tilespmem:$0x1B040] =	vst v63  }
0xb1: {  	_ =	swait.ge [sflag:s30], $0x2800  }
0xb2: {  	[sflag:s30] =	ssyncset.done $0x0  }
0xb3: {  	[sflag:s30] =	ssyncadd.s32 $0xFFFFD800  }
0xb4: {  	[spmem:s2] =	stream.indirect.scatter.add.f32 [tilespmem:s25], [sflag:$0x4], $0x80, s28, s22, $0xb8;
	[tilespmem:$0x1B040] =	vst v63  }
0xb5: {  	_ =	swait.ge [sflag:s31], $0x2800  }
0xb6: {  	[sflag:s31] =	ssyncset.done $0x0  }
0xb7: {  	[sflag:s31] =	ssyncadd.s32 $0xFFFFD800  }
0xb8: {  	_ =	swait.ge [sflag:s0], $0x2800  }
0xb9: {  	[sflag:s0] =	ssyncset.done $0x0  }
0xba: {  	[sflag:s0] =	ssyncadd.s32 $0xFFFFD800  }
0xbb: {  	s5 =	simm.s32 @!p0 $0x5200;
	s6 =	simm.s32 @!p0 $0x5;
	[bflag:$0x0] =	sbarrier.arrive $0xFFFF  }
0xbc: {  	[tilespmem:s5], [sflag:$0x5] =	stream.linear.gather @!p0 [spmem:s8], $0x6400, $0x38;
	[tilespmem:$0x1B040] =	vst v63  }
0xbd: {  	_ =	swait.ge @!p0 [sflag:s6], $0x6400  }
0xbe: {  	[sflag:s6] =	ssyncset.done @!p0 $0x0  }
0xbf: {  	s20 =	simm.s32 @!p0 $0x0;
	[sflag:s6] =	ssyncadd.s32 @!p0 $0xFFFF9C00  }
0xc0: {  	[hbm4b:s13+s20] =	stream.linear.scatter @!p0 [tilespmem:s5], [sflag:$0x5], $0x6400, $0x38;
	[tilespmem:$0x1B040] =	vst v63  }
0xc1: {  	_ =	swait.ge @!p0 [sflag:s6], $0x6400  }
0xc2: {  	[sflag:s6] =	ssyncset.done @!p0 $0x0  }
0xc3: {  	[sflag:s6] =	ssyncadd.s32 @!p0 $0xFFFF9C00  }
0xc4: {  	[tilespmem:s5], [sflag:$0x5] =	stream.linear.gather @!p0 [spmem:s9], $0x6400, $0x38;
	[tilespmem:$0x1B040] =	vst v63  }
0xc5: {  	_ =	swait.ge @!p0 [sflag:s6], $0x6400  }
0xc6: {  	[sflag:s6] =	ssyncset.done @!p0 $0x0  }
0xc7: {  	[sflag:s6] =	ssyncadd.s32 @!p0 $0xFFFF9C00  }
0xc8: {  	[hbm4b:s14+s20] =	stream.linear.scatter @!p0 [tilespmem:s5], [sflag:$0x5], $0x6400, $0x38;
	[tilespmem:$0x1B040] =	vst v63  }
0xc9: {  	_ =	swait.ge @!p0 [sflag:s6], $0x6400  }
0xca: {  	[sflag:s6] =	ssyncset.done @!p0 $0x0  }
0xcb: {  	[sflag:s6] =	ssyncadd.s32 @!p0 $0xFFFF9C00  }
0xcc: {  	[tilespmem:s5], [sflag:$0x5] =	stream.linear.gather @!p0 [spmem:s10], $0x6400, $0x38;
	[tilespmem:$0x1B040] =	vst v63  }
0xcd: {  	_ =	swait.ge @!p0 [sflag:s6], $0x6400  }
0xce: {  	[sflag:s6] =	ssyncset.done @!p0 $0x0  }
0xcf: {  	[sflag:s6] =	ssyncadd.s32 @!p0 $0xFFFF9C00  }
0xd0: {  	[hbm4b:s15+s20] =	stream.linear.scatter @!p0 [tilespmem:s5], [sflag:$0x5], $0x6400, $0x38;
	[tilespmem:$0x1B040] =	vst v63  }
0xd1: {  	_ =	swait.ge @!p0 [sflag:s6], $0x6400  }
0xd2: {  	[sflag:s6] =	ssyncset.done @!p0 $0x0  }
0xd3: {  	[sflag:s6] =	ssyncadd.s32 @!p0 $0xFFFF9C00  }
0xd4: {  	[tilespmem:s5], [sflag:$0x5] =	stream.linear.gather @!p0 [spmem:s11], $0x6400, $0x38;
	[tilespmem:$0x1B040] =	vst v63  }
0xd5: {  	_ =	swait.ge @!p0 [sflag:s6], $0x6400  }
0xd6: {  	[sflag:s6] =	ssyncset.done @!p0 $0x0  }
0xd7: {  	[sflag:s6] =	ssyncadd.s32 @!p0 $0xFFFF9C00  }
0xd8: {  	[hbm4b:s16+s20] =	stream.linear.scatter @!p0 [tilespmem:s5], [sflag:$0x5], $0x6400, $0x38;
	[tilespmem:$0x1B040] =	vst v63  }
0xd9: {  	_ =	swait.ge @!p0 [sflag:s6], $0x6400  }
0xda: {  	[sflag:s6] =	ssyncset.done @!p0 $0x0  }
0xdb: {  	[sflag:s6] =	ssyncadd.s32 @!p0 $0xFFFF9C00  }
0xdc: {  	[tilespmem:s5], [sflag:$0x5] =	stream.linear.gather @!p0 [spmem:s12], $0x6400, $0x38;
	[tilespmem:$0x1B040] =	vst v63  }
0xdd: {  	s1 =	sadd.s32 $0x1, s1;
	_ =	swait.ge @!p0 [sflag:s6], $0x6400  }
0xde: {  	p2 =	sne.s32 s1, s7;
	[sflag:s6] =	ssyncset.done @!p0 $0x0  }
.Ltmp1:
0xdf: {  	[sflag:s6] =	ssyncadd.s32 @!p0 $0xFFFF9C00;
	(pc) =	sbr.rel @p2 .LBB2_1-.Ltmp1, $4  }
0xe0: {  	[hbm4b:s17+s20] =	stream.linear.scatter @!p0 [tilespmem:s5], [sflag:$0x5], $0x6400, $0x38;
	[tilespmem:$0x1B040] =	vst v63  }
0xe1: {  	_ =	swait.ge @!p0 [sflag:s6], $0x6400  }
0xe2: {  	[sflag:s6] =	ssyncset.done @!p0 $0x0  }
0xe3: {  	[sflag:s6] =	ssyncadd.s32 @!p0 $0xFFFF9C00  }
0xe4: {  	_ =	sfence.sel $0x180000  }
0xe5: {  	[bflag:$0x0] =	sbarrier.arrive $0xFFFF  }
0xe6: {  	_ =	strace $0x9000004A  }
0xe7: {  	s0 =	stileid.u32;
	[bflag:$0x2] =	sbarrier.arrive $0xFFFF  }
0xe8: {  	p0 =	sne.s32 s0, $0x0;
	s0 =	rddreg [dreg:$0x2]  }
0xe9: {  	s0 =	sadd.s32 @!p0 $0x100000, s0  }
0xea: {  	[sflag:s0] =	ssyncadd.tile.s32 @!p0 $0x1;
	_ =	shalt  }
.Lfunc_end2:
_tile_overlayer_lowered:
.L_overlay_start_2:
0xeb: {  	(tag) =	ssettag $0x2  }
0xec: {  	s0 =	rddreg [dreg:$0x0];
	s2 =	stileid.u32  }
0xed: {  	s1 =	rddreg [dreg:$0x1];
	p0 =	sne.s32 s2, $0x0  }
0xee: {  	s3 =	rddreg [dreg:$0x2];
	[bflag:$0x3] =	sbarrier.arrive $0xFFFF;
	s2 =	simm.s32 @!p0 $0x1C05  }
0xef: {  	[timem:s3], [sflag:s2] =	dma.local @!p0 [hbm:s0], s1  }
0xf0: {  	s0 =	simm.s32 @!p0 $0x5  }
0xf1: {  	_ =	swait.ge @!p0 [sflag:s0], s1  }
0xf2: {  	s1 =	ssub.s32 @!p0 $0x0, s1;
	[sflag:s0] =	ssyncset.done @!p0 $0x0  }
0xf3: {  	[sflag:s0] =	ssyncadd.s32 @!p0 s1  }
0xf4: {  	[bflag:$0x3] =	sbarrier.arrive $0xFFFF  }
0xf5: {  	_ =	shalt  }

// kernel: kernel.15.cloned.1.call-start
scs
__scs_entry_jumppad:
0x0: {  	(pc) =	sbr.rel $0x88, $3  }
0x1: {  	(tag) =	ssettag $0x0;
	lr =	simm.s32 $0x1  }
0x2: {  	[smem:$0x3F92] =	sst lr;
	_ =	strace $0xD0000000  }
0x3: {  	_ = 	snop  }
0x4: {  	_ = 	snop  }
0x5: {  	_ = 	snop  }
0x6: {  	_ = 	snop  }
0x7: {  	_ = 	snop  }
__scs_overlays_trampoline_lowered:
0x8: {  	[smem:$0x3FA1] =	sst s0  }
0x9: {  	[smem:$0x3FA2] =	sst s1  }
0xa: {  	[smem:$0x3FA3] =	sst s2  }
0xb: {  	[smem:$0x3FA4] =	sst s3  }
0xc: {  	[smem:$0x3FA5] =	sst s4  }
0xd: {  	[smem:$0x3FA6] =	sst s5  }
0xe: {  	[smem:$0x3FA7] =	sst s6  }
0xf: {  	[smem:$0x3FA8] =	sst s7  }
0x10: {  	[smem:$0x3FA9] =	sst s8  }
0x11: {  	[smem:$0x3FAA] =	sst s9;
	s0 =	simm.s32 @!p0 $0x0  }
0x12: {  	s1 =	sld [smem:$0x3F90];
	s0 =	simm.s32 @p0 $0x1  }
0x13: {  	[smem:$0x3FAB] =	sst s0;
	s0 =	simm.s32 @!p1 $0x0  }
0x14: {  	s2 =	sld [smem:$0x3F8F];
	s0 =	simm.s32 @p1 $0x1  }
0x15: {  	[smem:$0x3FAC] =	sst s0;
	s0 =	simm.s32 @!p2 $0x0  }
0x16: {  	s3 =	sld [smem:$0x3FDB];
	s0 =	simm.s32 @p2 $0x1  }
0x17: {  	s4 =	simm.s32 $0x1BF5;
	[smem:$0x3FAE] =	sst s0  }
0x18: {  	s0 =	sld [smem:$0x3F91];
	_ =	swait.ge [sflag:s4], $0x0  }
0x19: {  	s7 =	sld [smem:$0x3F92]  }
0x1a: {  	s8 =	sadd.s32 $0xFFFFE003, lr  }
0x1b: {  	s9 =	sadd.s32 $0xFFFFFEF7, lr;
	s5 =	simm.s32 $0xFFFFFFFF;
	p2 =	slt.u32 s8, $0xFFFFF086  }
0x1c: {  	p1 =	slt.u32 s9, $0xF7A;
	s5 =	simm.s32 @!p2 $0x0  }
0x1d: {  	s5 =	simm.s32 @p1 $0x1;
	p0 =	seq.s32 s7, s2  }
0x1e: {  	s7 =	smul.u32 @!p0 $0xF7A, s2;
	p2 =	seq.s32 @!p0 s5, $0x0  }
0x1f: {  	s9 =	smul.u32 $0xF7A, s1;
	s8 =	simm.s32 @!p0 $0x1BF5;
	p2 =	por !p2, p0  }
0x20: {  	[sflag:s8] =	ssyncset.s32 @!p0 $0xFFFFF086;
	s6 =	sadd.s32 @!p0 s3, s7;
	s7 =	simm.s32 @!p0 $0x108  }
0x21: {  	s3 =	sadd.s32 s3, s9;
	s6 =	sadd.s32 @!p0 $0x88, s6;
	s7 =	simm.s32 @p2 $0x1082  }
0x22: {  	[simem:s7], [sflag:s8] =	dma.local @!p0 [hbm:s6], $0xF7A  }
0x23: {  	s9 =	sor.u32 $0xD0000000, s2;
	s6 =	simm.s32 $0x108;
	_ =	swait.ge @!p0 [sflag:s8], $0x0  }
0x24: {  	s3 =	sadd.s32 $0x88, s3;
	s6 =	simm.s32 @!p1 $0x1082;
	[sflag:s4] =	ssyncset.s32 $0xFFFFF086  }
0x25: {  	[simem:s6], [sflag:s4] =	dma.local [hbm:s3], $0xF7A  }
0x26: {  	[smem:$0x3F92] =	sst s1;
	(tag) =	ssettag s2;
	_ =	strace s9  }
0x27: {  	s1 =	sld [smem:$0x3FA2]  }
0x28: {  	s2 =	sld [smem:$0x3FA3]  }
0x29: {  	s4 =	sld [smem:$0x3FA5]  }
0x2a: {  	p0 =	seq.s32 s5, $0x0;
	s5 =	sld [smem:$0x3FA6]  }
0x2b: {  	s6 =	sld [smem:$0x3FA7]  }
0x2c: {  	s7 =	sld [smem:$0x3FA8]  }
0x2d: {  	s3 =	simm.s32 $0x108;
	s8 =	sld [smem:$0x3FA9]  }
0x2e: {  	s3 =	simm.s32 @!p0 $0x1082;
	s9 =	sld [smem:$0x3FAA]  }
0x2f: {  	lr =	sadd.s32 s0, s3;
	s0 =	sld [smem:$0x3FA1]  }
0x30: {  	s3 =	sld [smem:$0x3FA4]  }
0x31: {  	[smem:$0x3FAD] =	sst s10  }
0x32: {  	s10 =	sld [smem:$0x3FAB];
	_ =	sdelay $0x3  }
0x33: {  	p0 =	seq.s32 s10, $0x1;
	s10 =	sld [smem:$0x3FAD];
	_ =	sdelay $0x3  }
0x34: {  	[smem:$0x3FAD] =	sst s10  }
0x35: {  	s10 =	sld [smem:$0x3FAC];
	_ =	sdelay $0x3  }
0x36: {  	p1 =	seq.s32 s10, $0x1;
	s10 =	sld [smem:$0x3FAD];
	_ =	sdelay $0x3  }
0x37: {  	[smem:$0x3FAD] =	sst s10  }
0x38: {  	s10 =	sld [smem:$0x3FAE]  }
0x39: {  	_ = 	snop;
	(pc) =	sbr.ind lr, $3  }
0x3a: {  	_ = 	snop  }
0x3b: {  	_ = 	snop  }
0x3c: {  	p2 =	seq.s32 s10, $0x1;
	s10 =	sld [smem:$0x3FAD]  }
0x3d: {  	_ =	shalt  }
0x3e: {  	_ =	shalt  }
0x3f: {  	_ =	shalt  }
0x40: {  	_ =	shalt  }
0x41: {  	_ =	shalt  }
0x42: {  	_ =	shalt  }
0x43: {  	_ =	shalt  }
0x44: {  	_ =	shalt  }
0x45: {  	_ =	shalt  }
0x46: {  	_ =	shalt  }
0x47: {  	_ =	shalt  }
0x48: {  	_ =	shalt  }
0x49: {  	_ =	shalt  }
0x4a: {  	_ =	shalt  }
0x4b: {  	_ =	shalt  }
0x4c: {  	_ =	shalt  }
0x4d: {  	_ =	shalt  }
0x4e: {  	_ =	shalt  }
0x4f: {  	_ =	shalt  }
0x50: {  	_ =	shalt  }
0x51: {  	_ =	shalt  }
0x52: {  	_ =	shalt  }
0x53: {  	_ =	shalt  }
0x54: {  	_ =	shalt  }
0x55: {  	_ =	shalt  }
0x56: {  	_ =	shalt  }
0x57: {  	_ =	shalt  }
0x58: {  	_ =	shalt  }
0x59: {  	_ =	shalt  }
0x5a: {  	_ =	shalt  }
0x5b: {  	_ =	shalt  }
0x5c: {  	_ =	shalt  }
0x5d: {  	_ =	shalt  }
0x5e: {  	_ =	shalt  }
0x5f: {  	_ =	shalt  }
0x60: {  	_ =	shalt  }
0x61: {  	_ =	shalt  }
0x62: {  	_ =	shalt  }
0x63: {  	_ =	shalt  }
0x64: {  	_ =	shalt  }
0x65: {  	_ =	shalt  }
0x66: {  	_ =	shalt  }
0x67: {  	_ =	shalt  }
0x68: {  	_ =	shalt  }
0x69: {  	_ =	shalt  }
0x6a: {  	_ =	shalt  }
0x6b: {  	_ =	shalt  }
0x6c: {  	_ =	shalt  }
0x6d: {  	_ =	shalt  }
0x6e: {  	_ =	shalt  }
0x6f: {  	_ =	shalt  }
0x70: {  	_ =	shalt  }
0x71: {  	_ =	shalt  }
0x72: {  	_ =	shalt  }
0x73: {  	_ =	shalt  }
0x74: {  	_ =	shalt  }
0x75: {  	_ =	shalt  }
0x76: {  	_ =	shalt  }
0x77: {  	_ =	shalt  }
0x78: {  	_ =	shalt  }
0x79: {  	_ =	shalt  }
0x7a: {  	_ =	shalt  }
0x7b: {  	_ =	shalt  }
0x7c: {  	_ =	shalt  }
0x7d: {  	_ =	shalt  }
0x7e: {  	_ =	shalt  }
0x7f: {  	_ =	shalt  }
0x80: {  	_ =	shalt  }
0x81: {  	_ =	shalt  }
0x82: {  	_ =	shalt  }
0x83: {  	_ =	shalt  }
0x84: {  	_ =	shalt  }
0x85: {  	_ =	shalt  }
0x86: {  	_ =	shalt  }
0x87: {  	_ =	shalt  }
.Lfunc_end0:
.L_simem_size_0:
called_computation.2_lowered:
.L_overlay_start_0:
0x88: {  	s2 =	sld [smem:$0x3FD9]  }
0x89: {  	s3 =	sld [smem:$0x3FFE];
	_ =	sdelay $0x1  }
0x8a: {  	s1 =	srdreg.scid  }
0x8b: {  	s0 =	sand.u32 $0x1, s1  }
0x8c: {  	s17 =	sshll.u32 s0, $0xA;
	s2 =	sadd.s32 s3, s2  }
0x8d: {  	s2 =	sadd.s32 s2, s17  }
0x8e: {  	[smem:$0x3FB9] =	sst s2  }
0x8f: {  	_ = 	snop  }
0x90: {  	(tm) =	ssettm $0x1  }
0x91: {  	s18 =	sld [smem:$0x3FFB];
	_ =	sdelay $0x3  }
0x92: {  	_ =	strace s18  }
0x93: {  	s2 =	sld [smem:$0x3FFC];
	_ =	sdelay $0x3  }
0x94: {  	_ =	strace s2  }
0x95: {  	s2 =	sld [smem:$0x3FFD];
	_ =	sdelay $0x3  }
0x96: {  	_ =	strace s2  }
0x97: {  	_ =	strace $0x8FFFFFFF  }
0x98: {  	s19 =	sld [smem:$0x3FDB];
	_ =	sdelay $0x1  }
0x99: {  	s20 =	simm.s32 $_scs_section_size  }
0x9a: {  	s4 =	simm.s32 $_size__tile_overlayer_lowered;
	s5 =	simm.s32 $_tile_overlayer_lowered  }
0x9b: {  	s6 =	simm.s32 $0x1BFF;
	s21 =	sshll.u32 s5, $0x1;
	s3 =	sadd.s32 s20, s19  }
0x9c: {  	s22 =	simm.s32 $0x0;
	s4 =	sshll.u32 s4, $0x1;
	s5 =	sadd.s32 s21, s3  }
0x9d: {  	[timem:s22], [sflag:s6] =	dma.local [hbm:s5], s4  }
0x9e: {  	_ =	swait.ge [sflag:s6], s4  }
0x9f: {  	s4 =	ssub.s32 $0x0, s4;
	[sflag:s6] =	ssyncset.done $0x0  }
0xa0: {  	[sflag:s6] =	ssyncadd.s32 s4;
	_ =	sdelay $0x1  }
0xa1: {  	s23 =	simm.s32 $0x1B8B  }
0xa2: {  	_ =	swait.ge [sflag:s23], $0x1  }
0xa3: {  	[sflag:s23] =	ssyncset.done $0x0  }
0xa4: {  	[sflag:s23] =	ssyncadd.s32 $0xFFFFFFFF  }
0xa5: {  	s4 =	sld [smem:$0x0]  }
0xa6: {  	s5 =	sand.u32 $0xFFFFFFFE, s1  }
0xa7: {  	p0 =	sne.s32 s1, s5  }
0xa8: {  	s5 =	sshll.u32 @p0 s5, $0xE  }
0xa9: {  	s5 =	sadd.s32 @p0 $0x11B8D, s5;
	s6 =	sshll.u32 @p0 s4, $0x11  }
0xaa: {  	s5 =	sor.u32 @p0 s6, s5  }
0xab: {  	[sflag:s5] =	ssyncadd.remote.s32 @p0 $0x1;
	_ =	sdelay $0x1  }
0xac: {  	s5 =	simm.s32 @p0 $0x1B8D  }
0xad: {  	_ =	swait.eq @p0 [sflag:s5], $0x1  }
0xae: {  	[sflag:s5] =	ssyncadd.s32 @p0 $0xFFFFFFFF  }
0xaf: {  	s6 =	sshll.u32 @!p0 s1, $0xE  }
0xb0: {  	s6 =	sor.u32 @!p0 $0x4000, s6;
	s5 =	simm.s32 @!p0 $0x1B8D  }
0xb1: {  	s4 =	sshll.u32 @!p0 s4, $0x11;
	s6 =	sadd.s32 @!p0 $0x11B8D, s6;
	_ =	swait.eq @!p0 [sflag:s5], $0x1  }
0xb2: {  	s4 =	sor.u32 @!p0 s4, s6;
	[sflag:s5] =	ssyncadd.s32 @!p0 $0xFFFFFFFF  }
0xb3: {  	s25 =	simm.s32 $0x1B8E;
	s24 =	sld [smem:$0x3FFE];
	[sflag:s4] =	ssyncadd.remote.s32 @!p0 $0x1  }
0xb4: {  	s26 =	simm.s32 $execute0_lowered;
	[smem:$0x3FD2] =	sst s25  }
0xb5: {  	s5 =	sshll.u32 s26, $0x1;
	_ =	strace $0x8000004F;
	[dreg:$0x1] =	wrdreg $0xFFFFFFFF  }
0xb6: {  	s28 =	simm.s32 $_size_execute0_lowered;
	s3 =	sadd.s32 s3, s5;
	[dreg:$0x0] =	wrdreg $0x0  }
0xb7: {  	s5 =	sshll.u32 s28, $0x1;
	[dreg:$0x2] =	wrdreg s3  }
0xb8: {  	[dreg:$0x3] =	wrdreg s5  }
0xb9: {  	[dreg:$0x4] =	wrdreg $0xC0  }
0xba: {  	_ =	task [dreg:s22], $0x5FFFF  }
0xbb: {  	[dreg:$0x1] =	wrdreg $0xFFFFFFFF  }
0xbc: {  	[dreg:$0x0] =	wrdreg $0x60  }
0xbd: {  	[dreg:$0x2] =	wrdreg s24  }
0xbe: {  	[dreg:$0x3] =	wrdreg $0xB6000  }
0xbf: {  	[dreg:$0x4] =	wrdreg $0xA  }
0xc0: {  	_ =	task.clear_ibuf [dreg:s22], $0x5FFFF;
	_ =	strace $0x9000004F  }
0xc1: {  	s29 =	simm.s32 $0xA;
	_ =	strace $0x80000051  }
0xc2: {  	_ =	swait.ge [sflag:s29], $0x1  }
0xc3: {  	[sflag:s29] =	ssyncadd.s32 $0xFFFFFFFF  }
0xc4: {  	_ =	strace $0x90000051  }
0xc5: {  	_ =	sfence  }
0xc6: {  	s30 =	sld [smem:$0x0];
	_ =	sdelay $0x2  }
0xc7: {  	s31 =	sshll.u32 s1, $0xD;
	s1 =	sshrl.u32 s1, $0x2  }
0xc8: {  	s4 =	sand.u32 $0x4000, s31;
	s1 =	sadd.s32 s1, s30  }
0xc9: {  	s0 =	sor.u32 s4, s0;
	s1 =	sshll.u32 s1, $0x11  }
0xca: {  	s0 =	sor.u32 s1, s0  }
0xcb: {  	s0 =	sadd.s32 $0x8F2B, s0  }
0xcc: {  	[sflag:s0] =	ssyncadd.remote.s32 $0x1  }
0xcd: {  	_ =	sfence.sel $0xFFFF  }
0xce: {  	[dreg:$0x0] =	wrdreg $0xFFFFFFFF;
	(pc) =	sbr.abs _section_cstart, $3  }
0xcf: {  	[dreg:$0x1] =	wrdreg $0xFFFFFFFF  }
0xd0: {  	_ =	task.clear_ibuf [dreg:s22], $0x2FFFF;
	_ =	strace $0x9FFFFFFF  }
0xd1: {  	(tm) =	ssettm $0x7FFFFFFF  }
tec
execute0_lowered:
.L_overlay_start_1:
0x0: {  	(tag) =	ssettag $0x1  }
0x1: {  	s0 =	rddreg [dreg:$0x0]  }
0x2: {  	s2 =	rddreg [dreg:$0x1]  }
0x3: {  	s22 =	stileid.u32;
	s4 =	srdreg.scid;
	s3 =	simm.s32 $0x0  }
0x4: {  	s21 =	simm.s32 $0x5;
	s23 =	simm.s32 $0x200;
	s28 =	simm.s32 $0x180  }
0x5: {  	s29 =	simm.s32 $0x1;
	s30 =	simm.s32 $0x2;
	s1 =	smul.u32 $0x7D0, s22  }
0x6: {  	s31 =	simm.s32 $0x3;
	s5 =	sand.u32 $0x1, s4;
	s6 =	smul.u32 $0x3E8, s22  }
0x7: {  	[smem:$0x7FF] =	sst s3;
	s4 =	sadd.s32 $0x14000, s0;
	s7 =	smul.u32 $0x7D000, s22  }
0x8: {  	s8 =	sadd.s32 $0x13200, s0;
	s26 =	sadd.s32 $0xFA000, s2;
	p0 =	sgt.u32 s22, $0x7  }
0x9: {  	s20 =	smul.u32 $0x1F40, s5;
	_ =	strace $0x80000050;
	[dreg:$0x3] =	wrdreg s8  }
0xa: {  	s5 =	ssub.s32 $0x2, s5;
	[dreg:$0x4] =	wrdreg s26;
	p1 =	sne.s32 @p0 s22, $0x8  }
0xb: {  	s22 =	simm.s32 $0x50;
	s26 =	simm.s32 $0x100;
	s1 =	sadd.s32 s1, s0  }
0xc: {  	s24 =	sshrl.u32 s5, $0x1;
	s25 =	sshrl.u32 s7, $0x2;
	p1 =	por p1, !p0  }
0xd: {  	s6 =	sadd.s32 s20, s6;
	s5 =	ssub.s32 s5, s24;
	s8 =	sadd.s32 s25, s2  }
0xe: {  	s18 =	sadd.s32 $0xB400, s1;
	s19 =	sadd.s32 $0x3600, s1;
	s24 =	simm.s32 $0x80  }
0xf: {  	s25 =	simm.s32 $0x2A00;
	s1 =	simm.s32 $0x0;
	s6 =	sshll.u32 s6, $0x4  }
0x10: {  	s7 =	smax.u32 s5, $0x1;
	s9 =	sadd.s32 $0x6400, s8;
	s10 =	sadd.s32 $0xC800, s8  }
0x11: {  	s11 =	sadd.s32 $0x12C00, s8;
	s12 =	sadd.s32 $0x19000, s8;
	s0 =	sadd.s32 s6, s0  }
0x12: {  	s13 =	sadd.s32 $0xCF800, s0;
	s14 =	sadd.s32 $0xD0480, s0;
	s15 =	sadd.s32 $0xD1100, s0  }
0x13: {  	v0 =	vmov s20;
	s16 =	sadd.s32 $0xD1D80, s0;
	s17 =	sadd.s32 $0xD2A00, s0;
	s0 =	simm.s32 $0x4  }
.LBB2_1:
0x14: {  	s5 =	rddreg [dreg:$0x3];
	s6 =	simm.s32 $0x5200  }
0x15: {  	[tilespmem:s6], [sflag:$0x5] =	stream.linear.gather [hbm4b:s5+s3], $0x6400, $0x38;
	[tilespmem:$0x1B040] =	vst v63  }
0x16: {  	_ =	swait.ge [sflag:s21], $0x6400  }
0x17: {  	[sflag:s21] =	ssyncset.done $0x0  }
0x18: {  	s5 =	simm.s32 @!p1 $0x5200;
	s6 =	rddreg [dreg:$0x4];
	[sflag:s21] =	ssyncadd.s32 $0xFFFF9C00  }
0x19: {  	[spmem:s6] =	stream.linear.scatter @!p1 [tilespmem:s5], [sflag:$0x5], $0x400, $0x38;
	[tilespmem:$0x1B040] =	vst v63  }
0x1a: {  	s5 =	simm.s32 @!p1 $0x5  }
0x1b: {  	_ =	swait.ge @!p1 [sflag:s5], $0x400  }
0x1c: {  	[sflag:s5] =	ssyncset.done @!p1 $0x0  }
0x1d: {  	s20 =	simm.s32 @!p0 $0x5;
	[sflag:s5] =	ssyncadd.s32 @!p1 $0xFFFFFC00;
	s5 =	simm.s32 @!p0 $0x5200  }
0x1e: {  	[spmem:s8] =	stream.linear.scatter @!p0 [tilespmem:s5], [sflag:$0x5], $0x6400, $0x38;
	[tilespmem:$0x1B040] =	vst v63  }
0x1f: {  	_ =	swait.ge @!p0 [sflag:s20], $0x6400  }
0x20: {  	[sflag:s20] =	ssyncset.done @!p0 $0x0  }
0x21: {  	[sflag:s20] =	ssyncadd.s32 @!p0 $0xFFFF9C00  }
0x22: {  	[spmem:s9] =	stream.linear.scatter @!p0 [tilespmem:s5], [sflag:$0x5], $0x6400, $0x38;
	[tilespmem:$0x1B040] =	vst v63  }
0x23: {  	_ =	swait.ge @!p0 [sflag:s20], $0x6400  }
0x24: {  	[sflag:s20] =	ssyncset.done @!p0 $0x0  }
0x25: {  	[sflag:s20] =	ssyncadd.s32 @!p0 $0xFFFF9C00  }
0x26: {  	[spmem:s10] =	stream.linear.scatter @!p0 [tilespmem:s5], [sflag:$0x5], $0x6400, $0x38;
	[tilespmem:$0x1B040] =	vst v63  }
0x27: {  	_ =	swait.ge @!p0 [sflag:s20], $0x6400  }
0x28: {  	[sflag:s20] =	ssyncset.done @!p0 $0x0  }
0x29: {  	[sflag:s20] =	ssyncadd.s32 @!p0 $0xFFFF9C00  }
0x2a: {  	[spmem:s11] =	stream.linear.scatter @!p0 [tilespmem:s5], [sflag:$0x5], $0x6400, $0x38;
	[tilespmem:$0x1B040] =	vst v63  }
0x2b: {  	_ =	swait.ge @!p0 [sflag:s20], $0x6400  }
0x2c: {  	[sflag:s20] =	ssyncset.done @!p0 $0x0  }
0x2d: {  	[sflag:s20] =	ssyncadd.s32 @!p0 $0xFFFF9C00  }
0x2e: {  	[spmem:s12] =	stream.linear.scatter @!p0 [tilespmem:s5], [sflag:$0x5], $0x6400, $0x38;
	[tilespmem:$0x1B040] =	vst v63  }
0x2f: {  	_ =	swait.ge @!p0 [sflag:s20], $0x6400  }
0x30: {  	[sflag:s20] =	ssyncset.done @!p0 $0x0  }
0x31: {  	p2 =	por $0x1, $0x1;
	[sflag:s20] =	ssyncadd.s32 @!p0 $0xFFFF9C00  }
0x32: {  	s5 =	simm.s32 @!p2 $0x3;
	[bflag:$0x0] =	sbarrier.arrive $0xFFFF  }
0x33: {  	_ =	swait.ge @!p2 [sflag:s5], $0x2800  }
0x34: {  	[sflag:s5] =	ssyncset.done @!p2 $0x0  }
0x35: {  	[sflag:s5] =	ssyncadd.s32 @!p2 $0xFFFFD800;
	s5 =	simm.s32 @!p2 $0x4  }
0x36: {  	_ =	swait.ge @!p2 [sflag:s5], $0x2800  }
0x37: {  	[sflag:s5] =	ssyncset.done @!p2 $0x0  }
0x38: {  	s6 =	sadd.s32 $0x0, s19;
	[sflag:s5] =	ssyncadd.s32 @!p2 $0xFFFFD800  }
0x39: {  	[tilespmem:s3], [sflag:$0x5] =	stream.linear.gather [hbm4b:s6+s3], $0x50, $0x38;
	[tilespmem:$0x1B040] =	vst v63  }
0x3a: {  	_ =	swait.ge [sflag:s21], $0x50  }
0x3b: {  	[sflag:s21] =	ssyncset.done $0x0  }
0x3c: {  	[sflag:s21] =	ssyncadd.s32 $0xFFFFFFB0  }
0x3d: {  	[tilespmem:s23], [sflag:$0x1] =	stream.indirect.gather [hbm4b:s4+s22], $0x80, s3, s22, $0xb8;
	[tilespmem:$0x1B040] =	vst v63  }
0x3e: {  	s5 =	sadd.s32 $0xA, s6  }
0x3f: {  	[tilespmem:s24], [sflag:$0x5] =	stream.linear.gather [hbm4b:s5+s3], $0x50, $0x38;
	[tilespmem:$0x1B040] =	vst v63  }
0x40: {  	_ =	swait.ge [sflag:s21], $0x50  }
0x41: {  	[sflag:s21] =	ssyncset.done $0x0  }
0x42: {  	[sflag:s21] =	ssyncadd.s32 $0xFFFFFFB0  }
0x43: {  	[tilespmem:s25], [sflag:$0x2] =	stream.indirect.gather [hbm4b:s4+s22], $0x80, s24, s22, $0xb8;
	[tilespmem:$0x1B040] =	vst v63  }
0x44: {  	s20 =	sadd.s32 $0x0, s18  }
0x45: {  	[tilespmem:s26], [sflag:$0x5] =	stream.linear.gather [hbm4b:s20+s3], $0x50, $0x38;
	[tilespmem:$0x1B040] =	vst v63  }
0x46: {  	_ =	swait.ge [sflag:s21], $0x50  }
0x47: {  	[sflag:s21] =	ssyncset.done $0x0  }
0x48: {  	[sflag:s21] =	ssyncadd.s32 $0xFFFFFFB0  }
0x49: {  	v1 =	vld [tilespmem:$0x140]  }
0x4a: {  	v2 =	vld [tilespmem:$0x130]  }
0x4b: {  	v3 =	vld [tilespmem:$0x100]  }
0x4c: {  	v4 =	vld [tilespmem:$0x110];
	_ =	sdelay $0x3  }
0x4d: {  	v7 =	vld [tilespmem:$0x120];
	v5 =	vsub.s32 v1, v0;
	v1 =	vand.u32 $0x7, v1;
	v6 =	vsub.s32 v2, v0  }
0x4e: {  	v2 =	vand.u32 $0x7, v2;
	v8 =	vsub.s32 v3, v0;
	v9 =	vsub.s32 v4, v0  }
0x4f: {  	v3 =	vand.u32 $0x7, v3;
	v4 =	vand.u32 $0x7, v4;
	vm0 =	vlt.u32 v5, $0x1F40  }
0x50: {  	vm1 =	vlt.u32 v6, $0x1F40;
	v2 =	vor.u32 $0x1F40, v2;
	v1 =	vor.u32 $0x1F40, v1  }
0x51: {  	v3 =	vor.u32 $0x1F40, v3;
	vm2 =	vlt.u32 v9, $0x1F40;
	v2 =	vsel vm1, v6, v2  }
0x52: {  	vm1 =	vlt.u32 v8, $0x1F40;
	v6 =	vand.u32 $0x7, v7;
	v1 =	vsel vm0, v5, v1;
	[tilespmem:$0x130] =	vst v2  }
0x53: {  	v2 =	vsel vm1, v8, v3;
	v3 =	vor.u32 $0x1F40, v4;
	v4 =	vsub.s32 v7, v0;
	[tilespmem:$0x140] =	vst v1  }
0x54: {  	[tilespmem:$0x100] =	vst v2;
	v2 =	vsel vm2, v9, v3;
	vm1 =	vlt.u32 v4, $0x1F40;
	v3 =	vor.u32 $0x1F40, v6  }
0x55: {  	[tilespmem:$0x110] =	vst v2;
	v2 =	vsel vm1, v4, v3  }
0x56: {  	s5 =	sadd.s32 $0xA, s20;
	[tilespmem:$0x120] =	vst v2  }
0x57: {  	[tilespmem:s28], [sflag:$0x5] =	stream.linear.gather [hbm4b:s5+s3], $0x50, $0x38;
	[tilespmem:$0x1B040] =	vst v63  }
0x58: {  	_ =	swait.ge [sflag:s21], $0x50  }
0x59: {  	[sflag:s21] =	ssyncset.done $0x0  }
0x5a: {  	[sflag:s21] =	ssyncadd.s32 $0xFFFFFFB0  }
0x5b: {  	v1 =	vld [tilespmem:$0x190]  }
0x5c: {  	v8 =	vld [tilespmem:$0x1B0];
	_ =	sdelay $0x3  }
0x5d: {  	v5 =	vld [tilespmem:$0x1A0]  }
0x5e: {  	v4 =	vsub.s32 v1, v0;
	v7 =	vand.u32 $0x7, v1;
	v1 =	vand.u32 $0x7, v8  }
0x5f: {  	v6 =	vor.u32 $0x1F40, v1;
	v1 =	vld [tilespmem:$0x1C0]  }
0x60: {  	v3 =	vld [tilespmem:$0x180];
	_ =	sdelay $0x1  }
0x61: {  	v2 =	vsub.s32 v5, v0;
	v8 =	vsub.s32 v8, v0  }
0x62: {  	s20 =	simm.s32 $0x14;
	vm1 =	vlt.u32 v4, $0x1F40;
	v7 =	vor.u32 $0x1F40, v7;
	vm0 =	vlt.u32 v2, $0x1F40  }
.LBB2_2:
0x63: {  	v5 =	vand.u32 $0x7, v5;
	vm2 =	vlt.u32 v8, $0x1F40;
	v9 =	vand.u32 $0x7, v1;
	s5 =	smov.u32 s20;
	s20 =	sadd.s32 $0x14, s20  }
0x64: {  	v10 =	vand.u32 $0x7, v3;
	v4 =	vsel vm1, v4, v7;
	p2 =	sne.s32 s20, $0x7D0;
	v6 =	vsel vm2, v8, v6  }
0x65: {  	v3 =	vsub.s32 v3, v0;
	v7 =	vor.u32 $0x1F40, v10;
	v5 =	vor.u32 $0x1F40, v5;
	[tilespmem:$0x1B0] =	vst v6  }
0x66: {  	v1 =	vsub.s32 v1, v0;
	vm1 =	vlt.u32 v3, $0x1F40;
	v2 =	vsel vm0, v2, v5;
	[tilespmem:$0x190] =	vst v4  }
0x67: {  	v3 =	vsel vm1, v3, v7;
	vm0 =	vlt.u32 v1, $0x1F40;
	[tilespmem:$0x1A0] =	vst v2;
	v2 =	vor.u32 $0x1F40, v9  }
0x68: {  	[tilespmem:$0x180] =	vst v3;
	v1 =	vsel vm0, v1, v2  }
0x69: {  	[tilespmem:$0x1C0] =	vst v1  }
0x6a: {  	_ =	swait.ge [sflag:s29], $0x2800  }
0x6b: {  	[sflag:s29] =	ssyncset.done $0x0  }
0x6c: {  	[sflag:s29] =	ssyncadd.s32 $0xFFFFD800  }
0x6d: {  	[spmem:s2] =	stream.indirect.scatter.add.f32 [tilespmem:s23], [sflag:$0x3], $0x80, s26, s22, $0xb8;
	[tilespmem:$0x1B040] =	vst v63  }
0x6e: {  	_ =	swait.ge [sflag:s30], $0x2800  }
0x6f: {  	[sflag:s30] =	ssyncset.done $0x0  }
0x70: {  	p3 =	seq.s32 s5, $0x0;
	[sflag:s30] =	ssyncadd.s32 $0xFFFFD800  }
0x71: {  	[spmem:s2] =	stream.indirect.scatter.add.f32 [tilespmem:s25], [sflag:$0x4], $0x80, s28, s22, $0xb8;
	[tilespmem:$0x1B040] =	vst v63  }
0x72: {  	s6 =	simm.s32 @!p3 $0x3  }
0x73: {  	_ =	swait.ge @!p3 [sflag:s6], $0x2800  }
0x74: {  	[sflag:s6] =	ssyncset.done @!p3 $0x0  }
0x75: {  	[sflag:s6] =	ssyncadd.s32 @!p3 $0xFFFFD800;
	s6 =	simm.s32 @!p3 $0x4  }
0x76: {  	_ =	swait.ge @!p3 [sflag:s6], $0x2800  }
0x77: {  	[sflag:s6] =	ssyncset.done @!p3 $0x0  }
0x78: {  	[sflag:s6] =	ssyncadd.s32 @!p3 $0xFFFFD800;
	s6 =	sadd.s32 s5, s19  }
0x79: {  	[tilespmem:s3], [sflag:$0x5] =	stream.linear.gather [hbm4b:s6+s3], $0x50, $0x38;
	[tilespmem:$0x1B040] =	vst v63  }
0x7a: {  	_ =	swait.ge [sflag:s21], $0x50  }
0x7b: {  	[sflag:s21] =	ssyncset.done $0x0  }
0x7c: {  	[sflag:s21] =	ssyncadd.s32 $0xFFFFFFB0  }
0x7d: {  	[tilespmem:s23], [sflag:$0x1] =	stream.indirect.gather [hbm4b:s4+s22], $0x80, s3, s22, $0xb8;
	[tilespmem:$0x1B040] =	vst v63  }
0x7e: {  	s6 =	sadd.s32 $0xA, s6  }
0x7f: {  	[tilespmem:s24], [sflag:$0x5] =	stream.linear.gather [hbm4b:s6+s3], $0x50, $0x38;
	[tilespmem:$0x1B040] =	vst v63  }
0x80: {  	_ =	swait.ge [sflag:s21], $0x50  }
0x81: {  	[sflag:s21] =	ssyncset.done $0x0  }
0x82: {  	[sflag:s21] =	ssyncadd.s32 $0xFFFFFFB0  }
0x83: {  	[tilespmem:s25], [sflag:$0x2] =	stream.indirect.gather [hbm4b:s4+s22], $0x80, s24, s22, $0xb8;
	[tilespmem:$0x1B040] =	vst v63  }
0x84: {  	s5 =	sadd.s32 s5, s18  }
0x85: {  	[tilespmem:s26], [sflag:$0x5] =	stream.linear.gather [hbm4b:s5+s3], $0x50, $0x38;
	[tilespmem:$0x1B040] =	vst v63  }
0x86: {  	_ =	swait.ge [sflag:s21], $0x50  }
0x87: {  	[sflag:s21] =	ssyncset.done $0x0  }
0x88: {  	[sflag:s21] =	ssyncadd.s32 $0xFFFFFFB0  }
0x89: {  	v1 =	vld [tilespmem:$0x140]  }
0x8a: {  	v2 =	vld [tilespmem:$0x130]  }
0x8b: {  	v3 =	vld [tilespmem:$0x100]  }
0x8c: {  	v4 =	vld [tilespmem:$0x110]  }
0x8d: {  	v5 =	vld [tilespmem:$0x120]  }
0x8e: {  	v6 =	vsub.s32 v1, v0;
	v1 =	vand.u32 $0x7, v1  }
0x8f: {  	v7 =	vsub.s32 v2, v0;
	v2 =	vand.u32 $0x7, v2;
	vm0 =	vlt.u32 v6, $0x1F40  }
0x90: {  	v8 =	vsub.s32 v3, v0;
	vm1 =	vlt.u32 v7, $0x1F40;
	v2 =	vor.u32 $0x1F40, v2  }
0x91: {  	v1 =	vor.u32 $0x1F40, v1;
	v9 =	vsub.s32 v4, v0;
	v2 =	vsel vm1, v7, v2  }
0x92: {  	v3 =	vand.u32 $0x7, v3;
	v4 =	vand.u32 $0x7, v4;
	vm1 =	vlt.u32 v9, $0x1F40;
	[tilespmem:$0x130] =	vst v2  }
0x93: {  	vm2 =	vlt.u32 v8, $0x1F40;
	v2 =	vor.u32 $0x1F40, v3;
	v3 =	vsub.s32 v5, v0  }
0x94: {  	v4 =	vor.u32 $0x1F40, v4;
	v5 =	vand.u32 $0x7, v5;
	v2 =	vsel vm2, v8, v2  }
0x95: {  	[tilespmem:$0x100] =	vst v2;
	v2 =	vsel vm1, v9, v4;
	vm1 =	vlt.u32 v3, $0x1F40;
	v4 =	vor.u32 $0x1F40, v5  }
0x96: {  	v1 =	vsel vm0, v6, v1;
	[tilespmem:$0x110] =	vst v2;
	v2 =	vsel vm1, v3, v4  }
0x97: {  	[tilespmem:$0x140] =	vst v1  }
0x98: {  	s5 =	sadd.s32 $0xA, s5;
	[tilespmem:$0x120] =	vst v2  }
0x99: {  	[tilespmem:s28], [sflag:$0x5] =	stream.linear.gather [hbm4b:s5+s3], $0x50, $0x38;
	[tilespmem:$0x1B040] =	vst v63  }
0x9a: {  	_ =	swait.ge [sflag:s21], $0x50  }
0x9b: {  	[sflag:s21] =	ssyncset.done $0x0  }
0x9c: {  	[sflag:s21] =	ssyncadd.s32 $0xFFFFFFB0  }
0x9d: {  	v2 =	vld [tilespmem:$0x190]  }
0x9e: {  	v8 =	vld [tilespmem:$0x1B0]  }
0x9f: {  	v5 =	vld [tilespmem:$0x1A0]  }
0xa0: {  	v3 =	vld [tilespmem:$0x180]  }
.Ltmp0:
0xa1: {  	v1 =	vld [tilespmem:$0x1C0];
	(pc) =	sbr.rel @p2 .LBB2_2-.Ltmp0, $4  }
0xa2: {  	_ = 	snop  }
0xa3: {  	v4 =	vsub.s32 v2, v0;
	v7 =	vand.u32 $0x7, v2;
	v6 =	vand.u32 $0x7, v8  }
0xa4: {  	vm1 =	vlt.u32 v4, $0x1F40;
	v2 =	vsub.s32 v5, v0;
	v6 =	vor.u32 $0x1F40, v6  }
0xa5: {  	v7 =	vor.u32 $0x1F40, v7;
	v8 =	vsub.s32 v8, v0;
	vm0 =	vlt.u32 v2, $0x1F40  }
0xa6: {  	v5 =	vand.u32 $0x7, v5;
	vm2 =	vlt.u32 v8, $0x1F40;
	v9 =	vand.u32 $0x7, v1  }
0xa7: {  	v10 =	vand.u32 $0x7, v3;
	v4 =	vsel vm1, v4, v7;
	v3 =	vsub.s32 v3, v0  }
0xa8: {  	v1 =	vsub.s32 v1, v0;
	v6 =	vsel vm2, v8, v6;
	v5 =	vor.u32 $0x1F40, v5;
	[tilespmem:$0x190] =	vst v4  }
0xa9: {  	v63 =	vor.u32 $0x1F40, v10;
	vm14 =	vlt.u32 v3, $0x1F40;
	[tilespmem:$0x1B0] =	vst v6;
	v2 =	vsel vm0, v2, v5  }
0xaa: {  	vm15 =	vlt.u32 v1, $0x1F40;
	v3 =	vsel vm14, v3, v63;
	[tilespmem:$0x1A0] =	vst v2;
	v2 =	vor.u32 $0x1F40, v9  }
0xab: {  	[tilespmem:$0x180] =	vst v3;
	v1 =	vsel vm15, v1, v2  }
0xac: {  	[tilespmem:$0x1C0] =	vst v1  }
0xad: {  	_ =	swait.ge [sflag:s29], $0x2800  }
0xae: {  	[sflag:s29] =	ssyncset.done $0x0  }
0xaf: {  	[sflag:s29] =	ssyncadd.s32 $0xFFFFD800  }
0xb0: {  	[spmem:s2] =	stream.indirect.scatter.add.f32 [tilespmem:s23], [sflag:$0x3], $0x80, s26, s22, $0xb8;
	[tilespmem:$0x1B040] =	vst v63  }
0xb1: {  	_ =	swait.ge [sflag:s30], $0x2800  }
0xb2: {  	[sflag:s30] =	ssyncset.done $0x0  }
0xb3: {  	[sflag:s30] =	ssyncadd.s32 $0xFFFFD800  }
0xb4: {  	[spmem:s2] =	stream.indirect.scatter.add.f32 [tilespmem:s25], [sflag:$0x4], $0x80, s28, s22, $0xb8;
	[tilespmem:$0x1B040] =	vst v63  }
0xb5: {  	_ =	swait.ge [sflag:s31], $0x2800  }
0xb6: {  	[sflag:s31] =	ssyncset.done $0x0  }
0xb7: {  	[sflag:s31] =	ssyncadd.s32 $0xFFFFD800  }
0xb8: {  	_ =	swait.ge [sflag:s0], $0x2800  }
0xb9: {  	[sflag:s0] =	ssyncset.done $0x0  }
0xba: {  	[sflag:s0] =	ssyncadd.s32 $0xFFFFD800  }
0xbb: {  	s5 =	simm.s32 @!p0 $0x5200;
	s6 =	simm.s32 @!p0 $0x5;
	[bflag:$0x0] =	sbarrier.arrive $0xFFFF  }
0xbc: {  	[tilespmem:s5], [sflag:$0x5] =	stream.linear.gather @!p0 [spmem:s8], $0x6400, $0x38;
	[tilespmem:$0x1B040] =	vst v63  }
0xbd: {  	_ =	swait.ge @!p0 [sflag:s6], $0x6400  }
0xbe: {  	[sflag:s6] =	ssyncset.done @!p0 $0x0  }
0xbf: {  	s20 =	simm.s32 @!p0 $0x0;
	[sflag:s6] =	ssyncadd.s32 @!p0 $0xFFFF9C00  }
0xc0: {  	[hbm4b:s13+s20] =	stream.linear.scatter @!p0 [tilespmem:s5], [sflag:$0x5], $0x6400, $0x38;
	[tilespmem:$0x1B040] =	vst v63  }
0xc1: {  	_ =	swait.ge @!p0 [sflag:s6], $0x6400  }
0xc2: {  	[sflag:s6] =	ssyncset.done @!p0 $0x0  }
0xc3: {  	[sflag:s6] =	ssyncadd.s32 @!p0 $0xFFFF9C00  }
0xc4: {  	[tilespmem:s5], [sflag:$0x5] =	stream.linear.gather @!p0 [spmem:s9], $0x6400, $0x38;
	[tilespmem:$0x1B040] =	vst v63  }
0xc5: {  	_ =	swait.ge @!p0 [sflag:s6], $0x6400  }
0xc6: {  	[sflag:s6] =	ssyncset.done @!p0 $0x0  }
0xc7: {  	[sflag:s6] =	ssyncadd.s32 @!p0 $0xFFFF9C00  }
0xc8: {  	[hbm4b:s14+s20] =	stream.linear.scatter @!p0 [tilespmem:s5], [sflag:$0x5], $0x6400, $0x38;
	[tilespmem:$0x1B040] =	vst v63  }
0xc9: {  	_ =	swait.ge @!p0 [sflag:s6], $0x6400  }
0xca: {  	[sflag:s6] =	ssyncset.done @!p0 $0x0  }
0xcb: {  	[sflag:s6] =	ssyncadd.s32 @!p0 $0xFFFF9C00  }
0xcc: {  	[tilespmem:s5], [sflag:$0x5] =	stream.linear.gather @!p0 [spmem:s10], $0x6400, $0x38;
	[tilespmem:$0x1B040] =	vst v63  }
0xcd: {  	_ =	swait.ge @!p0 [sflag:s6], $0x6400  }
0xce: {  	[sflag:s6] =	ssyncset.done @!p0 $0x0  }
0xcf: {  	[sflag:s6] =	ssyncadd.s32 @!p0 $0xFFFF9C00  }
0xd0: {  	[hbm4b:s15+s20] =	stream.linear.scatter @!p0 [tilespmem:s5], [sflag:$0x5], $0x6400, $0x38;
	[tilespmem:$0x1B040] =	vst v63  }
0xd1: {  	_ =	swait.ge @!p0 [sflag:s6], $0x6400  }
0xd2: {  	[sflag:s6] =	ssyncset.done @!p0 $0x0  }
0xd3: {  	[sflag:s6] =	ssyncadd.s32 @!p0 $0xFFFF9C00  }
0xd4: {  	[tilespmem:s5], [sflag:$0x5] =	stream.linear.gather @!p0 [spmem:s11], $0x6400, $0x38;
	[tilespmem:$0x1B040] =	vst v63  }
0xd5: {  	_ =	swait.ge @!p0 [sflag:s6], $0x6400  }
0xd6: {  	[sflag:s6] =	ssyncset.done @!p0 $0x0  }
0xd7: {  	[sflag:s6] =	ssyncadd.s32 @!p0 $0xFFFF9C00  }
0xd8: {  	[hbm4b:s16+s20] =	stream.linear.scatter @!p0 [tilespmem:s5], [sflag:$0x5], $0x6400, $0x38;
	[tilespmem:$0x1B040] =	vst v63  }
0xd9: {  	_ =	swait.ge @!p0 [sflag:s6], $0x6400  }
0xda: {  	[sflag:s6] =	ssyncset.done @!p0 $0x0  }
0xdb: {  	[sflag:s6] =	ssyncadd.s32 @!p0 $0xFFFF9C00  }
0xdc: {  	[tilespmem:s5], [sflag:$0x5] =	stream.linear.gather @!p0 [spmem:s12], $0x6400, $0x38;
	[tilespmem:$0x1B040] =	vst v63  }
0xdd: {  	s1 =	sadd.s32 $0x1, s1;
	_ =	swait.ge @!p0 [sflag:s6], $0x6400  }
0xde: {  	p2 =	sne.s32 s1, s7;
	[sflag:s6] =	ssyncset.done @!p0 $0x0  }
.Ltmp1:
0xdf: {  	[sflag:s6] =	ssyncadd.s32 @!p0 $0xFFFF9C00;
	(pc) =	sbr.rel @p2 .LBB2_1-.Ltmp1, $4  }
0xe0: {  	[hbm4b:s17+s20] =	stream.linear.scatter @!p0 [tilespmem:s5], [sflag:$0x5], $0x6400, $0x38;
	[tilespmem:$0x1B040] =	vst v63  }
0xe1: {  	_ =	swait.ge @!p0 [sflag:s6], $0x6400  }
0xe2: {  	[sflag:s6] =	ssyncset.done @!p0 $0x0  }
0xe3: {  	[sflag:s6] =	ssyncadd.s32 @!p0 $0xFFFF9C00  }
0xe4: {  	_ =	sfence.sel $0x180000  }
0xe5: {  	[bflag:$0x0] =	sbarrier.arrive $0xFFFF  }
0xe6: {  	_ =	strace $0x90000050  }
0xe7: {  	s0 =	stileid.u32;
	[bflag:$0x2] =	sbarrier.arrive $0xFFFF  }
0xe8: {  	p0 =	sne.s32 s0, $0x0;
	s0 =	rddreg [dreg:$0x2]  }
0xe9: {  	s0 =	sadd.s32 @!p0 $0x100000, s0  }
0xea: {  	[sflag:s0] =	ssyncadd.tile.s32 @!p0 $0x1;
	_ =	shalt  }
.Lfunc_end2:
_tile_overlayer_lowered:
.L_overlay_start_2:
0xeb: {  	(tag) =	ssettag $0x2  }
0xec: {  	s0 =	rddreg [dreg:$0x0];
	s2 =	stileid.u32  }
0xed: {  	s1 =	rddreg [dreg:$0x1];
	p0 =	sne.s32 s2, $0x0  }
0xee: {  	s3 =	rddreg [dreg:$0x2];
	[bflag:$0x3] =	sbarrier.arrive $0xFFFF;
	s2 =	simm.s32 @!p0 $0x1C05  }
0xef: {  	[timem:s3], [sflag:s2] =	dma.local @!p0 [hbm:s0], s1  }
0xf0: {  	s0 =	simm.s32 @!p0 $0x5  }
0xf1: {  	_ =	swait.ge @!p0 [sflag:s0], s1  }
0xf2: {  	s1 =	ssub.s32 @!p0 $0x0, s1;
	[sflag:s0] =	ssyncset.done @!p0 $0x0  }
0xf3: {  	[sflag:s0] =	ssyncadd.s32 @!p0 s1  }
0xf4: {  	[bflag:$0x3] =	sbarrier.arrive $0xFFFF  }
0xf5: {  	_ =	shalt  }

// kernel: kernel.18.cloned.1.call-start
scs
__scs_entry_jumppad:
0x0: {  	(pc) =	sbr.rel $0x88, $3  }
0x1: {  	(tag) =	ssettag $0x0;
	lr =	simm.s32 $0x1  }
0x2: {  	[smem:$0x3F92] =	sst lr;
	_ =	strace $0xD0000000  }
0x3: {  	_ = 	snop  }
0x4: {  	_ = 	snop  }
0x5: {  	_ = 	snop  }
0x6: {  	_ = 	snop  }
0x7: {  	_ = 	snop  }
__scs_overlays_trampoline_lowered:
0x8: {  	[smem:$0x3FA1] =	sst s0  }
0x9: {  	[smem:$0x3FA2] =	sst s1  }
0xa: {  	[smem:$0x3FA3] =	sst s2  }
0xb: {  	[smem:$0x3FA4] =	sst s3  }
0xc: {  	[smem:$0x3FA5] =	sst s4  }
0xd: {  	[smem:$0x3FA6] =	sst s5  }
0xe: {  	[smem:$0x3FA7] =	sst s6  }
0xf: {  	[smem:$0x3FA8] =	sst s7  }
0x10: {  	[smem:$0x3FA9] =	sst s8  }
0x11: {  	[smem:$0x3FAA] =	sst s9;
	s0 =	simm.s32 @!p0 $0x0  }
0x12: {  	s1 =	sld [smem:$0x3F90];
	s0 =	simm.s32 @p0 $0x1  }
0x13: {  	[smem:$0x3FAB] =	sst s0;
	s0 =	simm.s32 @!p1 $0x0  }
0x14: {  	s2 =	sld [smem:$0x3F8F];
	s0 =	simm.s32 @p1 $0x1  }
0x15: {  	[smem:$0x3FAC] =	sst s0;
	s0 =	simm.s32 @!p2 $0x0  }
0x16: {  	s3 =	sld [smem:$0x3FDB];
	s0 =	simm.s32 @p2 $0x1  }
0x17: {  	s4 =	simm.s32 $0x1BF5;
	[smem:$0x3FAE] =	sst s0  }
0x18: {  	s0 =	sld [smem:$0x3F91];
	_ =	swait.ge [sflag:s4], $0x0  }
0x19: {  	s7 =	sld [smem:$0x3F92]  }
0x1a: {  	s8 =	sadd.s32 $0xFFFFE003, lr  }
0x1b: {  	s9 =	sadd.s32 $0xFFFFFEF7, lr;
	s5 =	simm.s32 $0xFFFFFFFF;
	p2 =	slt.u32 s8, $0xFFFFF086  }
0x1c: {  	p1 =	slt.u32 s9, $0xF7A;
	s5 =	simm.s32 @!p2 $0x0  }
0x1d: {  	s5 =	simm.s32 @p1 $0x1;
	p0 =	seq.s32 s7, s2  }
0x1e: {  	s7 =	smul.u32 @!p0 $0xF7A, s2;
	p2 =	seq.s32 @!p0 s5, $0x0  }
0x1f: {  	s9 =	smul.u32 $0xF7A, s1;
	s8 =	simm.s32 @!p0 $0x1BF5;
	p2 =	por !p2, p0  }
0x20: {  	[sflag:s8] =	ssyncset.s32 @!p0 $0xFFFFF086;
	s6 =	sadd.s32 @!p0 s3, s7;
	s7 =	simm.s32 @!p0 $0x108  }
0x21: {  	s3 =	sadd.s32 s3, s9;
	s6 =	sadd.s32 @!p0 $0x88, s6;
	s7 =	simm.s32 @p2 $0x1082  }
0x22: {  	[simem:s7], [sflag:s8] =	dma.local @!p0 [hbm:s6], $0xF7A  }
0x23: {  	s9 =	sor.u32 $0xD0000000, s2;
	s6 =	simm.s32 $0x108;
	_ =	swait.ge @!p0 [sflag:s8], $0x0  }
0x24: {  	s3 =	sadd.s32 $0x88, s3;
	s6 =	simm.s32 @!p1 $0x1082;
	[sflag:s4] =	ssyncset.s32 $0xFFFFF086  }
0x25: {  	[simem:s6], [sflag:s4] =	dma.local [hbm:s3], $0xF7A  }
0x26: {  	[smem:$0x3F92] =	sst s1;
	(tag) =	ssettag s2;
	_ =	strace s9  }
0x27: {  	s1 =	sld [smem:$0x3FA2]  }
0x28: {  	s2 =	sld [smem:$0x3FA3]  }
0x29: {  	s4 =	sld [smem:$0x3FA5]  }
0x2a: {  	p0 =	seq.s32 s5, $0x0;
	s5 =	sld [smem:$0x3FA6]  }
0x2b: {  	s6 =	sld [smem:$0x3FA7]  }
0x2c: {  	s7 =	sld [smem:$0x3FA8]  }
0x2d: {  	s3 =	simm.s32 $0x108;
	s8 =	sld [smem:$0x3FA9]  }
0x2e: {  	s3 =	simm.s32 @!p0 $0x1082;
	s9 =	sld [smem:$0x3FAA]  }
0x2f: {  	lr =	sadd.s32 s0, s3;
	s0 =	sld [smem:$0x3FA1]  }
0x30: {  	s3 =	sld [smem:$0x3FA4]  }
0x31: {  	[smem:$0x3FAD] =	sst s10  }
0x32: {  	s10 =	sld [smem:$0x3FAB];
	_ =	sdelay $0x3  }
0x33: {  	p0 =	seq.s32 s10, $0x1;
	s10 =	sld [smem:$0x3FAD];
	_ =	sdelay $0x3  }
0x34: {  	[smem:$0x3FAD] =	sst s10  }
0x35: {  	s10 =	sld [smem:$0x3FAC];
	_ =	sdelay $0x3  }
0x36: {  	p1 =	seq.s32 s10, $0x1;
	s10 =	sld [smem:$0x3FAD];
	_ =	sdelay $0x3  }
0x37: {  	[smem:$0x3FAD] =	sst s10  }
0x38: {  	s10 =	sld [smem:$0x3FAE]  }
0x39: {  	_ = 	snop;
	(pc) =	sbr.ind lr, $3  }
0x3a: {  	_ = 	snop  }
0x3b: {  	_ = 	snop  }
0x3c: {  	p2 =	seq.s32 s10, $0x1;
	s10 =	sld [smem:$0x3FAD]  }
0x3d: {  	_ =	shalt  }
0x3e: {  	_ =	shalt  }
0x3f: {  	_ =	shalt  }
0x40: {  	_ =	shalt  }
0x41: {  	_ =	shalt  }
0x42: {  	_ =	shalt  }
0x43: {  	_ =	shalt  }
0x44: {  	_ =	shalt  }
0x45: {  	_ =	shalt  }
0x46: {  	_ =	shalt  }
0x47: {  	_ =	shalt  }
0x48: {  	_ =	shalt  }
0x49: {  	_ =	shalt  }
0x4a: {  	_ =	shalt  }
0x4b: {  	_ =	shalt  }
0x4c: {  	_ =	shalt  }
0x4d: {  	_ =	shalt  }
0x4e: {  	_ =	shalt  }
0x4f: {  	_ =	shalt  }
0x50: {  	_ =	shalt  }
0x51: {  	_ =	shalt  }
0x52: {  	_ =	shalt  }
0x53: {  	_ =	shalt  }
0x54: {  	_ =	shalt  }
0x55: {  	_ =	shalt  }
0x56: {  	_ =	shalt  }
0x57: {  	_ =	shalt  }
0x58: {  	_ =	shalt  }
0x59: {  	_ =	shalt  }
0x5a: {  	_ =	shalt  }
0x5b: {  	_ =	shalt  }
0x5c: {  	_ =	shalt  }
0x5d: {  	_ =	shalt  }
0x5e: {  	_ =	shalt  }
0x5f: {  	_ =	shalt  }
0x60: {  	_ =	shalt  }
0x61: {  	_ =	shalt  }
0x62: {  	_ =	shalt  }
0x63: {  	_ =	shalt  }
0x64: {  	_ =	shalt  }
0x65: {  	_ =	shalt  }
0x66: {  	_ =	shalt  }
0x67: {  	_ =	shalt  }
0x68: {  	_ =	shalt  }
0x69: {  	_ =	shalt  }
0x6a: {  	_ =	shalt  }
0x6b: {  	_ =	shalt  }
0x6c: {  	_ =	shalt  }
0x6d: {  	_ =	shalt  }
0x6e: {  	_ =	shalt  }
0x6f: {  	_ =	shalt  }
0x70: {  	_ =	shalt  }
0x71: {  	_ =	shalt  }
0x72: {  	_ =	shalt  }
0x73: {  	_ =	shalt  }
0x74: {  	_ =	shalt  }
0x75: {  	_ =	shalt  }
0x76: {  	_ =	shalt  }
0x77: {  	_ =	shalt  }
0x78: {  	_ =	shalt  }
0x79: {  	_ =	shalt  }
0x7a: {  	_ =	shalt  }
0x7b: {  	_ =	shalt  }
0x7c: {  	_ =	shalt  }
0x7d: {  	_ =	shalt  }
0x7e: {  	_ =	shalt  }
0x7f: {  	_ =	shalt  }
0x80: {  	_ =	shalt  }
0x81: {  	_ =	shalt  }
0x82: {  	_ =	shalt  }
0x83: {  	_ =	shalt  }
0x84: {  	_ =	shalt  }
0x85: {  	_ =	shalt  }
0x86: {  	_ =	shalt  }
0x87: {  	_ =	shalt  }
.Lfunc_end0:
.L_simem_size_0:
called_computation.3_lowered:
.L_overlay_start_0:
0x88: {  	s2 =	sld [smem:$0x3FD9]  }
0x89: {  	s3 =	sld [smem:$0x3FFE];
	_ =	sdelay $0x1  }
0x8a: {  	s1 =	srdreg.scid  }
0x8b: {  	s0 =	sand.u32 $0x1, s1  }
0x8c: {  	s16 =	sshll.u32 s0, $0xA;
	s2 =	sadd.s32 s3, s2  }
0x8d: {  	s2 =	sadd.s32 s2, s16  }
0x8e: {  	[smem:$0x3FB9] =	sst s2  }
0x8f: {  	_ = 	snop  }
0x90: {  	s4 =	sld [smem:$0x3FD0];
	_ =	sdelay $0x1  }
0x91: {  	s2 =	sld [smem:$0x3FC6]  }
0x92: {  	s5 =	simm.s32 $0xB;
	s6 =	simm.s32 $0x10;
	s17 =	sld [smem:$0x3FC1]  }
0x93: {  	[smem:s6], [sflag:s5] =	dma.local [hbm:s4], $0x1  }
0x94: {  	_ =	swait.eq [sflag:s5], $0x1  }
0x95: {  	[sflag:s5] =	ssyncset.done $0x0  }
0x96: {  	[sflag:s5] =	ssyncadd.s32 $0xFFFFFFFF  }
0x97: {  	s18 =	sld [smem:$0x12];
	(tm) =	ssettm $0x1  }
0x98: {  	s19 =	sld [smem:$0x3FFB];
	_ =	sdelay $0x3  }
0x99: {  	_ =	strace s19  }
0x9a: {  	s4 =	sld [smem:$0x3FFC];
	_ =	sdelay $0x3  }
0x9b: {  	_ =	strace s4  }
0x9c: {  	s4 =	sld [smem:$0x3FFD];
	_ =	sdelay $0x3  }
0x9d: {  	_ =	strace s4  }
0x9e: {  	_ =	strace $0x8FFFFFFF  }
0x9f: {  	s20 =	sld [smem:$0x3FDB];
	_ =	sdelay $0x1  }
0xa0: {  	s21 =	simm.s32 $_scs_section_size  }
0xa1: {  	s7 =	simm.s32 $_size__tile_overlayer_lowered;
	s8 =	simm.s32 $_tile_overlayer_lowered  }
0xa2: {  	s9 =	simm.s32 $0x1BFF;
	s22 =	sshll.u32 s8, $0x1;
	s6 =	sadd.s32 s21, s20  }
0xa3: {  	s23 =	simm.s32 $0x0;
	s7 =	sshll.u32 s7, $0x1;
	s8 =	sadd.s32 s22, s6  }
0xa4: {  	[timem:s23], [sflag:s9] =	dma.local [hbm:s8], s7  }
0xa5: {  	_ =	swait.ge [sflag:s9], s7  }
0xa6: {  	s7 =	ssub.s32 $0x0, s7;
	[sflag:s9] =	ssyncset.done $0x0  }
0xa7: {  	[sflag:s9] =	ssyncadd.s32 s7;
	_ =	sdelay $0x1  }
0xa8: {  	s24 =	simm.s32 $0x1B8B  }
0xa9: {  	_ =	swait.ge [sflag:s24], $0x1  }
0xaa: {  	[sflag:s24] =	ssyncset.done $0x0  }
0xab: {  	[sflag:s24] =	ssyncadd.s32 $0xFFFFFFFF  }
0xac: {  	s7 =	sld [smem:$0x0]  }
0xad: {  	s8 =	sand.u32 $0xFFFFFFFE, s1  }
0xae: {  	p0 =	sne.s32 s1, s8  }
0xaf: {  	s8 =	sshll.u32 @p0 s8, $0xE  }
0xb0: {  	s8 =	sadd.s32 @p0 $0x11B8D, s8;
	s9 =	sshll.u32 @p0 s7, $0x11  }
0xb1: {  	s8 =	sor.u32 @p0 s9, s8  }
0xb2: {  	[sflag:s8] =	ssyncadd.remote.s32 @p0 $0x1;
	_ =	sdelay $0x1  }
0xb3: {  	s8 =	simm.s32 @p0 $0x1B8D  }
0xb4: {  	_ =	swait.eq @p0 [sflag:s8], $0x1  }
0xb5: {  	[sflag:s8] =	ssyncadd.s32 @p0 $0xFFFFFFFF  }
0xb6: {  	s9 =	sshll.u32 @!p0 s1, $0xE  }
0xb7: {  	s9 =	sor.u32 @!p0 $0x4000, s9;
	s8 =	simm.s32 @!p0 $0x1B8D  }
0xb8: {  	s7 =	sshll.u32 @!p0 s7, $0x11;
	s9 =	sadd.s32 @!p0 $0x11B8D, s9;
	_ =	swait.eq @!p0 [sflag:s8], $0x1  }
0xb9: {  	s7 =	sor.u32 @!p0 s7, s9;
	[sflag:s8] =	ssyncadd.s32 @!p0 $0xFFFFFFFF  }
0xba: {  	s25 =	simm.s32 $0x1B8E;
	[sflag:s7] =	ssyncadd.remote.s32 @!p0 $0x1  }
0xbb: {  	s26 =	simm.s32 $execute0_lowered;
	[smem:$0x3FD2] =	sst s25  }
0xbc: {  	s7 =	sshll.u32 s26, $0x1;
	_ =	strace $0x8000004C;
	[dreg:$0x1] =	wrdreg $0xFFFFFFFF  }
0xbd: {  	s28 =	simm.s32 $_size_execute0_lowered;
	s6 =	sadd.s32 s6, s7;
	[dreg:$0x0] =	wrdreg $0x0  }
0xbe: {  	s7 =	sshll.u32 s28, $0x1;
	[dreg:$0x2] =	wrdreg s6  }
0xbf: {  	[dreg:$0x3] =	wrdreg s7  }
0xc0: {  	[dreg:$0x4] =	wrdreg $0xC0  }
0xc1: {  	_ =	task [dreg:s23], $0x5FFFF  }
0xc2: {  	[dreg:$0x1] =	wrdreg $0xFFFFFFFF  }
0xc3: {  	[dreg:$0x0] =	wrdreg $0x60  }
0xc4: {  	[dreg:$0x2] =	wrdreg s17  }
0xc5: {  	[dreg:$0x3] =	wrdreg s2  }
0xc6: {  	[dreg:$0x4] =	wrdreg s18  }
0xc7: {  	[dreg:$0x5] =	wrdreg $0x9  }
0xc8: {  	_ =	task.clear_ibuf [dreg:s23], $0x6FFFF;
	_ =	strace $0x9000004C  }
0xc9: {  	s29 =	simm.s32 $0x9;
	_ =	strace $0x8000004E  }
0xca: {  	_ =	swait.ge [sflag:s29], $0x1  }
0xcb: {  	[sflag:s29] =	ssyncadd.s32 $0xFFFFFFFF  }
0xcc: {  	_ =	strace $0x9000004E  }
0xcd: {  	_ =	sfence  }
0xce: {  	s30 =	sld [smem:$0x0];
	_ =	sdelay $0x2  }
0xcf: {  	s31 =	sshll.u32 s1, $0xD;
	s1 =	sshrl.u32 s1, $0x2  }
0xd0: {  	s3 =	sand.u32 $0x4000, s31;
	s1 =	sadd.s32 s1, s30  }
0xd1: {  	s0 =	sor.u32 s3, s0;
	s1 =	sshll.u32 s1, $0x11  }
0xd2: {  	s0 =	sor.u32 s1, s0  }
0xd3: {  	s0 =	sadd.s32 $0x8F2B, s0  }
0xd4: {  	[sflag:s0] =	ssyncadd.remote.s32 $0x1  }
0xd5: {  	_ =	sfence.sel $0xFFFF  }
0xd6: {  	[dreg:$0x0] =	wrdreg $0xFFFFFFFF;
	(pc) =	sbr.abs _section_cstart, $3  }
0xd7: {  	[dreg:$0x1] =	wrdreg $0xFFFFFFFF  }
0xd8: {  	_ =	task.clear_ibuf [dreg:s23], $0x2FFFF;
	_ =	strace $0x9FFFFFFF  }
0xd9: {  	(tm) =	ssettm $0x7FFFFFFF  }
tec
execute0_lowered:
.L_overlay_start_1:
0x0: {  	(tag) =	ssettag $0x1  }
0x1: {  	s0 =	srdreg.scid  }
0x2: {  	s10 =	sand.u32 $0x1, s0;
	s0 =	stileid.u32  }
0x3: {  	s5 =	sor.u32 s0, s10  }
0x4: {  	p0 =	sne.s32 s5, $0x0  }
.Ltmp0:
0x5: {  	_ = 	snop;
	(pc) =	sbr.rel @p0 .LBB2_4-.Ltmp0, $4  }
0x6: {  	s2 =	rddreg [dreg:$0x0]  }
0x7: {  	s3 =	rddreg [dreg:$0x1]  }
0x8: {  	s4 =	rddreg [dreg:$0x2]  }
0x9: {  	s1 =	rddreg [dreg:$0x3];
	_ =	strace $0x8000004D  }
0xa: {  	s6 =	simm.s32 $0x0;
	s5 =	simm.s32 $0x2  }
0xb: {  	[tilespmem:s6], [sflag:$0x2] =	stream.linear.gather [hbm4b:s3+s6], $0x80, $0x38;
	[tilespmem:$0x880] =	vst v63  }
0xc: {  	s7 =	simm.s32 $0x10;
	s10 =	ssub.s32 $0x2, s10;
	_ =	swait.ge [sflag:s5], $0x80  }
0xd: {  	s8 =	simm.s32 $0x80;
	s11 =	sshrl.u32 s10, $0x1;
	[sflag:s5] =	ssyncset.done $0x0  }
0xe: {  	s9 =	simm.s32 $0x1;
	s10 =	ssub.s32 s10, s11;
	[sflag:s5] =	ssyncadd.s32 $0xFFFFFF80  }
0xf: {  	[tilespmem:s8], [sflag:$0x1] =	stream.indirect.gather [hbm4b:s2+s7], $0x80, s6, s7, $0xb8;
	[tilespmem:$0x880] =	vst v63  }
0x10: {  	p0 =	sne.s32 s10, $0x1;
	_ =	swait.ge [sflag:s9], $0x800  }
.Ltmp1:
0x11: {  	[sflag:s9] =	ssyncset.done $0x0;
	(pc) =	sbr.rel @!p0 .LBB2_3-.Ltmp1, $4  }
0x12: {  	[sflag:s9] =	ssyncadd.s32 $0xFFFFF800  }
0x13: {  	[hbm4b:s4+s6] =	stream.linear.scatter [tilespmem:s8], [sflag:$0x2], $0x800, $0x38;
	[tilespmem:$0x880] =	vst v63  }
0x14: {  	_ =	swait.ge [sflag:s5], $0x800  }
0x15: {  	s10 =	sadd.s32 $0xFFFFFFFF, s10;
	[sflag:s5] =	ssyncset.done $0x0  }
.LBB2_2:
0x16: {  	p0 =	sne.s32 s10, $0x1;
	s10 =	sadd.s32 $0xFFFFFFFF, s10;
	[sflag:s5] =	ssyncadd.s32 $0xFFFFF800  }
0x17: {  	[tilespmem:s6], [sflag:$0x2] =	stream.linear.gather [hbm4b:s3+s6], $0x80, $0x38;
	[tilespmem:$0x880] =	vst v63  }
0x18: {  	_ =	swait.ge [sflag:s5], $0x80  }
0x19: {  	[sflag:s5] =	ssyncset.done $0x0  }
0x1a: {  	[sflag:s5] =	ssyncadd.s32 $0xFFFFFF80  }
0x1b: {  	[tilespmem:s8], [sflag:$0x1] =	stream.indirect.gather [hbm4b:s2+s7], $0x80, s6, s7, $0xb8;
	[tilespmem:$0x880] =	vst v63  }
0x1c: {  	_ =	swait.ge [sflag:s9], $0x800  }
.Ltmp2:
0x1d: {  	[sflag:s9] =	ssyncset.done $0x0;
	(pc) =	sbr.rel @p0 .LBB2_2-.Ltmp2, $4  }
0x1e: {  	[sflag:s9] =	ssyncadd.s32 $0xFFFFF800  }
0x1f: {  	[hbm4b:s4+s6] =	stream.linear.scatter [tilespmem:s8], [sflag:$0x2], $0x800, $0x38;
	[tilespmem:$0x880] =	vst v63  }
0x20: {  	_ =	swait.ge [sflag:s5], $0x800  }
0x21: {  	[sflag:s5] =	ssyncset.done $0x0  }
.LBB2_3:
0x22: {  	[sflag:s5] =	ssyncadd.s32 $0xFFFFF800  }
.LBB2_4:
0x23: {  	_ =	sfence.sel $0x180000  }
0x24: {  	[bflag:$0x0] =	sbarrier.arrive $0xFFFF  }
0x25: {  	p0 =	sne.s32 s0, $0x0;
	_ =	strace $0x9000004D  }
0x26: {  	s0 =	sadd.s32 @!p0 $0x100000, s1;
	[bflag:$0x2] =	sbarrier.arrive $0xFFFF  }
0x27: {  	[sflag:s0] =	ssyncadd.tile.s32 @!p0 $0x1;
	_ =	shalt  }
.Lfunc_end2:
_tile_overlayer_lowered:
.L_overlay_start_2:
0x28: {  	(tag) =	ssettag $0x2  }
0x29: {  	s0 =	rddreg [dreg:$0x0];
	s2 =	stileid.u32  }
0x2a: {  	s1 =	rddreg [dreg:$0x1];
	p0 =	sne.s32 s2, $0x0  }
0x2b: {  	s3 =	rddreg [dreg:$0x2];
	[bflag:$0x3] =	sbarrier.arrive $0xFFFF;
	s2 =	simm.s32 @!p0 $0x1C02  }
0x2c: {  	[timem:s3], [sflag:s2] =	dma.local @!p0 [hbm:s0], s1  }
0x2d: {  	s0 =	simm.s32 @!p0 $0x2  }
0x2e: {  	_ =	swait.ge @!p0 [sflag:s0], s1  }
0x2f: {  	s1 =	ssub.s32 @!p0 $0x0, s1;
	[sflag:s0] =	ssyncset.done @!p0 $0x0  }
0x30: {  	[sflag:s0] =	ssyncadd.s32 @!p0 s1  }
0x31: {  	[bflag:$0x3] =	sbarrier.arrive $0xFFFF  }
0x32: {  	_ =	shalt  }

// kernel: kernel.9.cloned.1.call-start
scs
__scs_entry_jumppad:
0x0: {  	(pc) =	sbr.rel $0x88, $3  }
0x1: {  	(tag) =	ssettag $0x0;
	lr =	simm.s32 $0x1  }
0x2: {  	[smem:$0x3F92] =	sst lr;
	_ =	strace $0xD0000000  }
0x3: {  	_ = 	snop  }
0x4: {  	_ = 	snop  }
0x5: {  	_ = 	snop  }
0x6: {  	_ = 	snop  }
0x7: {  	_ = 	snop  }
__scs_overlays_trampoline_lowered:
0x8: {  	[smem:$0x3FA1] =	sst s0  }
0x9: {  	[smem:$0x3FA2] =	sst s1  }
0xa: {  	[smem:$0x3FA3] =	sst s2  }
0xb: {  	[smem:$0x3FA4] =	sst s3  }
0xc: {  	[smem:$0x3FA5] =	sst s4  }
0xd: {  	[smem:$0x3FA6] =	sst s5  }
0xe: {  	[smem:$0x3FA7] =	sst s6  }
0xf: {  	[smem:$0x3FA8] =	sst s7  }
0x10: {  	[smem:$0x3FA9] =	sst s8  }
0x11: {  	[smem:$0x3FAA] =	sst s9;
	s0 =	simm.s32 @!p0 $0x0  }
0x12: {  	s1 =	sld [smem:$0x3F90];
	s0 =	simm.s32 @p0 $0x1  }
0x13: {  	[smem:$0x3FAB] =	sst s0;
	s0 =	simm.s32 @!p1 $0x0  }
0x14: {  	s2 =	sld [smem:$0x3F8F];
	s0 =	simm.s32 @p1 $0x1  }
0x15: {  	[smem:$0x3FAC] =	sst s0;
	s0 =	simm.s32 @!p2 $0x0  }
0x16: {  	s3 =	sld [smem:$0x3FDB];
	s0 =	simm.s32 @p2 $0x1  }
0x17: {  	s4 =	simm.s32 $0x1BF5;
	[smem:$0x3FAE] =	sst s0  }
0x18: {  	s0 =	sld [smem:$0x3F91];
	_ =	swait.ge [sflag:s4], $0x0  }
0x19: {  	s7 =	sld [smem:$0x3F92]  }
0x1a: {  	s8 =	sadd.s32 $0xFFFFE003, lr  }
0x1b: {  	s9 =	sadd.s32 $0xFFFFFEF7, lr;
	s5 =	simm.s32 $0xFFFFFFFF;
	p2 =	slt.u32 s8, $0xFFFFF086  }
0x1c: {  	p1 =	slt.u32 s9, $0xF7A;
	s5 =	simm.s32 @!p2 $0x0  }
0x1d: {  	s5 =	simm.s32 @p1 $0x1;
	p0 =	seq.s32 s7, s2  }
0x1e: {  	s7 =	smul.u32 @!p0 $0xF7A, s2;
	p2 =	seq.s32 @!p0 s5, $0x0  }
0x1f: {  	s9 =	smul.u32 $0xF7A, s1;
	s8 =	simm.s32 @!p0 $0x1BF5;
	p2 =	por !p2, p0  }
0x20: {  	[sflag:s8] =	ssyncset.s32 @!p0 $0xFFFFF086;
	s6 =	sadd.s32 @!p0 s3, s7;
	s7 =	simm.s32 @!p0 $0x108  }
0x21: {  	s3 =	sadd.s32 s3, s9;
	s6 =	sadd.s32 @!p0 $0x88, s6;
	s7 =	simm.s32 @p2 $0x1082  }
0x22: {  	[simem:s7], [sflag:s8] =	dma.local @!p0 [hbm:s6], $0xF7A  }
0x23: {  	s9 =	sor.u32 $0xD0000000, s2;
	s6 =	simm.s32 $0x108;
	_ =	swait.ge @!p0 [sflag:s8], $0x0  }
0x24: {  	s3 =	sadd.s32 $0x88, s3;
	s6 =	simm.s32 @!p1 $0x1082;
	[sflag:s4] =	ssyncset.s32 $0xFFFFF086  }
0x25: {  	[simem:s6], [sflag:s4] =	dma.local [hbm:s3], $0xF7A  }
0x26: {  	[smem:$0x3F92] =	sst s1;
	(tag) =	ssettag s2;
	_ =	strace s9  }
0x27: {  	s1 =	sld [smem:$0x3FA2]  }
0x28: {  	s2 =	sld [smem:$0x3FA3]  }
0x29: {  	s4 =	sld [smem:$0x3FA5]  }
0x2a: {  	p0 =	seq.s32 s5, $0x0;
	s5 =	sld [smem:$0x3FA6]  }
0x2b: {  	s6 =	sld [smem:$0x3FA7]  }
0x2c: {  	s7 =	sld [smem:$0x3FA8]  }
0x2d: {  	s3 =	simm.s32 $0x108;
	s8 =	sld [smem:$0x3FA9]  }
0x2e: {  	s3 =	simm.s32 @!p0 $0x1082;
	s9 =	sld [smem:$0x3FAA]  }
0x2f: {  	lr =	sadd.s32 s0, s3;
	s0 =	sld [smem:$0x3FA1]  }
0x30: {  	s3 =	sld [smem:$0x3FA4]  }
0x31: {  	[smem:$0x3FAD] =	sst s10  }
0x32: {  	s10 =	sld [smem:$0x3FAB];
	_ =	sdelay $0x3  }
0x33: {  	p0 =	seq.s32 s10, $0x1;
	s10 =	sld [smem:$0x3FAD];
	_ =	sdelay $0x3  }
0x34: {  	[smem:$0x3FAD] =	sst s10  }
0x35: {  	s10 =	sld [smem:$0x3FAC];
	_ =	sdelay $0x3  }
0x36: {  	p1 =	seq.s32 s10, $0x1;
	s10 =	sld [smem:$0x3FAD];
	_ =	sdelay $0x3  }
0x37: {  	[smem:$0x3FAD] =	sst s10  }
0x38: {  	s10 =	sld [smem:$0x3FAE]  }
0x39: {  	_ = 	snop;
	(pc) =	sbr.ind lr, $3  }
0x3a: {  	_ = 	snop  }
0x3b: {  	_ = 	snop  }
0x3c: {  	p2 =	seq.s32 s10, $0x1;
	s10 =	sld [smem:$0x3FAD]  }
0x3d: {  	_ =	shalt  }
0x3e: {  	_ =	shalt  }
0x3f: {  	_ =	shalt  }
0x40: {  	_ =	shalt  }
0x41: {  	_ =	shalt  }
0x42: {  	_ =	shalt  }
0x43: {  	_ =	shalt  }
0x44: {  	_ =	shalt  }
0x45: {  	_ =	shalt  }
0x46: {  	_ =	shalt  }
0x47: {  	_ =	shalt  }
0x48: {  	_ =	shalt  }
0x49: {  	_ =	shalt  }
0x4a: {  	_ =	shalt  }
0x4b: {  	_ =	shalt  }
0x4c: {  	_ =	shalt  }
0x4d: {  	_ =	shalt  }
0x4e: {  	_ =	shalt  }
0x4f: {  	_ =	shalt  }
0x50: {  	_ =	shalt  }
0x51: {  	_ =	shalt  }
0x52: {  	_ =	shalt  }
0x53: {  	_ =	shalt  }
0x54: {  	_ =	shalt  }
0x55: {  	_ =	shalt  }
0x56: {  	_ =	shalt  }
0x57: {  	_ =	shalt  }
0x58: {  	_ =	shalt  }
0x59: {  	_ =	shalt  }
0x5a: {  	_ =	shalt  }
0x5b: {  	_ =	shalt  }
0x5c: {  	_ =	shalt  }
0x5d: {  	_ =	shalt  }
0x5e: {  	_ =	shalt  }
0x5f: {  	_ =	shalt  }
0x60: {  	_ =	shalt  }
0x61: {  	_ =	shalt  }
0x62: {  	_ =	shalt  }
0x63: {  	_ =	shalt  }
0x64: {  	_ =	shalt  }
0x65: {  	_ =	shalt  }
0x66: {  	_ =	shalt  }
0x67: {  	_ =	shalt  }
0x68: {  	_ =	shalt  }
0x69: {  	_ =	shalt  }
0x6a: {  	_ =	shalt  }
0x6b: {  	_ =	shalt  }
0x6c: {  	_ =	shalt  }
0x6d: {  	_ =	shalt  }
0x6e: {  	_ =	shalt  }
0x6f: {  	_ =	shalt  }
0x70: {  	_ =	shalt  }
0x71: {  	_ =	shalt  }
0x72: {  	_ =	shalt  }
0x73: {  	_ =	shalt  }
0x74: {  	_ =	shalt  }
0x75: {  	_ =	shalt  }
0x76: {  	_ =	shalt  }
0x77: {  	_ =	shalt  }
0x78: {  	_ =	shalt  }
0x79: {  	_ =	shalt  }
0x7a: {  	_ =	shalt  }
0x7b: {  	_ =	shalt  }
0x7c: {  	_ =	shalt  }
0x7d: {  	_ =	shalt  }
0x7e: {  	_ =	shalt  }
0x7f: {  	_ =	shalt  }
0x80: {  	_ =	shalt  }
0x81: {  	_ =	shalt  }
0x82: {  	_ =	shalt  }
0x83: {  	_ =	shalt  }
0x84: {  	_ =	shalt  }
0x85: {  	_ =	shalt  }
0x86: {  	_ =	shalt  }
0x87: {  	_ =	shalt  }
.Lfunc_end0:
.L_simem_size_0:
called_computation_lowered:
.L_overlay_start_0:
0x88: {  	s2 =	sld [smem:$0x3FD9]  }
0x89: {  	s3 =	sld [smem:$0x3FFE];
	_ =	sdelay $0x1  }
0x8a: {  	s1 =	srdreg.scid  }
0x8b: {  	s0 =	sand.u32 $0x1, s1  }
0x8c: {  	s14 =	sshll.u32 s0, $0xA;
	s2 =	sadd.s32 s3, s2  }
0x8d: {  	s2 =	sadd.s32 s2, s14  }
0x8e: {  	[smem:$0x3FB9] =	sst s2  }
0x8f: {  	_ = 	snop  }
0x90: {  	s2 =	sld [smem:$0x3FD0];
	_ =	sdelay $0x2  }
0x91: {  	s15 =	simm.s32 $0xB;
	s4 =	simm.s32 $0x10  }
0x92: {  	[smem:s4], [sflag:s15] =	dma.local [hbm:s2], $0x1  }
0x93: {  	_ =	swait.eq [sflag:s15], $0x1  }
0x94: {  	[sflag:s15] =	ssyncset.done $0x0  }
0x95: {  	[sflag:s15] =	ssyncadd.s32 $0xFFFFFFFF  }
0x96: {  	s16 =	sld [smem:$0x10];
	(tm) =	ssettm $0x1  }
0x97: {  	s17 =	sld [smem:$0x3FFB];
	_ =	sdelay $0x3  }
0x98: {  	_ =	strace s17  }
0x99: {  	s3 =	sld [smem:$0x3FFC];
	_ =	sdelay $0x3  }
0x9a: {  	_ =	strace s3  }
0x9b: {  	s3 =	sld [smem:$0x3FFD];
	_ =	sdelay $0x3  }
0x9c: {  	_ =	strace s3  }
0x9d: {  	_ =	strace $0x8FFFFFFF  }
0x9e: {  	s18 =	sld [smem:$0x3FDB];
	_ =	sdelay $0x1  }
0x9f: {  	s19 =	simm.s32 $_scs_section_size  }
0xa0: {  	s5 =	simm.s32 $_size__tile_overlayer_lowered;
	s6 =	simm.s32 $_tile_overlayer_lowered  }
0xa1: {  	s22 =	simm.s32 $0x1BFF;
	s21 =	sshll.u32 s6, $0x1;
	s3 =	sadd.s32 s19, s18  }
0xa2: {  	s7 =	simm.s32 $0x0;
	s20 =	sshll.u32 s5, $0x1;
	s5 =	sadd.s32 s21, s3  }
0xa3: {  	[timem:s7], [sflag:s22] =	dma.local [hbm:s5], s20  }
0xa4: {  	_ =	swait.ge [sflag:s22], s20  }
0xa5: {  	s4 =	ssub.s32 $0x0, s20;
	[sflag:s22] =	ssyncset.done $0x0  }
0xa6: {  	[sflag:s22] =	ssyncadd.s32 s4;
	_ =	sdelay $0x1  }
0xa7: {  	s23 =	simm.s32 $0x1B8B  }
0xa8: {  	_ =	swait.ge [sflag:s23], $0x1  }
0xa9: {  	[sflag:s23] =	ssyncset.done $0x0  }
0xaa: {  	s25 =	simm.s32 $0x1B8E;
	s24 =	sld [smem:$0x3FFE];
	[sflag:s23] =	ssyncadd.s32 $0xFFFFFFFF  }
0xab: {  	s26 =	simm.s32 $execute0_lowered;
	[smem:$0x3FD2] =	sst s25  }
0xac: {  	s5 =	sshll.u32 s26, $0x1;
	_ =	strace $0x80000046;
	[dreg:$0x1] =	wrdreg $0xFFFFFFFF  }
0xad: {  	s28 =	simm.s32 $_size_execute0_lowered;
	s3 =	sadd.s32 s3, s5;
	[dreg:$0x0] =	wrdreg $0x0  }
0xae: {  	s5 =	sshll.u32 s28, $0x1;
	[dreg:$0x2] =	wrdreg s3  }
0xaf: {  	[dreg:$0x3] =	wrdreg s5  }
0xb0: {  	[dreg:$0x4] =	wrdreg $0xC0  }
0xb1: {  	_ =	task [dreg:s7], $0x5FFFF  }
0xb2: {  	[dreg:$0x1] =	wrdreg $0xFFFFFFFF  }
0xb3: {  	[dreg:$0x0] =	wrdreg $0x60  }
0xb4: {  	[dreg:$0x2] =	wrdreg s24  }
0xb5: {  	[dreg:$0x3] =	wrdreg s16  }
0xb6: {  	[dreg:$0x4] =	wrdreg $0x8D000  }
0xb7: {  	[dreg:$0x5] =	wrdreg $0x9  }
0xb8: {  	_ =	task.clear_ibuf [dreg:s7], $0x6FFFF;
	_ =	strace $0x90000046  }
0xb9: {  	s29 =	simm.s32 $0x9;
	_ =	strace $0x80000048  }
0xba: {  	_ =	swait.ge [sflag:s29], $0x1  }
0xbb: {  	[sflag:s29] =	ssyncadd.s32 $0xFFFFFFFF  }
0xbc: {  	_ =	strace $0x90000048  }
0xbd: {  	_ =	sfence  }
0xbe: {  	s30 =	sld [smem:$0x0];
	_ =	sdelay $0x2  }
0xbf: {  	s31 =	sshll.u32 s1, $0xD;
	s1 =	sshrl.u32 s1, $0x2  }
0xc0: {  	s3 =	sand.u32 $0x4000, s31;
	s1 =	sadd.s32 s1, s30  }
0xc1: {  	s0 =	sor.u32 s3, s0;
	s1 =	sshll.u32 s1, $0x11  }
0xc2: {  	s0 =	sor.u32 s1, s0  }
0xc3: {  	s0 =	sadd.s32 $0x8F2B, s0  }
0xc4: {  	[sflag:s0] =	ssyncadd.remote.s32 $0x1  }
0xc5: {  	_ =	sfence.sel $0xFFFF  }
0xc6: {  	[dreg:$0x0] =	wrdreg $0xFFFFFFFF;
	(pc) =	sbr.abs _section_cstart, $3  }
0xc7: {  	[dreg:$0x1] =	wrdreg $0xFFFFFFFF  }
0xc8: {  	_ =	task.clear_ibuf [dreg:s7], $0x2FFFF;
	_ =	strace $0x9FFFFFFF  }
0xc9: {  	(tm) =	ssettm $0x7FFFFFFF  }
tec
execute0_lowered:
.L_overlay_start_1:
0x0: {  	(tag) =	ssettag $0x1  }
0x1: {  	s6 =	rddreg [dreg:$0x0]  }
0x2: {  	s2 =	rddreg [dreg:$0x1]  }
0x3: {  	s3 =	rddreg [dreg:$0x2]  }
0x4: {  	s0 =	rddreg [dreg:$0x3];
	s1 =	stileid.u32  }
0x5: {  	s7 =	srdreg.scid;
	s4 =	simm.s32 $0x0;
	s19 =	simm.s32 $0x100  }
0x6: {  	s20 =	simm.s32 $0x3;
	s21 =	simm.s32 $0x2900;
	s22 =	simm.s32 $0x50  }
0x7: {  	s23 =	simm.s32 $0x80;
	s25 =	simm.s32 $0x2;
	s5 =	smul.u32 $0x7D0, s1  }
0x8: {  	s26 =	simm.s32 $0x0;
	s7 =	sand.u32 $0x1, s7;
	s8 =	smul.u32 $0x3E8, s1  }
0x9: {  	[smem:$0x7FF] =	sst s4;
	s9 =	smul.u32 $0x7D000, s1;
	p0 =	sgt.u32 s1, $0x7  }
0xa: {  	s24 =	smul.u32 $0x1F40, s7;
	_ =	strace $0x80000047;
	s7 =	ssub.s32 $0x2, s7  }
0xb: {  	p1 =	sne.s32 @p0 s1, $0x8;
	s18 =	sadd.s32 s5, s6;
	s5 =	sadd.s32 $0x13200, s6  }
0xc: {  	s10 =	sshrl.u32 s7, $0x1;
	s31 =	sshrl.u32 s9, $0x2;
	p1 =	por p1, !p0  }
0xd: {  	s8 =	sadd.s32 s24, s8;
	s7 =	ssub.s32 s7, s10;
	s18 =	sadd.s32 $0xB400, s18  }
0xe: {  	v0 =	vmov s24;
	s24 =	simm.s32 $0x1;
	s8 =	sshll.u32 s8, $0x4;
	s7 =	smax.u32 s7, $0x1  }
0xf: {  	s17 =	sadd.s32 s8, s6;
	s6 =	sadd.s32 $0xFA000, s3;
	s8 =	sadd.s32 s31, s3  }
0x10: {  	s9 =	sadd.s32 $0x6400, s8;
	s10 =	sadd.s32 $0xC800, s8;
	s11 =	sadd.s32 $0x12C00, s8  }
0x11: {  	s12 =	sadd.s32 $0x19000, s8;
	s13 =	sadd.s32 $0x14000, s17;
	s14 =	sadd.s32 $0x14C80, s17  }
0x12: {  	s15 =	sadd.s32 $0x15900, s17;
	s16 =	sadd.s32 $0x16580, s17;
	s17 =	sadd.s32 $0x17200, s17  }
.LBB2_1:
0x13: {  	[tilespmem:s19], [sflag:$0x3] =	stream.linear.gather [hbm4b:s2+s4], $0x2800, $0x38;
	[tilespmem:$0x18740] =	vst v63  }
0x14: {  	_ =	swait.ge [sflag:s20], $0x2800  }
0x15: {  	[sflag:s20] =	ssyncset.done $0x0  }
0x16: {  	[sflag:s20] =	ssyncadd.s32 $0xFFFFD800  }
0x17: {  	[tilespmem:s21], [sflag:$0x3] =	stream.linear.gather [hbm4b:s5+s4], $0x6400, $0x38;
	[tilespmem:$0x18740] =	vst v63  }
0x18: {  	_ =	swait.ge [sflag:s20], $0x6400  }
0x19: {  	[sflag:s20] =	ssyncset.done $0x0  }
0x1a: {  	s28 =	simm.s32 @!p1 $0x2900;
	[sflag:s20] =	ssyncadd.s32 $0xFFFF9C00  }
0x1b: {  	[spmem:s6] =	stream.linear.scatter @!p1 [tilespmem:s28], [sflag:$0x3], $0x400, $0x38;
	[tilespmem:$0x18740] =	vst v63  }
0x1c: {  	s28 =	simm.s32 @!p1 $0x3  }
0x1d: {  	_ =	swait.ge @!p1 [sflag:s28], $0x400  }
0x1e: {  	[sflag:s28] =	ssyncset.done @!p1 $0x0  }
0x1f: {  	s29 =	simm.s32 @!p0 $0x3;
	[sflag:s28] =	ssyncadd.s32 @!p1 $0xFFFFFC00;
	s28 =	simm.s32 @!p0 $0x2900  }
0x20: {  	[spmem:s8] =	stream.linear.scatter @!p0 [tilespmem:s28], [sflag:$0x3], $0x6400, $0x38;
	[tilespmem:$0x18740] =	vst v63  }
0x21: {  	_ =	swait.ge @!p0 [sflag:s29], $0x6400  }
0x22: {  	[sflag:s29] =	ssyncset.done @!p0 $0x0  }
0x23: {  	[sflag:s29] =	ssyncadd.s32 @!p0 $0xFFFF9C00  }
0x24: {  	[spmem:s9] =	stream.linear.scatter @!p0 [tilespmem:s28], [sflag:$0x3], $0x6400, $0x38;
	[tilespmem:$0x18740] =	vst v63  }
0x25: {  	_ =	swait.ge @!p0 [sflag:s29], $0x6400  }
0x26: {  	[sflag:s29] =	ssyncset.done @!p0 $0x0  }
0x27: {  	[sflag:s29] =	ssyncadd.s32 @!p0 $0xFFFF9C00  }
0x28: {  	[spmem:s10] =	stream.linear.scatter @!p0 [tilespmem:s28], [sflag:$0x3], $0x6400, $0x38;
	[tilespmem:$0x18740] =	vst v63  }
0x29: {  	_ =	swait.ge @!p0 [sflag:s29], $0x6400  }
0x2a: {  	[sflag:s29] =	ssyncset.done @!p0 $0x0  }
0x2b: {  	[sflag:s29] =	ssyncadd.s32 @!p0 $0xFFFF9C00  }
0x2c: {  	[spmem:s11] =	stream.linear.scatter @!p0 [tilespmem:s28], [sflag:$0x3], $0x6400, $0x38;
	[tilespmem:$0x18740] =	vst v63  }
0x2d: {  	_ =	swait.ge @!p0 [sflag:s29], $0x6400  }
0x2e: {  	[sflag:s29] =	ssyncset.done @!p0 $0x0  }
0x2f: {  	[sflag:s29] =	ssyncadd.s32 @!p0 $0xFFFF9C00  }
0x30: {  	[spmem:s12] =	stream.linear.scatter @!p0 [tilespmem:s28], [sflag:$0x3], $0x6400, $0x38;
	[tilespmem:$0x18740] =	vst v63  }
0x31: {  	_ =	swait.ge @!p0 [sflag:s29], $0x6400  }
0x32: {  	[sflag:s29] =	ssyncset.done @!p0 $0x0  }
0x33: {  	p2 =	por $0x1, $0x1;
	[sflag:s29] =	ssyncadd.s32 @!p0 $0xFFFF9C00  }
0x34: {  	s28 =	simm.s32 @!p2 $0x1;
	[bflag:$0x0] =	sbarrier.arrive $0xFFFF  }
0x35: {  	_ =	swait.ge @!p2 [sflag:s28], $0x2800  }
0x36: {  	[sflag:s28] =	ssyncset.done @!p2 $0x0  }
0x37: {  	s29 =	sadd.s32 $0x0, s18;
	[sflag:s28] =	ssyncadd.s32 @!p2 $0xFFFFD800  }
0x38: {  	[tilespmem:s4], [sflag:$0x3] =	stream.linear.gather [hbm4b:s29+s4], $0x50, $0x38;
	[tilespmem:$0x18740] =	vst v63  }
0x39: {  	_ =	swait.ge [sflag:s20], $0x50  }
0x3a: {  	[sflag:s20] =	ssyncset.done $0x0  }
0x3b: {  	[sflag:s20] =	ssyncadd.s32 $0xFFFFFFB0  }
0x3c: {  	v2 =	vld [tilespmem:$0x0]  }
0x3d: {  	v5 =	vld [tilespmem:$0x40]  }
0x3e: {  	v9 =	vld [tilespmem:$0x20]  }
0x3f: {  	v3 =	vld [tilespmem:$0x10];
	_ =	sdelay $0x2  }
0x40: {  	v1 =	vsub.s32 v2, v0;
	v2 =	vand.u32 $0x7, v2  }
0x41: {  	v6 =	vsub.s32 v5, v0;
	v7 =	vand.u32 $0x7, v5;
	v4 =	vor.u32 $0x1F40, v2;
	v2 =	vld [tilespmem:$0x30]  }
0x42: {  	v8 =	vsub.s32 v9, v0;
	v9 =	vand.u32 $0x7, v9;
	v5 =	vsub.s32 v3, v0  }
0x43: {  	s28 =	simm.s32 $0x14;
	vm0 =	vlt.u32 v1, $0x1F40;
	vm1 =	vlt.u32 v8, $0x1F40;
	v9 =	vor.u32 $0x1F40, v9  }
.LBB2_2:
0x44: {  	v8 =	vsel vm1, v8, v9;
	vm1 =	vlt.u32 v6, $0x1F40;
	v7 =	vor.u32 $0x1F40, v7;
	s30 =	smov.u32 s28;
	s28 =	sadd.s32 $0x14, s28  }
0x45: {  	vm2 =	vlt.u32 v5, $0x1F40;
	v3 =	vand.u32 $0x7, v3;
	p3 =	sne.s32 s28, $0x7D0;
	[tilespmem:$0x20] =	vst v8;
	v6 =	vsel vm1, v6, v7  }
0x46: {  	v1 =	vsel vm0, v1, v4;
	v3 =	vor.u32 $0x1F40, v3;
	v4 =	vand.u32 $0x7, v2;
	[tilespmem:$0x40] =	vst v6  }
0x47: {  	v2 =	vsub.s32 v2, v0;
	[tilespmem:$0x0] =	vst v1;
	v1 =	vsel vm2, v5, v3;
	v3 =	vor.u32 $0x1F40, v4  }
0x48: {  	vm0 =	vlt.u32 v2, $0x1F40;
	[tilespmem:$0x10] =	vst v1  }
0x49: {  	v1 =	vsel vm0, v2, v3  }
0x4a: {  	s31 =	simm.s32 @!p2 $0x2;
	[tilespmem:$0x30] =	vst v1  }
0x4b: {  	[spmem:s3] =	stream.indirect.scatter.add.f32 [tilespmem:s19], [sflag:$0x1], $0x80, s4, s22, $0xb8;
	[tilespmem:$0x18740] =	vst v63  }
0x4c: {  	_ =	swait.ge @!p2 [sflag:s31], $0x2800  }
0x4d: {  	[sflag:s31] =	ssyncset.done @!p2 $0x0  }
0x4e: {  	s29 =	sadd.s32 $0xA, s29;
	[sflag:s31] =	ssyncadd.s32 @!p2 $0xFFFFD800  }
0x4f: {  	[tilespmem:s23], [sflag:$0x3] =	stream.linear.gather [hbm4b:s29+s4], $0x50, $0x38;
	[tilespmem:$0x18740] =	vst v63  }
0x50: {  	_ =	swait.ge [sflag:s20], $0x50  }
0x51: {  	p2 =	seq.s32 s30, $0x0;
	[sflag:s20] =	ssyncset.done $0x0  }
0x52: {  	s29 =	simm.s32 @!p2 $0x1;
	[sflag:s20] =	ssyncadd.s32 $0xFFFFFFB0  }
0x53: {  	v1 =	vld [tilespmem:$0x80]  }
0x54: {  	v2 =	vld [tilespmem:$0x90]  }
0x55: {  	v3 =	vld [tilespmem:$0xA0]  }
0x56: {  	v4 =	vld [tilespmem:$0xC0];
	_ =	sdelay $0x1  }
0x57: {  	v5 =	vsub.s32 v1, v0;
	v1 =	vand.u32 $0x7, v1  }
0x58: {  	vm0 =	vlt.u32 v5, $0x1F40;
	v6 =	vsub.s32 v2, v0;
	v2 =	vand.u32 $0x7, v2  }
0x59: {  	vm1 =	vlt.u32 v6, $0x1F40;
	v2 =	vor.u32 $0x1F40, v2;
	v7 =	vsub.s32 v3, v0;
	v8 =	vld [tilespmem:$0xB0]  }
0x5a: {  	v2 =	vsel vm1, v6, v2;
	vm1 =	vlt.u32 v7, $0x1F40;
	v6 =	vand.u32 $0x7, v4  }
0x5b: {  	v1 =	vor.u32 $0x1F40, v1;
	[tilespmem:$0x90] =	vst v2;
	v2 =	vsub.s32 v4, v0;
	v4 =	vor.u32 $0x1F40, v6  }
0x5c: {  	v1 =	vsel vm0, v5, v1;
	v3 =	vand.u32 $0x7, v3;
	vm0 =	vlt.u32 v2, $0x1F40  }
0x5d: {  	[tilespmem:$0x80] =	vst v1;
	v1 =	vor.u32 $0x1F40, v3;
	v2 =	vsel vm0, v2, v4  }
0x5e: {  	v1 =	vsel vm1, v7, v1;
	v3 =	vsub.s32 v8, v0;
	v4 =	vand.u32 $0x7, v8;
	[tilespmem:$0xC0] =	vst v2  }
0x5f: {  	[tilespmem:$0xA0] =	vst v1;
	vm0 =	vlt.u32 v3, $0x1F40;
	v1 =	vor.u32 $0x1F40, v4  }
0x60: {  	v1 =	vsel vm0, v3, v1  }
0x61: {  	[tilespmem:$0xB0] =	vst v1  }
0x62: {  	[spmem:s3] =	stream.indirect.scatter.add.f32 [tilespmem:s19], [sflag:$0x2], $0x80, s23, s22, $0xb8;
	[tilespmem:$0x18740] =	vst v63  }
0x63: {  	_ =	swait.ge @!p2 [sflag:s29], $0x2800  }
0x64: {  	[sflag:s29] =	ssyncset.done @!p2 $0x0  }
0x65: {  	[sflag:s29] =	ssyncadd.s32 @!p2 $0xFFFFD800;
	s29 =	sadd.s32 s30, s18  }
0x66: {  	[tilespmem:s4], [sflag:$0x3] =	stream.linear.gather [hbm4b:s29+s4], $0x50, $0x38;
	[tilespmem:$0x18740] =	vst v63  }
0x67: {  	_ =	swait.ge [sflag:s20], $0x50  }
0x68: {  	[sflag:s20] =	ssyncset.done $0x0  }
0x69: {  	[sflag:s20] =	ssyncadd.s32 $0xFFFFFFB0  }
0x6a: {  	v2 =	vld [tilespmem:$0x0]  }
0x6b: {  	v5 =	vld [tilespmem:$0x40]  }
0x6c: {  	v9 =	vld [tilespmem:$0x20]  }
0x6d: {  	v3 =	vld [tilespmem:$0x10]  }
.Ltmp0:
0x6e: {  	(pc) =	sbr.rel @p3 .LBB2_2-.Ltmp0, $4  }
0x6f: {  	v1 =	vsub.s32 v2, v0;
	v4 =	vand.u32 $0x7, v2;
	v2 =	vld [tilespmem:$0x30]  }
0x70: {  	v4 =	vor.u32 $0x1F40, v4;
	v6 =	vsub.s32 v5, v0;
	v7 =	vand.u32 $0x7, v5  }
0x71: {  	vm0 =	vlt.u32 v1, $0x1F40;
	v8 =	vsub.s32 v9, v0;
	v9 =	vand.u32 $0x7, v9  }
0x72: {  	v5 =	vsub.s32 v3, v0;
	vm1 =	vlt.u32 v8, $0x1F40;
	v9 =	vor.u32 $0x1F40, v9  }
0x73: {  	v8 =	vsel vm1, v8, v9  }
0x74: {  	vm9 =	vlt.u32 v6, $0x1F40;
	v7 =	vor.u32 $0x1F40, v7;
	vm2 =	vlt.u32 v5, $0x1F40  }
0x75: {  	v3 =	vand.u32 $0x7, v3;
	v1 =	vsel vm0, v1, v4;
	[tilespmem:$0x20] =	vst v8;
	v6 =	vsel vm9, v6, v7  }
0x76: {  	v3 =	vor.u32 $0x1F40, v3;
	v56 =	vand.u32 $0x7, v2;
	v2 =	vsub.s32 v2, v0;
	[tilespmem:$0x0] =	vst v1  }
0x77: {  	[tilespmem:$0x40] =	vst v6;
	v1 =	vsel vm2, v5, v3;
	v3 =	vor.u32 $0x1F40, v56;
	vm10 =	vlt.u32 v2, $0x1F40  }
0x78: {  	[tilespmem:$0x10] =	vst v1;
	v1 =	vsel vm10, v2, v3  }
0x79: {  	s28 =	simm.s32 @!p2 $0x2;
	[tilespmem:$0x30] =	vst v1  }
0x7a: {  	[spmem:s3] =	stream.indirect.scatter.add.f32 [tilespmem:s19], [sflag:$0x1], $0x80, s4, s22, $0xb8;
	[tilespmem:$0x18740] =	vst v63  }
0x7b: {  	_ =	swait.ge @!p2 [sflag:s28], $0x2800  }
0x7c: {  	[sflag:s28] =	ssyncset.done @!p2 $0x0  }
0x7d: {  	s31 =	sadd.s32 $0xA, s29;
	[sflag:s28] =	ssyncadd.s32 @!p2 $0xFFFFD800  }
0x7e: {  	[tilespmem:s23], [sflag:$0x3] =	stream.linear.gather [hbm4b:s31+s4], $0x50, $0x38;
	[tilespmem:$0x18740] =	vst v63  }
0x7f: {  	_ =	swait.ge [sflag:s20], $0x50  }
0x80: {  	[sflag:s20] =	ssyncset.done $0x0  }
0x81: {  	[sflag:s20] =	ssyncadd.s32 $0xFFFFFFB0  }
0x82: {  	v1 =	vld [tilespmem:$0x80]  }
0x83: {  	v2 =	vld [tilespmem:$0x90]  }
0x84: {  	v3 =	vld [tilespmem:$0xA0]  }
0x85: {  	v57 =	vld [tilespmem:$0xC0]  }
0x86: {  	v60 =	vld [tilespmem:$0xB0];
	_ =	sdelay $0x2  }
0x87: {  	v58 =	vsub.s32 v1, v0;
	v59 =	vsub.s32 v2, v0;
	v2 =	vand.u32 $0x7, v2  }
0x88: {  	v1 =	vand.u32 $0x7, v1;
	v61 =	vsub.s32 v3, v0;
	v62 =	vand.u32 $0x7, v57  }
0x89: {  	v4 =	vsub.s32 v57, v0;
	v3 =	vand.u32 $0x7, v3;
	v63 =	vand.u32 $0x7, v60  }
0x8a: {  	vm11 =	vlt.u32 v59, $0x1F40;
	v2 =	vor.u32 $0x1F40, v2;
	vm12 =	vlt.u32 v58, $0x1F40  }
0x8b: {  	vm13 =	vlt.u32 v61, $0x1F40;
	v1 =	vor.u32 $0x1F40, v1;
	v2 =	vsel vm11, v59, v2  }
0x8c: {  	v6 =	vor.u32 $0x1F40, v62;
	vm14 =	vlt.u32 v4, $0x1F40;
	v1 =	vsel vm12, v58, v1;
	[tilespmem:$0x90] =	vst v2  }
0x8d: {  	v2 =	vor.u32 $0x1F40, v3;
	[tilespmem:$0x80] =	vst v1;
	v1 =	vsel vm14, v4, v6;
	v3 =	vsub.s32 v60, v0  }
0x8e: {  	v2 =	vsel vm13, v61, v2;
	[tilespmem:$0xC0] =	vst v1;
	vm15 =	vlt.u32 v3, $0x1F40;
	v1 =	vor.u32 $0x1F40, v63  }
0x8f: {  	[tilespmem:$0xA0] =	vst v2;
	v1 =	vsel vm15, v3, v1  }
0x90: {  	[tilespmem:$0xB0] =	vst v1  }
0x91: {  	[spmem:s3] =	stream.indirect.scatter.add.f32 [tilespmem:s19], [sflag:$0x2], $0x80, s23, s22, $0xb8;
	[tilespmem:$0x18740] =	vst v63  }
0x92: {  	_ =	swait.ge [sflag:s24], $0x2800  }
0x93: {  	[sflag:s24] =	ssyncset.done $0x0  }
0x94: {  	[sflag:s24] =	ssyncadd.s32 $0xFFFFD800  }
0x95: {  	_ =	swait.ge [sflag:s25], $0x2800  }
0x96: {  	[sflag:s25] =	ssyncset.done $0x0  }
0x97: {  	[sflag:s25] =	ssyncadd.s32 $0xFFFFD800  }
0x98: {  	s29 =	simm.s32 @!p0 $0x3;
	s28 =	simm.s32 @!p0 $0x2900;
	[bflag:$0x0] =	sbarrier.arrive $0xFFFF  }
0x99: {  	[tilespmem:s28], [sflag:$0x3] =	stream.linear.gather @!p0 [spmem:s8], $0x6400, $0x38;
	[tilespmem:$0x18740] =	vst v63  }
0x9a: {  	_ =	swait.ge @!p0 [sflag:s29], $0x6400  }
0x9b: {  	[sflag:s29] =	ssyncset.done @!p0 $0x0  }
0x9c: {  	s30 =	simm.s32 @!p0 $0x0;
	[sflag:s29] =	ssyncadd.s32 @!p0 $0xFFFF9C00  }
0x9d: {  	[hbm4b:s13+s30] =	stream.linear.scatter @!p0 [tilespmem:s28], [sflag:$0x3], $0x6400, $0x38;
	[tilespmem:$0x18740] =	vst v63  }
0x9e: {  	_ =	swait.ge @!p0 [sflag:s29], $0x6400  }
0x9f: {  	[sflag:s29] =	ssyncset.done @!p0 $0x0  }
0xa0: {  	[sflag:s29] =	ssyncadd.s32 @!p0 $0xFFFF9C00  }
0xa1: {  	[tilespmem:s28], [sflag:$0x3] =	stream.linear.gather @!p0 [spmem:s9], $0x6400, $0x38;
	[tilespmem:$0x18740] =	vst v63  }
0xa2: {  	_ =	swait.ge @!p0 [sflag:s29], $0x6400  }
0xa3: {  	[sflag:s29] =	ssyncset.done @!p0 $0x0  }
0xa4: {  	[sflag:s29] =	ssyncadd.s32 @!p0 $0xFFFF9C00  }
0xa5: {  	[hbm4b:s14+s30] =	stream.linear.scatter @!p0 [tilespmem:s28], [sflag:$0x3], $0x6400, $0x38;
	[tilespmem:$0x18740] =	vst v63  }
0xa6: {  	_ =	swait.ge @!p0 [sflag:s29], $0x6400  }
0xa7: {  	[sflag:s29] =	ssyncset.done @!p0 $0x0  }
0xa8: {  	[sflag:s29] =	ssyncadd.s32 @!p0 $0xFFFF9C00  }
0xa9: {  	[tilespmem:s28], [sflag:$0x3] =	stream.linear.gather @!p0 [spmem:s10], $0x6400, $0x38;
	[tilespmem:$0x18740] =	vst v63  }
0xaa: {  	_ =	swait.ge @!p0 [sflag:s29], $0x6400  }
0xab: {  	[sflag:s29] =	ssyncset.done @!p0 $0x0  }
0xac: {  	[sflag:s29] =	ssyncadd.s32 @!p0 $0xFFFF9C00  }
0xad: {  	[hbm4b:s15+s30] =	stream.linear.scatter @!p0 [tilespmem:s28], [sflag:$0x3], $0x6400, $0x38;
	[tilespmem:$0x18740] =	vst v63  }
0xae: {  	_ =	swait.ge @!p0 [sflag:s29], $0x6400  }
0xaf: {  	[sflag:s29] =	ssyncset.done @!p0 $0x0  }
0xb0: {  	[sflag:s29] =	ssyncadd.s32 @!p0 $0xFFFF9C00  }
0xb1: {  	[tilespmem:s28], [sflag:$0x3] =	stream.linear.gather @!p0 [spmem:s11], $0x6400, $0x38;
	[tilespmem:$0x18740] =	vst v63  }
0xb2: {  	_ =	swait.ge @!p0 [sflag:s29], $0x6400  }
0xb3: {  	[sflag:s29] =	ssyncset.done @!p0 $0x0  }
0xb4: {  	[sflag:s29] =	ssyncadd.s32 @!p0 $0xFFFF9C00  }
0xb5: {  	[hbm4b:s16+s30] =	stream.linear.scatter @!p0 [tilespmem:s28], [sflag:$0x3], $0x6400, $0x38;
	[tilespmem:$0x18740] =	vst v63  }
0xb6: {  	_ =	swait.ge @!p0 [sflag:s29], $0x6400  }
0xb7: {  	[sflag:s29] =	ssyncset.done @!p0 $0x0  }
0xb8: {  	[sflag:s29] =	ssyncadd.s32 @!p0 $0xFFFF9C00  }
0xb9: {  	[tilespmem:s28], [sflag:$0x3] =	stream.linear.gather @!p0 [spmem:s12], $0x6400, $0x38;
	[tilespmem:$0x18740] =	vst v63  }
0xba: {  	s26 =	sadd.s32 $0x1, s26;
	_ =	swait.ge @!p0 [sflag:s29], $0x6400  }
0xbb: {  	p2 =	sne.s32 s26, s7;
	[sflag:s29] =	ssyncset.done @!p0 $0x0  }
.Ltmp1:
0xbc: {  	[sflag:s29] =	ssyncadd.s32 @!p0 $0xFFFF9C00;
	(pc) =	sbr.rel @p2 .LBB2_1-.Ltmp1, $4  }
0xbd: {  	[hbm4b:s17+s30] =	stream.linear.scatter @!p0 [tilespmem:s28], [sflag:$0x3], $0x6400, $0x38;
	[tilespmem:$0x18740] =	vst v63  }
0xbe: {  	_ =	swait.ge @!p0 [sflag:s29], $0x6400  }
0xbf: {  	[sflag:s29] =	ssyncset.done @!p0 $0x0  }
0xc0: {  	[sflag:s29] =	ssyncadd.s32 @!p0 $0xFFFF9C00  }
0xc1: {  	_ =	sfence.sel $0x180000  }
0xc2: {  	[bflag:$0x0] =	sbarrier.arrive $0xFFFF  }
0xc3: {  	p0 =	sne.s32 s1, $0x0;
	_ =	strace $0x90000047  }
0xc4: {  	s0 =	sadd.s32 @!p0 $0x100000, s0;
	[bflag:$0x2] =	sbarrier.arrive $0xFFFF  }
0xc5: {  	[sflag:s0] =	ssyncadd.tile.s32 @!p0 $0x1;
	_ =	shalt  }
.Lfunc_end2:
_tile_overlayer_lowered:
.L_overlay_start_2:
0xc6: {  	(tag) =	ssettag $0x2  }
0xc7: {  	s0 =	rddreg [dreg:$0x0];
	s2 =	stileid.u32  }
0xc8: {  	s1 =	rddreg [dreg:$0x1];
	p0 =	sne.s32 s2, $0x0  }
0xc9: {  	s3 =	rddreg [dreg:$0x2];
	[bflag:$0x3] =	sbarrier.arrive $0xFFFF;
	s2 =	simm.s32 @!p0 $0x1C03  }
0xca: {  	[timem:s3], [sflag:s2] =	dma.local @!p0 [hbm:s0], s1  }
0xcb: {  	s0 =	simm.s32 @!p0 $0x3  }
0xcc: {  	_ =	swait.ge @!p0 [sflag:s0], s1  }
0xcd: {  	s1 =	ssub.s32 @!p0 $0x0, s1;
	[sflag:s0] =	ssyncset.done @!p0 $0x0  }
0xce: {  	[sflag:s0] =	ssyncadd.s32 @!p0 s1  }
0xcf: {  	[bflag:$0x3] =	sbarrier.arrive $0xFFFF  }
0xd0: {  	_ =	shalt  }

</sc_bundles>
